<compile_context>
chip_gen: v7x
topology: tpu7x:2x2x1
jax: 0.10.2.dev20260603
libtpu: 0.0.44.dev20260713+nightly
codegen_flags: <defaults>
</compile_context>

<pallas_src>
import functools

import jax
import jax.numpy as jnp
from jax import lax
from jax.experimental import pallas as pl
from jax.experimental.pallas import tpu as pltpu
from jax.experimental.pallas import tpu_sc as plsc

POS_OFFSET = 2
LANES = 16


@functools.lru_cache(maxsize=None)
def _make_kernel(B, S, V, H, NC, NS):
    NW = NC * NS
    SUBS = B // 2
    SW = S // NW
    C = 8
    NCH = SW // C
    ROWS = 2 * C
    NIDX = NCH * SUBS * ROWS
    total_rows = B * S
    vecs = H // LANES

    mesh = plsc.VectorSubcoreMesh(core_axis_name="c", subcore_axis_name="s")

    @functools.partial(
        pl.kernel,
        mesh=mesh,
        out_type=jax.ShapeDtypeStruct((total_rows, H), jnp.float32),
        scratch_types=[
            pltpu.VMEM((NIDX,), jnp.int32),
            pltpu.VMEM((LANES,), jnp.int32),
            pltpu.VMEM((LANES,), jnp.int32),
            pltpu.VMEM((ROWS, H), jnp.float32),
            pltpu.VMEM((ROWS, H), jnp.float32),
            pltpu.VMEM((C, H), jnp.float32),
            pltpu.VMEM((C, H), jnp.float32),
            pltpu.VMEM((C, H), jnp.float32),
            pltpu.SemaphoreType.DMA,
            pltpu.SemaphoreType.DMA,
            pltpu.SemaphoreType.DMA,
            pltpu.SemaphoreType.DMA,
            pltpu.SemaphoreType.DMA,
            pltpu.SemaphoreType.DMA,
            pltpu.SemaphoreType.DMA,
            pltpu.SemaphoreType.DMA,
        ],
    )
    def emb(ids_hbm, tok_hbm, pos_hbm, out_hbm, idx_v, pidx0, pidx1,
            tok0, tok1, pos0, pos1, stage,
            ta0, ta1, tb0, tb1, ps0, ps1, s0sem, s1sem):
        wid = lax.axis_index("s") * NC + lax.axis_index("c")
        s0 = wid * SW
        pltpu.sync_copy(ids_hbm.at[pl.ds(wid * NIDX, NIDX)], idx_v)

        pidx = (pidx0, pidx1)
        toks = (tok0, tok1)
        poss = (pos0, pos1)
        tsemA = (ta0, ta1)
        tsemB = (tb0, tb1)
        psem = (ps0, ps1)

        def tokA_desc(c, sub):
            off = (c * SUBS + sub) * ROWS
            return pltpu.make_async_copy(
                tok_hbm.at[idx_v.at[pl.ds(off, C)]],
                toks[sub].at[pl.ds(0, C)], tsemA[sub]
            )

        def tokB_desc(c, sub):
            off = (c * SUBS + sub) * ROWS + C
            return pltpu.make_async_copy(
                tok_hbm.at[idx_v.at[pl.ds(off, C)]],
                toks[sub].at[pl.ds(C, C)], tsemB[sub]
            )

        def pos_desc(c, m):
            return pltpu.make_async_copy(
                pos_hbm.at[pidx[m].at[pl.ds(0, C)]], poss[m], psem[m]
            )

        def st0_desc(c, sub):
            row = (2 * sub) * S + s0 + c * C
            return pltpu.make_async_copy(
                toks[sub].at[pl.ds(0, C)], out_hbm.at[pl.ds(row, C)], s0sem
            )

        def st1_desc(c, sub):
            row = (2 * sub + 1) * S + s0 + c * C
            return pltpu.make_async_copy(
                stage, out_hbm.at[pl.ds(row, C)], s1sem
            )

        def issue_tok(c, sub):
            tokA_desc(c, sub).start()
            tokB_desc(c, sub).start()

        def issue_pos(c, m):
            pidx[m][...] = lax.iota(jnp.int32, LANES) + (s0 + POS_OFFSET + c * C)
            pos_desc(c, m).start()

        def process(c, sub, pos_b, first):
            tok_b = toks[sub]
            tokA_desc(c, sub).wait()

            @plsc.parallel_loop(0, vecs)
            def add0(j):
                col = j * LANES
                for hr in range(C):
                    plsc.addupdate(
                        tok_b.at[hr, pl.ds(col, LANES)],
                        pos_b[hr, pl.ds(col, LANES)],
                    )

            st0_desc(c, sub).start()

            if first:
                @pl.when(c >= 1)
                def _drain1():
                    st1_desc(c, sub).wait()
            else:
                st1_desc(c, sub).wait()

            tokB_desc(c, sub).wait()

            @plsc.parallel_loop(0, vecs)
            def add1(j):
                col = j * LANES
                for hr in range(C):
                    stage[hr, pl.ds(col, LANES)] = (
                        tok_b[C + hr, pl.ds(col, LANES)]
                        + pos_b[hr, pl.ds(col, LANES)]
                    )

            st1_desc(c, sub).start()

            st0_desc(c, sub).wait()

        issue_pos(0, 0)
        issue_pos(1, 1)
        issue_tok(0, 0)
        issue_tok(0, 1)

        def body(cc, _):
            for par in range(2):
                c = 2 * cc + par
                pos_b = poss[par]
                pos_desc(c, par).wait()
                if par == 0:
                    issue_pos(c + 1, 1)
                else:
                    @pl.when(cc + 1 < NCH // 2)
                    def _pos_next(c=c):
                        issue_pos(c + 1, 0)

                for sub in range(SUBS):
                    process(c, sub, pos_b, first=(par == 0 and sub == 0))
                    if par == 0:
                        issue_tok(c + 1, sub)
                    else:
                        @pl.when(cc + 1 < NCH // 2)
                        def _tok_next(c=c, sub=sub):
                            issue_tok(c + 1, sub)

            return _

        lax.fori_loop(0, NCH // 2, body, None)
        st1_desc(NCH - 1, SUBS - 1).wait()

    return emb


def kernel(token_ids, token_table, pos_table):
    B, S = token_ids.shape
    V, H = token_table.shape
    info = plsc.get_sparse_core_info()
    NC, NS = info.num_cores, info.num_subcores
    NW = NC * NS
    SW = S // NW
    C = 8
    ids_perm = (
        token_ids.reshape(B // 2, 2, NW, SW // C, C)
        .transpose(2, 3, 0, 1, 4)
        .reshape(B * S)
    )
    emb = _make_kernel(B, S, V, H, NC, NS)
    out = emb(ids_perm, token_table, pos_table)
    return out.reshape(B, S, H)

# --- scband reference (transcript-rebuilt; emitter-appended) ---
"""Pipeline reference for scband-blip2-optembeddings-8993661517961 (READ-ONLY COPY).

The authoritative reference and input builder live on the scoring server;
editing this copy changes nothing except your own understanding.
"""

import jax, jax.numpy as jnp
import numpy as np

VOCAB = 50272
HIDDEN = 2048
MAX_SEQ = 2048
POS_OFFSET = 2
BATCH = 4
SEQ = 2048


def setup_inputs(seed: int = 0) -> dict:
    key = jax.random.key(seed)
    k1, k2, k3 = jax.random.split(key, 3)
    token_ids = jax.random.randint(k1, (BATCH, SEQ), 0, VOCAB, dtype=jnp.int32)
    # learned parameters, truncated-normal-ish init with stddev=0.02
    token_table = jax.random.normal(k2, (VOCAB, HIDDEN), dtype=jnp.float32) * 0.02
    pos_table = jax.random.normal(k3, (MAX_SEQ + 2, HIDDEN), dtype=jnp.float32) * 0.02
    return {"token_ids": token_ids, "token_table": token_table, "pos_table": pos_table}


def reference(token_ids, token_table, pos_table):
    # token embedding lookup (gather)
    token_embeds = jnp.take(token_table, token_ids, axis=0)  # [B, S, H]
    # position ids: offset arange, as in the Keras module when position_ids is None
    seq_len = token_ids.shape[-1]
    position_ids = jnp.arange(POS_OFFSET, POS_OFFSET + seq_len, dtype=jnp.int32)[None, :]  # [1, S]
    pos_embeds = jnp.take(pos_table, position_ids, axis=0)  # [1, S, H]
    return token_embeds + pos_embeds.astype(token_embeds.dtype)

if __name__ == "__main__":
    import jax
    _d = setup_inputs()
    print(jax.jit(kernel)(*tuple(_d.values())))

</pallas_src>

<mosaic_0001>
#map = affine_map<(d0, d1) -> (0)>
#map1 = affine_map<(d0, d1) -> (0, 0)>
module attributes {stable_mosaic.version = 14 : i64} {
  func.func @emb(%arg0: i32, %arg1: i32, %arg2: memref<8192xi32, #tpu.memory_space<hbm>>, %arg3: memref<50272x2048xf32, #tpu.memory_space<hbm>>, %arg4: memref<2050x2048xf32, #tpu.memory_space<hbm>>, %arg5: memref<8192x2048xf32, #tpu.memory_space<hbm>>, %arg6: memref<256xi32, #tpu.memory_space<vmem>>, %arg7: memref<16xi32, #tpu.memory_space<vmem>>, %arg8: memref<16xi32, #tpu.memory_space<vmem>>, %arg9: memref<16x2048xf32, #tpu.memory_space<vmem>>, %arg10: memref<16x2048xf32, #tpu.memory_space<vmem>>, %arg11: memref<8x2048xf32, #tpu.memory_space<vmem>>, %arg12: memref<8x2048xf32, #tpu.memory_space<vmem>>, %arg13: memref<8x2048xf32, #tpu.memory_space<vmem>>, %arg14: memref<!tpu.dma_semaphore, #tpu.memory_space<semaphore_mem>>, %arg15: memref<!tpu.dma_semaphore, #tpu.memory_space<semaphore_mem>>, %arg16: memref<!tpu.dma_semaphore, #tpu.memory_space<semaphore_mem>>, %arg17: memref<!tpu.dma_semaphore, #tpu.memory_space<semaphore_mem>>, %arg18: memref<!tpu.dma_semaphore, #tpu.memory_space<semaphore_mem>>, %arg19: memref<!tpu.dma_semaphore, #tpu.memory_space<semaphore_mem>>, %arg20: memref<!tpu.dma_semaphore, #tpu.memory_space<semaphore_mem>>, %arg21: memref<!tpu.dma_semaphore, #tpu.memory_space<semaphore_mem>>) attributes {dimension_semantics = [#tpu.dimension_semantics<core_parallel>, #tpu.dimension_semantics<subcore_parallel>], iteration_bounds = array<i64: 2, 16>, scalar_prefetch = 0 : i64, scratch_operands = 16 : i64, tpu.core_type = #tpu.core_type<sc_vector_subcore>, window_params = [{transform_indices = #map}, {transform_indices = #map1}, {transform_indices = #map1}, {transform_indices = #map1}]} {
    %mul3A = arith.constant 2 : i32
    %mul3A_0 = arith.muli %arg1, %mul3A : i32
    %add3A = arith.addi %mul3A_0, %arg0 : i32
    %mul3A_1 = arith.constant 64 : i32
    %mul3A_2 = arith.muli %add3A, %mul3A_1 : i32
    %mul3A_3 = arith.constant 256 : i32
    %mul3A_4 = arith.muli %add3A, %mul3A_3 : i32
    "tpu.region"() ({
      %run_scoped3A = tpu.sem_alloc : memref<!tpu.dma_semaphore, #tpu.memory_space<semaphore_mem>>
      %dma_start3A_77 = tpu.memref_slice %arg2[%mul3A_4] : memref<8192xi32, #tpu.memory_space<hbm>> -> memref<256xi32, #tpu.memory_space<hbm>>
      %dma_start3A_78 = tpu.memref_slice %arg2[%mul3A_4] : memref<8192xi32, #tpu.memory_space<hbm>> -> memref<256xi32, #tpu.memory_space<hbm>>
      tpu.enqueue_dma source(%dma_start3A_78 : memref<256xi32, #tpu.memory_space<hbm>>) target(%arg6 : memref<256xi32, #tpu.memory_space<vmem>>) target_semaphore(%run_scoped3A : memref<!tpu.dma_semaphore, #tpu.memory_space<semaphore_mem>>)
      %dma_wait3A_79 = tpu.memref_slice %arg2[%mul3A_4] : memref<8192xi32, #tpu.memory_space<hbm>> -> memref<256xi32, #tpu.memory_space<hbm>>
      %dma_wait3A_80 = tpu.memref_slice %arg2[%mul3A_4] : memref<8192xi32, #tpu.memory_space<hbm>> -> memref<256xi32, #tpu.memory_space<hbm>>
      tpu.wait_dma2 semaphore(%run_scoped3A : memref<!tpu.dma_semaphore, #tpu.memory_space<semaphore_mem>>) src(%dma_wait3A_80 : memref<256xi32, #tpu.memory_space<hbm>>) dst(%arg6 : memref<256xi32, #tpu.memory_space<vmem>>)
      tpu.yield
    }) : () -> ()
    %iota3A = tpu.iota {dimensions = array<i32: 0>} : vector<16xi32>
    %add3A_5 = arith.constant 2 : i32
    %add3A_6 = arith.addi %mul3A_2, %add3A_5 : i32
    %add3A_7 = arith.constant 0 : i32
    %add3A_8 = arith.addi %add3A_6, %add3A_7 : i32
    %add3A_9 = vector.broadcast %add3A_8 : i32 to vector<16xi32>
    %add3A_10 = arith.addi %iota3A, %add3A_9 : vector<16xi32>
    %swap3A = arith.constant 0 : index
    %swap3A_11 = tpu.vector_load %arg7[%swap3A] {strides = array<i32>} : memref<16xi32, #tpu.memory_space<vmem>>, vector<16xi32>,
    %swap3A_12 = vector.shape_cast %swap3A_11 : vector<16xi32> to vector<16xi32>
    %swap3A_13 = vector.shape_cast %add3A_10 : vector<16xi32> to vector<16xi32>
    tpu.vector_store %arg7[%swap3A], %swap3A_13 {strides = array<i32>} : memref<16xi32, #tpu.memory_space<vmem>>, vector<16xi32>,
    %dma_start3A = arith.constant 0 : i32
    %dma_start3A_14 = tpu.memref_slice %arg7[%dma_start3A] : memref<16xi32, #tpu.memory_space<vmem>> -> memref<8xi32, #tpu.memory_space<vmem>>
    %dma_start3A_15 = arith.constant 0 : i32
    %dma_start3A_16 = arith.constant 0 : i32
    %dma_start3A_17 = tpu.memref_slice %arg4[%dma_start3A_15, %dma_start3A_16] : memref<2050x2048xf32, #tpu.memory_space<hbm>> -> memref<2050x2048xf32, #tpu.memory_space<hbm>>
    tpu.enqueue_indirect_dma source(%dma_start3A_17 : memref<2050x2048xf32, #tpu.memory_space<hbm>>) target(%arg11 : memref<8x2048xf32, #tpu.memory_space<vmem>>) offsets(%dma_start3A_14 : memref<8xi32, #tpu.memory_space<vmem>>) semaphore(%arg18 : memref<!tpu.dma_semaphore, #tpu.memory_space<semaphore_mem>>)
    %iota3A_18 = tpu.iota {dimensions = array<i32: 0>} : vector<16xi32>
    %add3A_19 = arith.constant 2 : i32
    %add3A_20 = arith.addi %mul3A_2, %add3A_19 : i32
    %add3A_21 = arith.constant 8 : i32
    %add3A_22 = arith.addi %add3A_20, %add3A_21 : i32
    %add3A_23 = vector.broadcast %add3A_22 : i32 to vector<16xi32>
    %add3A_24 = arith.addi %iota3A_18, %add3A_23 : vector<16xi32>
    %swap3A_25 = arith.constant 0 : index
    %swap3A_26 = tpu.vector_load %arg8[%swap3A_25] {strides = array<i32>} : memref<16xi32, #tpu.memory_space<vmem>>, vector<16xi32>,
    %swap3A_27 = vector.shape_cast %swap3A_26 : vector<16xi32> to vector<16xi32>
    %swap3A_28 = vector.shape_cast %add3A_24 : vector<16xi32> to vector<16xi32>
    tpu.vector_store %arg8[%swap3A_25], %swap3A_28 {strides = array<i32>} : memref<16xi32, #tpu.memory_space<vmem>>, vector<16xi32>,
    %dma_start3A_29 = arith.constant 0 : i32
    %dma_start3A_30 = tpu.memref_slice %arg8[%dma_start3A_29] : memref<16xi32, #tpu.memory_space<vmem>> -> memref<8xi32, #tpu.memory_space<vmem>>
    %dma_start3A_31 = arith.constant 0 : i32
    %dma_start3A_32 = arith.constant 0 : i32
    %dma_start3A_33 = tpu.memref_slice %arg4[%dma_start3A_31, %dma_start3A_32] : memref<2050x2048xf32, #tpu.memory_space<hbm>> -> memref<2050x2048xf32, #tpu.memory_space<hbm>>
    tpu.enqueue_indirect_dma source(%dma_start3A_33 : memref<2050x2048xf32, #tpu.memory_space<hbm>>) target(%arg12 : memref<8x2048xf32, #tpu.memory_space<vmem>>) offsets(%dma_start3A_30 : memref<8xi32, #tpu.memory_space<vmem>>) semaphore(%arg19 : memref<!tpu.dma_semaphore, #tpu.memory_space<semaphore_mem>>)
    %dma_start3A_34 = arith.constant 0 : i32
    %dma_start3A_35 = arith.constant 0 : i32
    %dma_start3A_36 = tpu.memref_slice %arg9[%dma_start3A_34, %dma_start3A_35] : memref<16x2048xf32, #tpu.memory_space<vmem>> -> memref<8x2048xf32, #tpu.memory_space<vmem>>
    %dma_start3A_37 = arith.constant 0 : i32
    %dma_start3A_38 = tpu.memref_slice %arg6[%dma_start3A_37] : memref<256xi32, #tpu.memory_space<vmem>> -> memref<8xi32, #tpu.memory_space<vmem>>
    %dma_start3A_39 = arith.constant 0 : i32
    %dma_start3A_40 = arith.constant 0 : i32
    %dma_start3A_41 = tpu.memref_slice %arg3[%dma_start3A_39, %dma_start3A_40] : memref<50272x2048xf32, #tpu.memory_space<hbm>> -> memref<50272x2048xf32, #tpu.memory_space<hbm>>
    tpu.enqueue_indirect_dma source(%dma_start3A_41 : memref<50272x2048xf32, #tpu.memory_space<hbm>>) target(%dma_start3A_36 : memref<8x2048xf32, #tpu.memory_space<vmem>>) offsets(%dma_start3A_38 : memref<8xi32, #tpu.memory_space<vmem>>) semaphore(%arg14 : memref<!tpu.dma_semaphore, #tpu.memory_space<semaphore_mem>>)
    %dma_start3A_42 = arith.constant 8 : i32
    %dma_start3A_43 = arith.constant 0 : i32
    %dma_start3A_44 = tpu.memref_slice %arg9[%dma_start3A_42, %dma_start3A_43] : memref<16x2048xf32, #tpu.memory_space<vmem>> -> memref<8x2048xf32, #tpu.memory_space<vmem>>
    %dma_start3A_45 = arith.constant 8 : i32
    %dma_start3A_46 = tpu.memref_slice %arg6[%dma_start3A_45] : memref<256xi32, #tpu.memory_space<vmem>> -> memref<8xi32, #tpu.memory_space<vmem>>
    %dma_start3A_47 = arith.constant 0 : i32
    %dma_start3A_48 = arith.constant 0 : i32
    %dma_start3A_49 = tpu.memref_slice %arg3[%dma_start3A_47, %dma_start3A_48] : memref<50272x2048xf32, #tpu.memory_space<hbm>> -> memref<50272x2048xf32, #tpu.memory_space<hbm>>
    tpu.enqueue_indirect_dma source(%dma_start3A_49 : memref<50272x2048xf32, #tpu.memory_space<hbm>>) target(%dma_start3A_44 : memref<8x2048xf32, #tpu.memory_space<vmem>>) offsets(%dma_start3A_46 : memref<8xi32, #tpu.memory_space<vmem>>) semaphore(%arg16 : memref<!tpu.dma_semaphore, #tpu.memory_space<semaphore_mem>>)
    %dma_start3A_50 = arith.constant 0 : i32
    %dma_start3A_51 = arith.constant 0 : i32
    %dma_start3A_52 = tpu.memref_slice %arg10[%dma_start3A_50, %dma_start3A_51] : memref<16x2048xf32, #tpu.memory_space<vmem>> -> memref<8x2048xf32, #tpu.memory_space<vmem>>
    %dma_start3A_53 = arith.constant 16 : i32
    %dma_start3A_54 = tpu.memref_slice %arg6[%dma_start3A_53] : memref<256xi32, #tpu.memory_space<vmem>> -> memref<8xi32, #tpu.memory_space<vmem>>
    %dma_start3A_55 = arith.constant 0 : i32
    %dma_start3A_56 = arith.constant 0 : i32
    %dma_start3A_57 = tpu.memref_slice %arg3[%dma_start3A_55, %dma_start3A_56] : memref<50272x2048xf32, #tpu.memory_space<hbm>> -> memref<50272x2048xf32, #tpu.memory_space<hbm>>
    tpu.enqueue_indirect_dma source(%dma_start3A_57 : memref<50272x2048xf32, #tpu.memory_space<hbm>>) target(%dma_start3A_52 : memref<8x2048xf32, #tpu.memory_space<vmem>>) offsets(%dma_start3A_54 : memref<8xi32, #tpu.memory_space<vmem>>) semaphore(%arg15 : memref<!tpu.dma_semaphore, #tpu.memory_space<semaphore_mem>>)
    %dma_start3A_58 = arith.constant 8 : i32
    %dma_start3A_59 = arith.constant 0 : i32
    %dma_start3A_60 = tpu.memref_slice %arg10[%dma_start3A_58, %dma_start3A_59] : memref<16x2048xf32, #tpu.memory_space<vmem>> -> memref<8x2048xf32, #tpu.memory_space<vmem>>
    %dma_start3A_61 = arith.constant 24 : i32
    %dma_start3A_62 = tpu.memref_slice %arg6[%dma_start3A_61] : memref<256xi32, #tpu.memory_space<vmem>> -> memref<8xi32, #tpu.memory_space<vmem>>
    %dma_start3A_63 = arith.constant 0 : i32
    %dma_start3A_64 = arith.constant 0 : i32
    %dma_start3A_65 = tpu.memref_slice %arg3[%dma_start3A_63, %dma_start3A_64] : memref<50272x2048xf32, #tpu.memory_space<hbm>> -> memref<50272x2048xf32, #tpu.memory_space<hbm>>
    tpu.enqueue_indirect_dma source(%dma_start3A_65 : memref<50272x2048xf32, #tpu.memory_space<hbm>>) target(%dma_start3A_60 : memref<8x2048xf32, #tpu.memory_space<vmem>>) offsets(%dma_start3A_62 : memref<8xi32, #tpu.memory_space<vmem>>) semaphore(%arg17 : memref<!tpu.dma_semaphore, #tpu.memory_space<semaphore_mem>>)
    %scan3A = arith.constant 0 : i32
    %scan3A_66 = arith.constant 4 : i32
    %scan3A_67 = arith.addi %scan3A, %scan3A_66 : i32
    %scan3A_68 = arith.constant 1 : i32
    scf.for %scan3A_77 = %scan3A to %scan3A_67 step %scan3A_68  : i32 {
      %mul3A_78 = arith.constant 2 : i32
      %mul3A_79 = arith.muli %mul3A_78, %scan3A_77 : i32
      %add3A_80 = arith.constant 0 : i32
      %add3A_81 = arith.addi %mul3A_79, %add3A_80 : i32
      %dma_wait3A_82 = arith.constant 0 : i32
      %dma_wait3A_83 = tpu.memref_slice %arg7[%dma_wait3A_82] : memref<16xi32, #tpu.memory_space<vmem>> -> memref<8xi32, #tpu.memory_space<vmem>>
      %dma_wait3A_84 = arith.constant 0 : i32
      %dma_wait3A_85 = arith.constant 0 : i32
      %dma_wait3A_86 = tpu.memref_slice %arg4[%dma_wait3A_84, %dma_wait3A_85] : memref<2050x2048xf32, #tpu.memory_space<hbm>> -> memref<2050x2048xf32, #tpu.memory_space<hbm>>
      tpu.wait_indirect_dma semaphore(%arg18 : memref<!tpu.dma_semaphore, #tpu.memory_space<semaphore_mem>>) src(%dma_wait3A_86 : memref<2050x2048xf32, #tpu.memory_space<hbm>>) dst(%arg11 : memref<8x2048xf32, #tpu.memory_space<vmem>>)
      %add3A_87 = arith.constant 1 : i32
      %add3A_88 = arith.addi %add3A_81, %add3A_87 : i32
      %iota3A_89 = tpu.iota {dimensions = array<i32: 0>} : vector<16xi32>
      %add3A_90 = arith.constant 2 : i32
      %add3A_91 = arith.addi %mul3A_2, %add3A_90 : i32
      %mul3A_92 = arith.constant 8 : i32
      %mul3A_93 = arith.muli %add3A_88, %mul3A_92 : i32
      %add3A_94 = arith.addi %add3A_91, %mul3A_93 : i32
      %add3A_95 = vector.broadcast %add3A_94 : i32 to vector<16xi32>
      %add3A_96 = arith.addi %iota3A_89, %add3A_95 : vector<16xi32>
      %swap3A_97 = arith.constant 0 : index
      %swap3A_98 = tpu.vector_load %arg8[%swap3A_97] {strides = array<i32>} : memref<16xi32, #tpu.memory_space<vmem>>, vector<16xi32>,
      %swap3A_99 = vector.shape_cast %swap3A_98 : vector<16xi32> to vector<16xi32>
      %swap3A_100 = vector.shape_cast %add3A_96 : vector<16xi32> to vector<16xi32>
      tpu.vector_store %arg8[%swap3A_97], %swap3A_100 {strides = array<i32>} : memref<16xi32, #tpu.memory_space<vmem>>, vector<16xi32>,
      %dma_start3A_101 = arith.constant 0 : i32
      %dma_start3A_102 = tpu.memref_slice %arg8[%dma_start3A_101] : memref<16xi32, #tpu.memory_space<vmem>> -> memref<8xi32, #tpu.memory_space<vmem>>
      %dma_start3A_103 = arith.constant 0 : i32
      %dma_start3A_104 = arith.constant 0 : i32
      %dma_start3A_105 = tpu.memref_slice %arg4[%dma_start3A_103, %dma_start3A_104] : memref<2050x2048xf32, #tpu.memory_space<hbm>> -> memref<2050x2048xf32, #tpu.memory_space<hbm>>
      tpu.enqueue_indirect_dma source(%dma_start3A_105 : memref<2050x2048xf32, #tpu.memory_space<hbm>>) target(%arg12 : memref<8x2048xf32, #tpu.memory_space<vmem>>) offsets(%dma_start3A_102 : memref<8xi32, #tpu.memory_space<vmem>>) semaphore(%arg19 : memref<!tpu.dma_semaphore, #tpu.memory_space<semaphore_mem>>)
      %mul3A_106 = arith.constant 2 : i32
      %mul3A_107 = arith.muli %add3A_81, %mul3A_106 : i32
      %add3A_108 = arith.constant 0 : i32
      %add3A_109 = arith.addi %mul3A_107, %add3A_108 : i32
      %mul3A_110 = arith.constant 16 : i32
      %mul3A_111 = arith.muli %add3A_109, %mul3A_110 : i32
      %dma_wait3A_112 = arith.constant 0 : i32
      %dma_wait3A_113 = arith.constant 0 : i32
      %dma_wait3A_114 = tpu.memref_slice %arg9[%dma_wait3A_112, %dma_wait3A_113] : memref<16x2048xf32, #tpu.memory_space<vmem>> -> memref<8x2048xf32, #tpu.memory_space<vmem>>
      %dma_wait3A_115 = tpu.memref_slice %arg6[%mul3A_111] : memref<256xi32, #tpu.memory_space<vmem>> -> memref<8xi32, #tpu.memory_space<vmem>>
      %dma_wait3A_116 = arith.constant 0 : i32
      %dma_wait3A_117 = arith.constant 0 : i32
      %dma_wait3A_118 = tpu.memref_slice %arg3[%dma_wait3A_116, %dma_wait3A_117] : memref<50272x2048xf32, #tpu.memory_space<hbm>> -> memref<50272x2048xf32, #tpu.memory_space<hbm>>
      tpu.wait_indirect_dma semaphore(%arg14 : memref<!tpu.dma_semaphore, #tpu.memory_space<semaphore_mem>>) src(%dma_wait3A_118 : memref<50272x2048xf32, #tpu.memory_space<hbm>>) dst(%dma_wait3A_114 : memref<8x2048xf32, #tpu.memory_space<vmem>>)
      %parallel_loop3A = arith.constant 0 : i32
      %parallel_loop3A_119 = arith.constant 128 : i32
      %parallel_loop3A_120 = arith.constant 1 : i32
      scf.for %parallel_loop3A_515 = %parallel_loop3A to %parallel_loop3A_119 step %parallel_loop3A_120  : i32 {
        %parallel_loop3A_516 = arith.constant 16 : i32
        %parallel_loop3A_517 = arith.muli %parallel_loop3A_515, %parallel_loop3A_516 : i32
        %parallel_loop3A_518 = arith.constant 0 : i32
        %parallel_loop3A_519 = arith.index_cast %parallel_loop3A_518 : i32 to index
        %parallel_loop3A_520 = arith.index_cast %parallel_loop3A_517 : i32 to index
        %parallel_loop3A_521 = tpu.vector_load %arg11[%parallel_loop3A_519, %parallel_loop3A_520] {strides = array<i32>} : memref<8x2048xf32, #tpu.memory_space<vmem>>, vector<1x16xf32>,
        %parallel_loop3A_522 = vector.shape_cast %parallel_loop3A_521 : vector<1x16xf32> to vector<16xf32>
        %parallel_loop3A_523 = arith.constant 0 : i32
        %parallel_loop3A_524 = arith.index_cast %parallel_loop3A_523 : i32 to index
        %parallel_loop3A_525 = arith.index_cast %parallel_loop3A_517 : i32 to index
        %parallel_loop3A_526 = tpu.vector_load %arg9[%parallel_loop3A_524, %parallel_loop3A_525] {strides = array<i32>} : memref<16x2048xf32, #tpu.memory_space<vmem>>, vector<1x16xf32>,
        %parallel_loop3A_527 = vector.shape_cast %parallel_loop3A_526 : vector<1x16xf32> to vector<16xf32>
        %parallel_loop3A_528 = vector.shape_cast %parallel_loop3A_522 : vector<16xf32> to vector<1x16xf32>
        tpu.vector_store %arg9[%parallel_loop3A_524, %parallel_loop3A_525], %parallel_loop3A_528 {add = true, strides = array<i32>} : memref<16x2048xf32, #tpu.memory_space<vmem>>, vector<1x16xf32>,
        %parallel_loop3A_529 = arith.constant 1 : i32
        %parallel_loop3A_530 = arith.index_cast %parallel_loop3A_529 : i32 to index
        %parallel_loop3A_531 = arith.index_cast %parallel_loop3A_517 : i32 to index
        %parallel_loop3A_532 = tpu.vector_load %arg11[%parallel_loop3A_530, %parallel_loop3A_531] {strides = array<i32>} : memref<8x2048xf32, #tpu.memory_space<vmem>>, vector<1x16xf32>,
        %parallel_loop3A_533 = vector.shape_cast %parallel_loop3A_532 : vector<1x16xf32> to vector<16xf32>
        %parallel_loop3A_534 = arith.constant 1 : i32
        %parallel_loop3A_535 = arith.index_cast %parallel_loop3A_534 : i32 to index
        %parallel_loop3A_536 = arith.index_cast %parallel_loop3A_517 : i32 to index
        %parallel_loop3A_537 = tpu.vector_load %arg9[%parallel_loop3A_535, %parallel_loop3A_536] {strides = array<i32>} : memref<16x2048xf32, #tpu.memory_space<vmem>>, vector<1x16xf32>,
        %parallel_loop3A_538 = vector.shape_cast %parallel_loop3A_537 : vector<1x16xf32> to vector<16xf32>
        %parallel_loop3A_539 = vector.shape_cast %parallel_loop3A_533 : vector<16xf32> to vector<1x16xf32>
        tpu.vector_store %arg9[%parallel_loop3A_535, %parallel_loop3A_536], %parallel_loop3A_539 {add = true, strides = array<i32>} : memref<16x2048xf32, #tpu.memory_space<vmem>>, vector<1x16xf32>,
        %parallel_loop3A_540 = arith.constant 2 : i32
        %parallel_loop3A_541 = arith.index_cast %parallel_loop3A_540 : i32 to index
        %parallel_loop3A_542 = arith.index_cast %parallel_loop3A_517 : i32 to index
        %parallel_loop3A_543 = tpu.vector_load %arg11[%parallel_loop3A_541, %parallel_loop3A_542] {strides = array<i32>} : memref<8x2048xf32, #tpu.memory_space<vmem>>, vector<1x16xf32>,
        %parallel_loop3A_544 = vector.shape_cast %parallel_loop3A_543 : vector<1x16xf32> to vector<16xf32>
        %parallel_loop3A_545 = arith.constant 2 : i32
        %parallel_loop3A_546 = arith.index_cast %parallel_loop3A_545 : i32 to index
        %parallel_loop3A_547 = arith.index_cast %parallel_loop3A_517 : i32 to index
        %parallel_loop3A_548 = tpu.vector_load %arg9[%parallel_loop3A_546, %parallel_loop3A_547] {strides = array<i32>} : memref<16x2048xf32, #tpu.memory_space<vmem>>, vector<1x16xf32>,
        %parallel_loop3A_549 = vector.shape_cast %parallel_loop3A_548 : vector<1x16xf32> to vector<16xf32>
        %parallel_loop3A_550 = vector.shape_cast %parallel_loop3A_544 : vector<16xf32> to vector<1x16xf32>
        tpu.vector_store %arg9[%parallel_loop3A_546, %parallel_loop3A_547], %parallel_loop3A_550 {add = true, strides = array<i32>} : memref<16x2048xf32, #tpu.memory_space<vmem>>, vector<1x16xf32>,
        %parallel_loop3A_551 = arith.constant 3 : i32
        %parallel_loop3A_552 = arith.index_cast %parallel_loop3A_551 : i32 to index
        %parallel_loop3A_553 = arith.index_cast %parallel_loop3A_517 : i32 to index
        %parallel_loop3A_554 = tpu.vector_load %arg11[%parallel_loop3A_552, %parallel_loop3A_553] {strides = array<i32>} : memref<8x2048xf32, #tpu.memory_space<vmem>>, vector<1x16xf32>,
        %parallel_loop3A_555 = vector.shape_cast %parallel_loop3A_554 : vector<1x16xf32> to vector<16xf32>
        %parallel_loop3A_556 = arith.constant 3 : i32
        %parallel_loop3A_557 = arith.index_cast %parallel_loop3A_556 : i32 to index
        %parallel_loop3A_558 = arith.index_cast %parallel_loop3A_517 : i32 to index
        %parallel_loop3A_559 = tpu.vector_load %arg9[%parallel_loop3A_557, %parallel_loop3A_558] {strides = array<i32>} : memref<16x2048xf32, #tpu.memory_space<vmem>>, vector<1x16xf32>,
        %parallel_loop3A_560 = vector.shape_cast %parallel_loop3A_559 : vector<1x16xf32> to vector<16xf32>
        %parallel_loop3A_561 = vector.shape_cast %parallel_loop3A_555 : vector<16xf32> to vector<1x16xf32>
        tpu.vector_store %arg9[%parallel_loop3A_557, %parallel_loop3A_558], %parallel_loop3A_561 {add = true, strides = array<i32>} : memref<16x2048xf32, #tpu.memory_space<vmem>>, vector<1x16xf32>,
        %parallel_loop3A_562 = arith.constant 4 : i32
        %parallel_loop3A_563 = arith.index_cast %parallel_loop3A_562 : i32 to index
        %parallel_loop3A_564 = arith.index_cast %parallel_loop3A_517 : i32 to index
        %parallel_loop3A_565 = tpu.vector_load %arg11[%parallel_loop3A_563, %parallel_loop3A_564] {strides = array<i32>} : memref<8x2048xf32, #tpu.memory_space<vmem>>, vector<1x16xf32>,
        %parallel_loop3A_566 = vector.shape_cast %parallel_loop3A_565 : vector<1x16xf32> to vector<16xf32>
        %parallel_loop3A_567 = arith.constant 4 : i32
        %parallel_loop3A_568 = arith.index_cast %parallel_loop3A_567 : i32 to index
        %parallel_loop3A_569 = arith.index_cast %parallel_loop3A_517 : i32 to index
        %parallel_loop3A_570 = tpu.vector_load %arg9[%parallel_loop3A_568, %parallel_loop3A_569] {strides = array<i32>} : memref<16x2048xf32, #tpu.memory_space<vmem>>, vector<1x16xf32>,
        %parallel_loop3A_571 = vector.shape_cast %parallel_loop3A_570 : vector<1x16xf32> to vector<16xf32>
        %parallel_loop3A_572 = vector.shape_cast %parallel_loop3A_566 : vector<16xf32> to vector<1x16xf32>
        tpu.vector_store %arg9[%parallel_loop3A_568, %parallel_loop3A_569], %parallel_loop3A_572 {add = true, strides = array<i32>} : memref<16x2048xf32, #tpu.memory_space<vmem>>, vector<1x16xf32>,
        %parallel_loop3A_573 = arith.constant 5 : i32
        %parallel_loop3A_574 = arith.index_cast %parallel_loop3A_573 : i32 to index
        %parallel_loop3A_575 = arith.index_cast %parallel_loop3A_517 : i32 to index
        %parallel_loop3A_576 = tpu.vector_load %arg11[%parallel_loop3A_574, %parallel_loop3A_575] {strides = array<i32>} : memref<8x2048xf32, #tpu.memory_space<vmem>>, vector<1x16xf32>,
        %parallel_loop3A_577 = vector.shape_cast %parallel_loop3A_576 : vector<1x16xf32> to vector<16xf32>
        %parallel_loop3A_578 = arith.constant 5 : i32
        %parallel_loop3A_579 = arith.index_cast %parallel_loop3A_578 : i32 to index
        %parallel_loop3A_580 = arith.index_cast %parallel_loop3A_517 : i32 to index
        %parallel_loop3A_581 = tpu.vector_load %arg9[%parallel_loop3A_579, %parallel_loop3A_580] {strides = array<i32>} : memref<16x2048xf32, #tpu.memory_space<vmem>>, vector<1x16xf32>,
        %parallel_loop3A_582 = vector.shape_cast %parallel_loop3A_581 : vector<1x16xf32> to vector<16xf32>
        %parallel_loop3A_583 = vector.shape_cast %parallel_loop3A_577 : vector<16xf32> to vector<1x16xf32>
        tpu.vector_store %arg9[%parallel_loop3A_579, %parallel_loop3A_580], %parallel_loop3A_583 {add = true, strides = array<i32>} : memref<16x2048xf32, #tpu.memory_space<vmem>>, vector<1x16xf32>,
        %parallel_loop3A_584 = arith.constant 6 : i32
        %parallel_loop3A_585 = arith.index_cast %parallel_loop3A_584 : i32 to index
        %parallel_loop3A_586 = arith.index_cast %parallel_loop3A_517 : i32 to index
        %parallel_loop3A_587 = tpu.vector_load %arg11[%parallel_loop3A_585, %parallel_loop3A_586] {strides = array<i32>} : memref<8x2048xf32, #tpu.memory_space<vmem>>, vector<1x16xf32>,
        %parallel_loop3A_588 = vector.shape_cast %parallel_loop3A_587 : vector<1x16xf32> to vector<16xf32>
        %parallel_loop3A_589 = arith.constant 6 : i32
        %parallel_loop3A_590 = arith.index_cast %parallel_loop3A_589 : i32 to index
        %parallel_loop3A_591 = arith.index_cast %parallel_loop3A_517 : i32 to index
        %parallel_loop3A_592 = tpu.vector_load %arg9[%parallel_loop3A_590, %parallel_loop3A_591] {strides = array<i32>} : memref<16x2048xf32, #tpu.memory_space<vmem>>, vector<1x16xf32>,
        %parallel_loop3A_593 = vector.shape_cast %parallel_loop3A_592 : vector<1x16xf32> to vector<16xf32>
        %parallel_loop3A_594 = vector.shape_cast %parallel_loop3A_588 : vector<16xf32> to vector<1x16xf32>
        tpu.vector_store %arg9[%parallel_loop3A_590, %parallel_loop3A_591], %parallel_loop3A_594 {add = true, strides = array<i32>} : memref<16x2048xf32, #tpu.memory_space<vmem>>, vector<1x16xf32>,
        %parallel_loop3A_595 = arith.constant 7 : i32
        %parallel_loop3A_596 = arith.index_cast %parallel_loop3A_595 : i32 to index
        %parallel_loop3A_597 = arith.index_cast %parallel_loop3A_517 : i32 to index
        %parallel_loop3A_598 = tpu.vector_load %arg11[%parallel_loop3A_596, %parallel_loop3A_597] {strides = array<i32>} : memref<8x2048xf32, #tpu.memory_space<vmem>>, vector<1x16xf32>,
        %parallel_loop3A_599 = vector.shape_cast %parallel_loop3A_598 : vector<1x16xf32> to vector<16xf32>
        %parallel_loop3A_600 = arith.constant 7 : i32
        %parallel_loop3A_601 = arith.index_cast %parallel_loop3A_600 : i32 to index
        %parallel_loop3A_602 = arith.index_cast %parallel_loop3A_517 : i32 to index
        %parallel_loop3A_603 = tpu.vector_load %arg9[%parallel_loop3A_601, %parallel_loop3A_602] {strides = array<i32>} : memref<16x2048xf32, #tpu.memory_space<vmem>>, vector<1x16xf32>,
        %parallel_loop3A_604 = vector.shape_cast %parallel_loop3A_603 : vector<1x16xf32> to vector<16xf32>
        %parallel_loop3A_605 = vector.shape_cast %parallel_loop3A_599 : vector<16xf32> to vector<1x16xf32>
        tpu.vector_store %arg9[%parallel_loop3A_601, %parallel_loop3A_602], %parallel_loop3A_605 {add = true, strides = array<i32>} : memref<16x2048xf32, #tpu.memory_space<vmem>>, vector<1x16xf32>,
      } {sc.loop_unroll_factor = 1 : i64, sc.parallel_access}
      %add3A_121 = arith.constant 0 : i32
      %add3A_122 = arith.addi %add3A_121, %mul3A_2 : i32
      %mul3A_123 = arith.constant 8 : i32
      %mul3A_124 = arith.muli %add3A_81, %mul3A_123 : i32
      %add3A_125 = arith.addi %add3A_122, %mul3A_124 : i32
      %dma_start3A_126 = arith.constant 0 : i32
      %dma_start3A_127 = arith.constant 0 : i32
      %dma_start3A_128 = tpu.memref_slice %arg9[%dma_start3A_126, %dma_start3A_127] : memref<16x2048xf32, #tpu.memory_space<vmem>> -> memref<8x2048xf32, #tpu.memory_space<vmem>>
      %dma_start3A_129 = arith.constant 0 : i32
      %dma_start3A_130 = tpu.memref_slice %arg5[%add3A_125, %dma_start3A_129] : memref<8192x2048xf32, #tpu.memory_space<hbm>> -> memref<8x2048xf32, #tpu.memory_space<hbm>>
      %dma_start3A_131 = arith.constant 0 : i32
      %dma_start3A_132 = tpu.memref_slice %arg5[%add3A_125, %dma_start3A_131] : memref<8192x2048xf32, #tpu.memory_space<hbm>> -> memref<8x2048xf32, #tpu.memory_space<hbm>>
      %dma_start3A_133 = arith.constant 0 : i32
      %dma_start3A_134 = arith.constant 0 : i32
      %dma_start3A_135 = tpu.memref_slice %arg9[%dma_start3A_133, %dma_start3A_134] : memref<16x2048xf32, #tpu.memory_space<vmem>> -> memref<8x2048xf32, #tpu.memory_space<vmem>>
      tpu.enqueue_dma source(%dma_start3A_135 : memref<8x2048xf32, #tpu.memory_space<vmem>>) target(%dma_start3A_132 : memref<8x2048xf32, #tpu.memory_space<hbm>>) target_semaphore(%arg20 : memref<!tpu.dma_semaphore, #tpu.memory_space<semaphore_mem>>)
      %ge3A = arith.constant 1 : i32
      %ge3A_136 = arith.cmpi sge, %add3A_81, %ge3A : i32
      %convert_element_type3A = arith.extui %ge3A_136 : i1 to i32
      %cond3A = arith.constant 0 : i32
      %cond3A_137 = arith.cmpi ne, %convert_element_type3A, %cond3A : i32
      scf.if %cond3A_137 {
        %add3A_515 = arith.constant 2048 : i32
        %add3A_516 = arith.addi %add3A_515, %mul3A_2 : i32
        %mul3A_517 = arith.constant 8 : i32
        %mul3A_518 = arith.muli %add3A_81, %mul3A_517 : i32
        %add3A_519 = arith.addi %add3A_516, %mul3A_518 : i32
        %dma_wait3A_520 = arith.constant 0 : i32
        %dma_wait3A_521 = tpu.memref_slice %arg5[%add3A_519, %dma_wait3A_520] : memref<8192x2048xf32, #tpu.memory_space<hbm>> -> memref<8x2048xf32, #tpu.memory_space<hbm>>
        %dma_wait3A_522 = arith.constant 0 : i32
        %dma_wait3A_523 = tpu.memref_slice %arg5[%add3A_519, %dma_wait3A_522] : memref<8192x2048xf32, #tpu.memory_space<hbm>> -> memref<8x2048xf32, #tpu.memory_space<hbm>>
        tpu.wait_dma2 semaphore(%arg21 : memref<!tpu.dma_semaphore, #tpu.memory_space<semaphore_mem>>) src(%arg13 : memref<8x2048xf32, #tpu.memory_space<vmem>>) dst(%dma_wait3A_523 : memref<8x2048xf32, #tpu.memory_space<hbm>>)
      } else {
      }
      %mul3A_138 = arith.constant 2 : i32
      %mul3A_139 = arith.muli %add3A_81, %mul3A_138 : i32
      %add3A_140 = arith.constant 0 : i32
      %add3A_141 = arith.addi %mul3A_139, %add3A_140 : i32
      %mul3A_142 = arith.constant 16 : i32
      %mul3A_143 = arith.muli %add3A_141, %mul3A_142 : i32
      %add3A_144 = arith.constant 8 : i32
      %add3A_145 = arith.addi %mul3A_143, %add3A_144 : i32
      %dma_wait3A_146 = arith.constant 8 : i32
      %dma_wait3A_147 = arith.constant 0 : i32
      %dma_wait3A_148 = tpu.memref_slice %arg9[%dma_wait3A_146, %dma_wait3A_147] : memref<16x2048xf32, #tpu.memory_space<vmem>> -> memref<8x2048xf32, #tpu.memory_space<vmem>>
      %dma_wait3A_149 = tpu.memref_slice %arg6[%add3A_145] : memref<256xi32, #tpu.memory_space<vmem>> -> memref<8xi32, #tpu.memory_space<vmem>>
      %dma_wait3A_150 = arith.constant 0 : i32
      %dma_wait3A_151 = arith.constant 0 : i32
      %dma_wait3A_152 = tpu.memref_slice %arg3[%dma_wait3A_150, %dma_wait3A_151] : memref<50272x2048xf32, #tpu.memory_space<hbm>> -> memref<50272x2048xf32, #tpu.memory_space<hbm>>
      tpu.wait_indirect_dma semaphore(%arg16 : memref<!tpu.dma_semaphore, #tpu.memory_space<semaphore_mem>>) src(%dma_wait3A_152 : memref<50272x2048xf32, #tpu.memory_space<hbm>>) dst(%dma_wait3A_148 : memref<8x2048xf32, #tpu.memory_space<vmem>>)
      %parallel_loop3A_153 = arith.constant 0 : i32
      %parallel_loop3A_154 = arith.constant 128 : i32
      %parallel_loop3A_155 = arith.constant 1 : i32
      scf.for %parallel_loop3A_515 = %parallel_loop3A_153 to %parallel_loop3A_154 step %parallel_loop3A_155  : i32 {
        %parallel_loop3A_516 = arith.constant 16 : i32
        %parallel_loop3A_517 = arith.muli %parallel_loop3A_515, %parallel_loop3A_516 : i32
        %parallel_loop3A_518 = arith.constant 8 : i32
        %parallel_loop3A_519 = arith.index_cast %parallel_loop3A_518 : i32 to index
        %parallel_loop3A_520 = arith.index_cast %parallel_loop3A_517 : i32 to index
        %parallel_loop3A_521 = tpu.vector_load %arg9[%parallel_loop3A_519, %parallel_loop3A_520] {strides = array<i32>} : memref<16x2048xf32, #tpu.memory_space<vmem>>, vector<1x16xf32>,
        %parallel_loop3A_522 = vector.shape_cast %parallel_loop3A_521 : vector<1x16xf32> to vector<16xf32>
        %parallel_loop3A_523 = arith.constant 0 : i32
        %parallel_loop3A_524 = arith.index_cast %parallel_loop3A_523 : i32 to index
        %parallel_loop3A_525 = arith.index_cast %parallel_loop3A_517 : i32 to index
        %parallel_loop3A_526 = tpu.vector_load %arg11[%parallel_loop3A_524, %parallel_loop3A_525] {strides = array<i32>} : memref<8x2048xf32, #tpu.memory_space<vmem>>, vector<1x16xf32>,
        %parallel_loop3A_527 = vector.shape_cast %parallel_loop3A_526 : vector<1x16xf32> to vector<16xf32>
        %parallel_loop3A_528 = arith.addf %parallel_loop3A_522, %parallel_loop3A_527 : vector<16xf32>
        %parallel_loop3A_529 = arith.constant 0 : i32
        %parallel_loop3A_530 = arith.index_cast %parallel_loop3A_529 : i32 to index
        %parallel_loop3A_531 = arith.index_cast %parallel_loop3A_517 : i32 to index
        %parallel_loop3A_532 = tpu.vector_load %arg13[%parallel_loop3A_530, %parallel_loop3A_531] {strides = array<i32>} : memref<8x2048xf32, #tpu.memory_space<vmem>>, vector<1x16xf32>,
        %parallel_loop3A_533 = vector.shape_cast %parallel_loop3A_532 : vector<1x16xf32> to vector<16xf32>
        %parallel_loop3A_534 = vector.shape_cast %parallel_loop3A_528 : vector<16xf32> to vector<1x16xf32>
        tpu.vector_store %arg13[%parallel_loop3A_530, %parallel_loop3A_531], %parallel_loop3A_534 {strides = array<i32>} : memref<8x2048xf32, #tpu.memory_space<vmem>>, vector<1x16xf32>,
        %parallel_loop3A_535 = arith.constant 9 : i32
        %parallel_loop3A_536 = arith.index_cast %parallel_loop3A_535 : i32 to index
        %parallel_loop3A_537 = arith.index_cast %parallel_loop3A_517 : i32 to index
        %parallel_loop3A_538 = tpu.vector_load %arg9[%parallel_loop3A_536, %parallel_loop3A_537] {strides = array<i32>} : memref<16x2048xf32, #tpu.memory_space<vmem>>, vector<1x16xf32>,
        %parallel_loop3A_539 = vector.shape_cast %parallel_loop3A_538 : vector<1x16xf32> to vector<16xf32>
        %parallel_loop3A_540 = arith.constant 1 : i32
        %parallel_loop3A_541 = arith.index_cast %parallel_loop3A_540 : i32 to index
        %parallel_loop3A_542 = arith.index_cast %parallel_loop3A_517 : i32 to index
        %parallel_loop3A_543 = tpu.vector_load %arg11[%parallel_loop3A_541, %parallel_loop3A_542] {strides = array<i32>} : memref<8x2048xf32, #tpu.memory_space<vmem>>, vector<1x16xf32>,
        %parallel_loop3A_544 = vector.shape_cast %parallel_loop3A_543 : vector<1x16xf32> to vector<16xf32>
        %parallel_loop3A_545 = arith.addf %parallel_loop3A_539, %parallel_loop3A_544 : vector<16xf32>
        %parallel_loop3A_546 = arith.constant 1 : i32
        %parallel_loop3A_547 = arith.index_cast %parallel_loop3A_546 : i32 to index
        %parallel_loop3A_548 = arith.index_cast %parallel_loop3A_517 : i32 to index
        %parallel_loop3A_549 = tpu.vector_load %arg13[%parallel_loop3A_547, %parallel_loop3A_548] {strides = array<i32>} : memref<8x2048xf32, #tpu.memory_space<vmem>>, vector<1x16xf32>,
        %parallel_loop3A_550 = vector.shape_cast %parallel_loop3A_549 : vector<1x16xf32> to vector<16xf32>
        %parallel_loop3A_551 = vector.shape_cast %parallel_loop3A_545 : vector<16xf32> to vector<1x16xf32>
        tpu.vector_store %arg13[%parallel_loop3A_547, %parallel_loop3A_548], %parallel_loop3A_551 {strides = array<i32>} : memref<8x2048xf32, #tpu.memory_space<vmem>>, vector<1x16xf32>,
        %parallel_loop3A_552 = arith.constant 10 : i32
        %parallel_loop3A_553 = arith.index_cast %parallel_loop3A_552 : i32 to index
        %parallel_loop3A_554 = arith.index_cast %parallel_loop3A_517 : i32 to index
        %parallel_loop3A_555 = tpu.vector_load %arg9[%parallel_loop3A_553, %parallel_loop3A_554] {strides = array<i32>} : memref<16x2048xf32, #tpu.memory_space<vmem>>, vector<1x16xf32>,
        %parallel_loop3A_556 = vector.shape_cast %parallel_loop3A_555 : vector<1x16xf32> to vector<16xf32>
        %parallel_loop3A_557 = arith.constant 2 : i32
        %parallel_loop3A_558 = arith.index_cast %parallel_loop3A_557 : i32 to index
        %parallel_loop3A_559 = arith.index_cast %parallel_loop3A_517 : i32 to index
        %parallel_loop3A_560 = tpu.vector_load %arg11[%parallel_loop3A_558, %parallel_loop3A_559] {strides = array<i32>} : memref<8x2048xf32, #tpu.memory_space<vmem>>, vector<1x16xf32>,
        %parallel_loop3A_561 = vector.shape_cast %parallel_loop3A_560 : vector<1x16xf32> to vector<16xf32>
        %parallel_loop3A_562 = arith.addf %parallel_loop3A_556, %parallel_loop3A_561 : vector<16xf32>
        %parallel_loop3A_563 = arith.constant 2 : i32
        %parallel_loop3A_564 = arith.index_cast %parallel_loop3A_563 : i32 to index
        %parallel_loop3A_565 = arith.index_cast %parallel_loop3A_517 : i32 to index
        %parallel_loop3A_566 = tpu.vector_load %arg13[%parallel_loop3A_564, %parallel_loop3A_565] {strides = array<i32>} : memref<8x2048xf32, #tpu.memory_space<vmem>>, vector<1x16xf32>,
        %parallel_loop3A_567 = vector.shape_cast %parallel_loop3A_566 : vector<1x16xf32> to vector<16xf32>
        %parallel_loop3A_568 = vector.shape_cast %parallel_loop3A_562 : vector<16xf32> to vector<1x16xf32>
        tpu.vector_store %arg13[%parallel_loop3A_564, %parallel_loop3A_565], %parallel_loop3A_568 {strides = array<i32>} : memref<8x2048xf32, #tpu.memory_space<vmem>>, vector<1x16xf32>,
        %parallel_loop3A_569 = arith.constant 11 : i32
        %parallel_loop3A_570 = arith.index_cast %parallel_loop3A_569 : i32 to index
        %parallel_loop3A_571 = arith.index_cast %parallel_loop3A_517 : i32 to index
        %parallel_loop3A_572 = tpu.vector_load %arg9[%parallel_loop3A_570, %parallel_loop3A_571] {strides = array<i32>} : memref<16x2048xf32, #tpu.memory_space<vmem>>, vector<1x16xf32>,
        %parallel_loop3A_573 = vector.shape_cast %parallel_loop3A_572 : vector<1x16xf32> to vector<16xf32>
        %parallel_loop3A_574 = arith.constant 3 : i32
        %parallel_loop3A_575 = arith.index_cast %parallel_loop3A_574 : i32 to index
        %parallel_loop3A_576 = arith.index_cast %parallel_loop3A_517 : i32 to index
        %parallel_loop3A_577 = tpu.vector_load %arg11[%parallel_loop3A_575, %parallel_loop3A_576] {strides = array<i32>} : memref<8x2048xf32, #tpu.memory_space<vmem>>, vector<1x16xf32>,
        %parallel_loop3A_578 = vector.shape_cast %parallel_loop3A_577 : vector<1x16xf32> to vector<16xf32>
        %parallel_loop3A_579 = arith.addf %parallel_loop3A_573, %parallel_loop3A_578 : vector<16xf32>
        %parallel_loop3A_580 = arith.constant 3 : i32
        %parallel_loop3A_581 = arith.index_cast %parallel_loop3A_580 : i32 to index
        %parallel_loop3A_582 = arith.index_cast %parallel_loop3A_517 : i32 to index
        %parallel_loop3A_583 = tpu.vector_load %arg13[%parallel_loop3A_581, %parallel_loop3A_582] {strides = array<i32>} : memref<8x2048xf32, #tpu.memory_space<vmem>>, vector<1x16xf32>,
        %parallel_loop3A_584 = vector.shape_cast %parallel_loop3A_583 : vector<1x16xf32> to vector<16xf32>
        %parallel_loop3A_585 = vector.shape_cast %parallel_loop3A_579 : vector<16xf32> to vector<1x16xf32>
        tpu.vector_store %arg13[%parallel_loop3A_581, %parallel_loop3A_582], %parallel_loop3A_585 {strides = array<i32>} : memref<8x2048xf32, #tpu.memory_space<vmem>>, vector<1x16xf32>,
        %parallel_loop3A_586 = arith.constant 12 : i32
        %parallel_loop3A_587 = arith.index_cast %parallel_loop3A_586 : i32 to index
        %parallel_loop3A_588 = arith.index_cast %parallel_loop3A_517 : i32 to index
        %parallel_loop3A_589 = tpu.vector_load %arg9[%parallel_loop3A_587, %parallel_loop3A_588] {strides = array<i32>} : memref<16x2048xf32, #tpu.memory_space<vmem>>, vector<1x16xf32>,
        %parallel_loop3A_590 = vector.shape_cast %parallel_loop3A_589 : vector<1x16xf32> to vector<16xf32>
        %parallel_loop3A_591 = arith.constant 4 : i32
        %parallel_loop3A_592 = arith.index_cast %parallel_loop3A_591 : i32 to index
        %parallel_loop3A_593 = arith.index_cast %parallel_loop3A_517 : i32 to index
        %parallel_loop3A_594 = tpu.vector_load %arg11[%parallel_loop3A_592, %parallel_loop3A_593] {strides = array<i32>} : memref<8x2048xf32, #tpu.memory_space<vmem>>, vector<1x16xf32>,
        %parallel_loop3A_595 = vector.shape_cast %parallel_loop3A_594 : vector<1x16xf32> to vector<16xf32>
        %parallel_loop3A_596 = arith.addf %parallel_loop3A_590, %parallel_loop3A_595 : vector<16xf32>
        %parallel_loop3A_597 = arith.constant 4 : i32
        %parallel_loop3A_598 = arith.index_cast %parallel_loop3A_597 : i32 to index
        %parallel_loop3A_599 = arith.index_cast %parallel_loop3A_517 : i32 to index
        %parallel_loop3A_600 = tpu.vector_load %arg13[%parallel_loop3A_598, %parallel_loop3A_599] {strides = array<i32>} : memref<8x2048xf32, #tpu.memory_space<vmem>>, vector<1x16xf32>,
        %parallel_loop3A_601 = vector.shape_cast %parallel_loop3A_600 : vector<1x16xf32> to vector<16xf32>
        %parallel_loop3A_602 = vector.shape_cast %parallel_loop3A_596 : vector<16xf32> to vector<1x16xf32>
        tpu.vector_store %arg13[%parallel_loop3A_598, %parallel_loop3A_599], %parallel_loop3A_602 {strides = array<i32>} : memref<8x2048xf32, #tpu.memory_space<vmem>>, vector<1x16xf32>,
        %parallel_loop3A_603 = arith.constant 13 : i32
        %parallel_loop3A_604 = arith.index_cast %parallel_loop3A_603 : i32 to index
        %parallel_loop3A_605 = arith.index_cast %parallel_loop3A_517 : i32 to index
        %parallel_loop3A_606 = tpu.vector_load %arg9[%parallel_loop3A_604, %parallel_loop3A_605] {strides = array<i32>} : memref<16x2048xf32, #tpu.memory_space<vmem>>, vector<1x16xf32>,
        %parallel_loop3A_607 = vector.shape_cast %parallel_loop3A_606 : vector<1x16xf32> to vector<16xf32>
        %parallel_loop3A_608 = arith.constant 5 : i32
        %parallel_loop3A_609 = arith.index_cast %parallel_loop3A_608 : i32 to index
        %parallel_loop3A_610 = arith.index_cast %parallel_loop3A_517 : i32 to index
        %parallel_loop3A_611 = tpu.vector_load %arg11[%parallel_loop3A_609, %parallel_loop3A_610] {strides = array<i32>} : memref<8x2048xf32, #tpu.memory_space<vmem>>, vector<1x16xf32>,
        %parallel_loop3A_612 = vector.shape_cast %parallel_loop3A_611 : vector<1x16xf32> to vector<16xf32>
        %parallel_loop3A_613 = arith.addf %parallel_loop3A_607, %parallel_loop3A_612 : vector<16xf32>
        %parallel_loop3A_614 = arith.constant 5 : i32
        %parallel_loop3A_615 = arith.index_cast %parallel_loop3A_614 : i32 to index
        %parallel_loop3A_616 = arith.index_cast %parallel_loop3A_517 : i32 to index
        %parallel_loop3A_617 = tpu.vector_load %arg13[%parallel_loop3A_615, %parallel_loop3A_616] {strides = array<i32>} : memref<8x2048xf32, #tpu.memory_space<vmem>>, vector<1x16xf32>,
        %parallel_loop3A_618 = vector.shape_cast %parallel_loop3A_617 : vector<1x16xf32> to vector<16xf32>
        %parallel_loop3A_619 = vector.shape_cast %parallel_loop3A_613 : vector<16xf32> to vector<1x16xf32>
        tpu.vector_store %arg13[%parallel_loop3A_615, %parallel_loop3A_616], %parallel_loop3A_619 {strides = array<i32>} : memref<8x2048xf32, #tpu.memory_space<vmem>>, vector<1x16xf32>,
        %parallel_loop3A_620 = arith.constant 14 : i32
        %parallel_loop3A_621 = arith.index_cast %parallel_loop3A_620 : i32 to index
        %parallel_loop3A_622 = arith.index_cast %parallel_loop3A_517 : i32 to index
        %parallel_loop3A_623 = tpu.vector_load %arg9[%parallel_loop3A_621, %parallel_loop3A_622] {strides = array<i32>} : memref<16x2048xf32, #tpu.memory_space<vmem>>, vector<1x16xf32>,
        %parallel_loop3A_624 = vector.shape_cast %parallel_loop3A_623 : vector<1x16xf32> to vector<16xf32>
        %parallel_loop3A_625 = arith.constant 6 : i32
        %parallel_loop3A_626 = arith.index_cast %parallel_loop3A_625 : i32 to index
        %parallel_loop3A_627 = arith.index_cast %parallel_loop3A_517 : i32 to index
        %parallel_loop3A_628 = tpu.vector_load %arg11[%parallel_loop3A_626, %parallel_loop3A_627] {strides = array<i32>} : memref<8x2048xf32, #tpu.memory_space<vmem>>, vector<1x16xf32>,
        %parallel_loop3A_629 = vector.shape_cast %parallel_loop3A_628 : vector<1x16xf32> to vector<16xf32>
        %parallel_loop3A_630 = arith.addf %parallel_loop3A_624, %parallel_loop3A_629 : vector<16xf32>
        %parallel_loop3A_631 = arith.constant 6 : i32
        %parallel_loop3A_632 = arith.index_cast %parallel_loop3A_631 : i32 to index
        %parallel_loop3A_633 = arith.index_cast %parallel_loop3A_517 : i32 to index
        %parallel_loop3A_634 = tpu.vector_load %arg13[%parallel_loop3A_632, %parallel_loop3A_633] {strides = array<i32>} : memref<8x2048xf32, #tpu.memory_space<vmem>>, vector<1x16xf32>,
        %parallel_loop3A_635 = vector.shape_cast %parallel_loop3A_634 : vector<1x16xf32> to vector<16xf32>
        %parallel_loop3A_636 = vector.shape_cast %parallel_loop3A_630 : vector<16xf32> to vector<1x16xf32>
        tpu.vector_store %arg13[%parallel_loop3A_632, %parallel_loop3A_633], %parallel_loop3A_636 {strides = array<i32>} : memref<8x2048xf32, #tpu.memory_space<vmem>>, vector<1x16xf32>,
        %parallel_loop3A_637 = arith.constant 15 : i32
        %parallel_loop3A_638 = arith.index_cast %parallel_loop3A_637 : i32 to index
        %parallel_loop3A_639 = arith.index_cast %parallel_loop3A_517 : i32 to index
        %parallel_loop3A_640 = tpu.vector_load %arg9[%parallel_loop3A_638, %parallel_loop3A_639] {strides = array<i32>} : memref<16x2048xf32, #tpu.memory_space<vmem>>, vector<1x16xf32>,
        %parallel_loop3A_641 = vector.shape_cast %parallel_loop3A_640 : vector<1x16xf32> to vector<16xf32>
        %parallel_loop3A_642 = arith.constant 7 : i32
        %parallel_loop3A_643 = arith.index_cast %parallel_loop3A_642 : i32 to index
        %parallel_loop3A_644 = arith.index_cast %parallel_loop3A_517 : i32 to index
        %parallel_loop3A_645 = tpu.vector_load %arg11[%parallel_loop3A_643, %parallel_loop3A_644] {strides = array<i32>} : memref<8x2048xf32, #tpu.memory_space<vmem>>, vector<1x16xf32>,
        %parallel_loop3A_646 = vector.shape_cast %parallel_loop3A_645 : vector<1x16xf32> to vector<16xf32>
        %parallel_loop3A_647 = arith.addf %parallel_loop3A_641, %parallel_loop3A_646 : vector<16xf32>
        %parallel_loop3A_648 = arith.constant 7 : i32
        %parallel_loop3A_649 = arith.index_cast %parallel_loop3A_648 : i32 to index
        %parallel_loop3A_650 = arith.index_cast %parallel_loop3A_517 : i32 to index
        %parallel_loop3A_651 = tpu.vector_load %arg13[%parallel_loop3A_649, %parallel_loop3A_650] {strides = array<i32>} : memref<8x2048xf32, #tpu.memory_space<vmem>>, vector<1x16xf32>,
        %parallel_loop3A_652 = vector.shape_cast %parallel_loop3A_651 : vector<1x16xf32> to vector<16xf32>
        %parallel_loop3A_653 = vector.shape_cast %parallel_loop3A_647 : vector<16xf32> to vector<1x16xf32>
        tpu.vector_store %arg13[%parallel_loop3A_649, %parallel_loop3A_650], %parallel_loop3A_653 {strides = array<i32>} : memref<8x2048xf32, #tpu.memory_space<vmem>>, vector<1x16xf32>,
      } {sc.loop_unroll_factor = 1 : i64, sc.parallel_access}
      %add3A_156 = arith.constant 2048 : i32
      %add3A_157 = arith.addi %add3A_156, %mul3A_2 : i32
      %mul3A_158 = arith.constant 8 : i32
      %mul3A_159 = arith.muli %add3A_81, %mul3A_158 : i32
      %add3A_160 = arith.addi %add3A_157, %mul3A_159 : i32
      %dma_start3A_161 = arith.constant 0 : i32
      %dma_start3A_162 = tpu.memref_slice %arg5[%add3A_160, %dma_start3A_161] : memref<8192x2048xf32, #tpu.memory_space<hbm>> -> memref<8x2048xf32, #tpu.memory_space<hbm>>
      %dma_start3A_163 = arith.constant 0 : i32
      %dma_start3A_164 = tpu.memref_slice %arg5[%add3A_160, %dma_start3A_163] : memref<8192x2048xf32, #tpu.memory_space<hbm>> -> memref<8x2048xf32, #tpu.memory_space<hbm>>
      tpu.enqueue_dma source(%arg13 : memref<8x2048xf32, #tpu.memory_space<vmem>>) target(%dma_start3A_164 : memref<8x2048xf32, #tpu.memory_space<hbm>>) target_semaphore(%arg21 : memref<!tpu.dma_semaphore, #tpu.memory_space<semaphore_mem>>)
      %add3A_165 = arith.constant 0 : i32
      %add3A_166 = arith.addi %add3A_165, %mul3A_2 : i32
      %mul3A_167 = arith.constant 8 : i32
      %mul3A_168 = arith.muli %add3A_81, %mul3A_167 : i32
      %add3A_169 = arith.addi %add3A_166, %mul3A_168 : i32
      %dma_wait3A_170 = arith.constant 0 : i32
      %dma_wait3A_171 = arith.constant 0 : i32
      %dma_wait3A_172 = tpu.memref_slice %arg9[%dma_wait3A_170, %dma_wait3A_171] : memref<16x2048xf32, #tpu.memory_space<vmem>> -> memref<8x2048xf32, #tpu.memory_space<vmem>>
      %dma_wait3A_173 = arith.constant 0 : i32
      %dma_wait3A_174 = tpu.memref_slice %arg5[%add3A_169, %dma_wait3A_173] : memref<8192x2048xf32, #tpu.memory_space<hbm>> -> memref<8x2048xf32, #tpu.memory_space<hbm>>
      %dma_wait3A_175 = arith.constant 0 : i32
      %dma_wait3A_176 = tpu.memref_slice %arg5[%add3A_169, %dma_wait3A_175] : memref<8192x2048xf32, #tpu.memory_space<hbm>> -> memref<8x2048xf32, #tpu.memory_space<hbm>>
      %dma_wait3A_177 = arith.constant 0 : i32
      %dma_wait3A_178 = arith.constant 0 : i32
      %dma_wait3A_179 = tpu.memref_slice %arg9[%dma_wait3A_177, %dma_wait3A_178] : memref<16x2048xf32, #tpu.memory_space<vmem>> -> memref<8x2048xf32, #tpu.memory_space<vmem>>
      tpu.wait_dma2 semaphore(%arg20 : memref<!tpu.dma_semaphore, #tpu.memory_space<semaphore_mem>>) src(%dma_wait3A_179 : memref<8x2048xf32, #tpu.memory_space<vmem>>) dst(%dma_wait3A_176 : memref<8x2048xf32, #tpu.memory_space<hbm>>)
      %add3A_180 = arith.constant 1 : i32
      %add3A_181 = arith.addi %add3A_81, %add3A_180 : i32
      %mul3A_182 = arith.constant 2 : i32
      %mul3A_183 = arith.muli %add3A_181, %mul3A_182 : i32
      %add3A_184 = arith.constant 0 : i32
      %add3A_185 = arith.addi %mul3A_183, %add3A_184 : i32
      %mul3A_186 = arith.constant 16 : i32
      %mul3A_187 = arith.muli %add3A_185, %mul3A_186 : i32
      %dma_start3A_188 = arith.constant 0 : i32
      %dma_start3A_189 = arith.constant 0 : i32
      %dma_start3A_190 = tpu.memref_slice %arg9[%dma_start3A_188, %dma_start3A_189] : memref<16x2048xf32, #tpu.memory_space<vmem>> -> memref<8x2048xf32, #tpu.memory_space<vmem>>
      %dma_start3A_191 = tpu.memref_slice %arg6[%mul3A_187] : memref<256xi32, #tpu.memory_space<vmem>> -> memref<8xi32, #tpu.memory_space<vmem>>
      %dma_start3A_192 = arith.constant 0 : i32
      %dma_start3A_193 = arith.constant 0 : i32
      %dma_start3A_194 = tpu.memref_slice %arg3[%dma_start3A_192, %dma_start3A_193] : memref<50272x2048xf32, #tpu.memory_space<hbm>> -> memref<50272x2048xf32, #tpu.memory_space<hbm>>
      tpu.enqueue_indirect_dma source(%dma_start3A_194 : memref<50272x2048xf32, #tpu.memory_space<hbm>>) target(%dma_start3A_190 : memref<8x2048xf32, #tpu.memory_space<vmem>>) offsets(%dma_start3A_191 : memref<8xi32, #tpu.memory_space<vmem>>) semaphore(%arg14 : memref<!tpu.dma_semaphore, #tpu.memory_space<semaphore_mem>>)
      %mul3A_195 = arith.constant 2 : i32
      %mul3A_196 = arith.muli %add3A_181, %mul3A_195 : i32
      %add3A_197 = arith.constant 0 : i32
      %add3A_198 = arith.addi %mul3A_196, %add3A_197 : i32
      %mul3A_199 = arith.constant 16 : i32
      %mul3A_200 = arith.muli %add3A_198, %mul3A_199 : i32
      %add3A_201 = arith.constant 8 : i32
      %add3A_202 = arith.addi %mul3A_200, %add3A_201 : i32
      %dma_start3A_203 = arith.constant 8 : i32
      %dma_start3A_204 = arith.constant 0 : i32
      %dma_start3A_205 = tpu.memref_slice %arg9[%dma_start3A_203, %dma_start3A_204] : memref<16x2048xf32, #tpu.memory_space<vmem>> -> memref<8x2048xf32, #tpu.memory_space<vmem>>
      %dma_start3A_206 = tpu.memref_slice %arg6[%add3A_202] : memref<256xi32, #tpu.memory_space<vmem>> -> memref<8xi32, #tpu.memory_space<vmem>>
      %dma_start3A_207 = arith.constant 0 : i32
      %dma_start3A_208 = arith.constant 0 : i32
      %dma_start3A_209 = tpu.memref_slice %arg3[%dma_start3A_207, %dma_start3A_208] : memref<50272x2048xf32, #tpu.memory_space<hbm>> -> memref<50272x2048xf32, #tpu.memory_space<hbm>>
      tpu.enqueue_indirect_dma source(%dma_start3A_209 : memref<50272x2048xf32, #tpu.memory_space<hbm>>) target(%dma_start3A_205 : memref<8x2048xf32, #tpu.memory_space<vmem>>) offsets(%dma_start3A_206 : memref<8xi32, #tpu.memory_space<vmem>>) semaphore(%arg16 : memref<!tpu.dma_semaphore, #tpu.memory_space<semaphore_mem>>)
      %mul3A_210 = arith.constant 2 : i32
      %mul3A_211 = arith.muli %add3A_81, %mul3A_210 : i32
      %add3A_212 = arith.constant 1 : i32
      %add3A_213 = arith.addi %mul3A_211, %add3A_212 : i32
      %mul3A_214 = arith.constant 16 : i32
      %mul3A_215 = arith.muli %add3A_213, %mul3A_214 : i32
      %dma_wait3A_216 = arith.constant 0 : i32
      %dma_wait3A_217 = arith.constant 0 : i32
      %dma_wait3A_218 = tpu.memref_slice %arg10[%dma_wait3A_216, %dma_wait3A_217] : memref<16x2048xf32, #tpu.memory_space<vmem>> -> memref<8x2048xf32, #tpu.memory_space<vmem>>
      %dma_wait3A_219 = tpu.memref_slice %arg6[%mul3A_215] : memref<256xi32, #tpu.memory_space<vmem>> -> memref<8xi32, #tpu.memory_space<vmem>>
      %dma_wait3A_220 = arith.constant 0 : i32
      %dma_wait3A_221 = arith.constant 0 : i32
      %dma_wait3A_222 = tpu.memref_slice %arg3[%dma_wait3A_220, %dma_wait3A_221] : memref<50272x2048xf32, #tpu.memory_space<hbm>> -> memref<50272x2048xf32, #tpu.memory_space<hbm>>
      tpu.wait_indirect_dma semaphore(%arg15 : memref<!tpu.dma_semaphore, #tpu.memory_space<semaphore_mem>>) src(%dma_wait3A_222 : memref<50272x2048xf32, #tpu.memory_space<hbm>>) dst(%dma_wait3A_218 : memref<8x2048xf32, #tpu.memory_space<vmem>>)
      %parallel_loop3A_223 = arith.constant 0 : i32
      %parallel_loop3A_224 = arith.constant 128 : i32
      %parallel_loop3A_225 = arith.constant 1 : i32
      scf.for %parallel_loop3A_515 = %parallel_loop3A_223 to %parallel_loop3A_224 step %parallel_loop3A_225  : i32 {
        %parallel_loop3A_516 = arith.constant 16 : i32
        %parallel_loop3A_517 = arith.muli %parallel_loop3A_515, %parallel_loop3A_516 : i32
        %parallel_loop3A_518 = arith.constant 0 : i32
        %parallel_loop3A_519 = arith.index_cast %parallel_loop3A_518 : i32 to index
        %parallel_loop3A_520 = arith.index_cast %parallel_loop3A_517 : i32 to index
        %parallel_loop3A_521 = tpu.vector_load %arg11[%parallel_loop3A_519, %parallel_loop3A_520] {strides = array<i32>} : memref<8x2048xf32, #tpu.memory_space<vmem>>, vector<1x16xf32>,
        %parallel_loop3A_522 = vector.shape_cast %parallel_loop3A_521 : vector<1x16xf32> to vector<16xf32>
        %parallel_loop3A_523 = arith.constant 0 : i32
        %parallel_loop3A_524 = arith.index_cast %parallel_loop3A_523 : i32 to index
        %parallel_loop3A_525 = arith.index_cast %parallel_loop3A_517 : i32 to index
        %parallel_loop3A_526 = tpu.vector_load %arg10[%parallel_loop3A_524, %parallel_loop3A_525] {strides = array<i32>} : memref<16x2048xf32, #tpu.memory_space<vmem>>, vector<1x16xf32>,
        %parallel_loop3A_527 = vector.shape_cast %parallel_loop3A_526 : vector<1x16xf32> to vector<16xf32>
        %parallel_loop3A_528 = vector.shape_cast %parallel_loop3A_522 : vector<16xf32> to vector<1x16xf32>
        tpu.vector_store %arg10[%parallel_loop3A_524, %parallel_loop3A_525], %parallel_loop3A_528 {add = true, strides = array<i32>} : memref<16x2048xf32, #tpu.memory_space<vmem>>, vector<1x16xf32>,
        %parallel_loop3A_529 = arith.constant 1 : i32
        %parallel_loop3A_530 = arith.index_cast %parallel_loop3A_529 : i32 to index
        %parallel_loop3A_531 = arith.index_cast %parallel_loop3A_517 : i32 to index
        %parallel_loop3A_532 = tpu.vector_load %arg11[%parallel_loop3A_530, %parallel_loop3A_531] {strides = array<i32>} : memref<8x2048xf32, #tpu.memory_space<vmem>>, vector<1x16xf32>,
        %parallel_loop3A_533 = vector.shape_cast %parallel_loop3A_532 : vector<1x16xf32> to vector<16xf32>
        %parallel_loop3A_534 = arith.constant 1 : i32
        %parallel_loop3A_535 = arith.index_cast %parallel_loop3A_534 : i32 to index
        %parallel_loop3A_536 = arith.index_cast %parallel_loop3A_517 : i32 to index
        %parallel_loop3A_537 = tpu.vector_load %arg10[%parallel_loop3A_535, %parallel_loop3A_536] {strides = array<i32>} : memref<16x2048xf32, #tpu.memory_space<vmem>>, vector<1x16xf32>,
        %parallel_loop3A_538 = vector.shape_cast %parallel_loop3A_537 : vector<1x16xf32> to vector<16xf32>
        %parallel_loop3A_539 = vector.shape_cast %parallel_loop3A_533 : vector<16xf32> to vector<1x16xf32>
        tpu.vector_store %arg10[%parallel_loop3A_535, %parallel_loop3A_536], %parallel_loop3A_539 {add = true, strides = array<i32>} : memref<16x2048xf32, #tpu.memory_space<vmem>>, vector<1x16xf32>,
        %parallel_loop3A_540 = arith.constant 2 : i32
        %parallel_loop3A_541 = arith.index_cast %parallel_loop3A_540 : i32 to index
        %parallel_loop3A_542 = arith.index_cast %parallel_loop3A_517 : i32 to index
        %parallel_loop3A_543 = tpu.vector_load %arg11[%parallel_loop3A_541, %parallel_loop3A_542] {strides = array<i32>} : memref<8x2048xf32, #tpu.memory_space<vmem>>, vector<1x16xf32>,
        %parallel_loop3A_544 = vector.shape_cast %parallel_loop3A_543 : vector<1x16xf32> to vector<16xf32>
        %parallel_loop3A_545 = arith.constant 2 : i32
        %parallel_loop3A_546 = arith.index_cast %parallel_loop3A_545 : i32 to index
        %parallel_loop3A_547 = arith.index_cast %parallel_loop3A_517 : i32 to index
        %parallel_loop3A_548 = tpu.vector_load %arg10[%parallel_loop3A_546, %parallel_loop3A_547] {strides = array<i32>} : memref<16x2048xf32, #tpu.memory_space<vmem>>, vector<1x16xf32>,
        %parallel_loop3A_549 = vector.shape_cast %parallel_loop3A_548 : vector<1x16xf32> to vector<16xf32>
        %parallel_loop3A_550 = vector.shape_cast %parallel_loop3A_544 : vector<16xf32> to vector<1x16xf32>
        tpu.vector_store %arg10[%parallel_loop3A_546, %parallel_loop3A_547], %parallel_loop3A_550 {add = true, strides = array<i32>} : memref<16x2048xf32, #tpu.memory_space<vmem>>, vector<1x16xf32>,
        %parallel_loop3A_551 = arith.constant 3 : i32
        %parallel_loop3A_552 = arith.index_cast %parallel_loop3A_551 : i32 to index
        %parallel_loop3A_553 = arith.index_cast %parallel_loop3A_517 : i32 to index
        %parallel_loop3A_554 = tpu.vector_load %arg11[%parallel_loop3A_552, %parallel_loop3A_553] {strides = array<i32>} : memref<8x2048xf32, #tpu.memory_space<vmem>>, vector<1x16xf32>,
        %parallel_loop3A_555 = vector.shape_cast %parallel_loop3A_554 : vector<1x16xf32> to vector<16xf32>
        %parallel_loop3A_556 = arith.constant 3 : i32
        %parallel_loop3A_557 = arith.index_cast %parallel_loop3A_556 : i32 to index
        %parallel_loop3A_558 = arith.index_cast %parallel_loop3A_517 : i32 to index
        %parallel_loop3A_559 = tpu.vector_load %arg10[%parallel_loop3A_557, %parallel_loop3A_558] {strides = array<i32>} : memref<16x2048xf32, #tpu.memory_space<vmem>>, vector<1x16xf32>,
        %parallel_loop3A_560 = vector.shape_cast %parallel_loop3A_559 : vector<1x16xf32> to vector<16xf32>
        %parallel_loop3A_561 = vector.shape_cast %parallel_loop3A_555 : vector<16xf32> to vector<1x16xf32>
        tpu.vector_store %arg10[%parallel_loop3A_557, %parallel_loop3A_558], %parallel_loop3A_561 {add = true, strides = array<i32>} : memref<16x2048xf32, #tpu.memory_space<vmem>>, vector<1x16xf32>,
        %parallel_loop3A_562 = arith.constant 4 : i32
        %parallel_loop3A_563 = arith.index_cast %parallel_loop3A_562 : i32 to index
        %parallel_loop3A_564 = arith.index_cast %parallel_loop3A_517 : i32 to index
        %parallel_loop3A_565 = tpu.vector_load %arg11[%parallel_loop3A_563, %parallel_loop3A_564] {strides = array<i32>} : memref<8x2048xf32, #tpu.memory_space<vmem>>, vector<1x16xf32>,
        %parallel_loop3A_566 = vector.shape_cast %parallel_loop3A_565 : vector<1x16xf32> to vector<16xf32>
        %parallel_loop3A_567 = arith.constant 4 : i32
        %parallel_loop3A_568 = arith.index_cast %parallel_loop3A_567 : i32 to index
        %parallel_loop3A_569 = arith.index_cast %parallel_loop3A_517 : i32 to index
        %parallel_loop3A_570 = tpu.vector_load %arg10[%parallel_loop3A_568, %parallel_loop3A_569] {strides = array<i32>} : memref<16x2048xf32, #tpu.memory_space<vmem>>, vector<1x16xf32>,
        %parallel_loop3A_571 = vector.shape_cast %parallel_loop3A_570 : vector<1x16xf32> to vector<16xf32>
        %parallel_loop3A_572 = vector.shape_cast %parallel_loop3A_566 : vector<16xf32> to vector<1x16xf32>
        tpu.vector_store %arg10[%parallel_loop3A_568, %parallel_loop3A_569], %parallel_loop3A_572 {add = true, strides = array<i32>} : memref<16x2048xf32, #tpu.memory_space<vmem>>, vector<1x16xf32>,
        %parallel_loop3A_573 = arith.constant 5 : i32
        %parallel_loop3A_574 = arith.index_cast %parallel_loop3A_573 : i32 to index
        %parallel_loop3A_575 = arith.index_cast %parallel_loop3A_517 : i32 to index
        %parallel_loop3A_576 = tpu.vector_load %arg11[%parallel_loop3A_574, %parallel_loop3A_575] {strides = array<i32>} : memref<8x2048xf32, #tpu.memory_space<vmem>>, vector<1x16xf32>,
        %parallel_loop3A_577 = vector.shape_cast %parallel_loop3A_576 : vector<1x16xf32> to vector<16xf32>
        %parallel_loop3A_578 = arith.constant 5 : i32
        %parallel_loop3A_579 = arith.index_cast %parallel_loop3A_578 : i32 to index
        %parallel_loop3A_580 = arith.index_cast %parallel_loop3A_517 : i32 to index
        %parallel_loop3A_581 = tpu.vector_load %arg10[%parallel_loop3A_579, %parallel_loop3A_580] {strides = array<i32>} : memref<16x2048xf32, #tpu.memory_space<vmem>>, vector<1x16xf32>,
        %parallel_loop3A_582 = vector.shape_cast %parallel_loop3A_581 : vector<1x16xf32> to vector<16xf32>
        %parallel_loop3A_583 = vector.shape_cast %parallel_loop3A_577 : vector<16xf32> to vector<1x16xf32>
        tpu.vector_store %arg10[%parallel_loop3A_579, %parallel_loop3A_580], %parallel_loop3A_583 {add = true, strides = array<i32>} : memref<16x2048xf32, #tpu.memory_space<vmem>>, vector<1x16xf32>,
        %parallel_loop3A_584 = arith.constant 6 : i32
        %parallel_loop3A_585 = arith.index_cast %parallel_loop3A_584 : i32 to index
        %parallel_loop3A_586 = arith.index_cast %parallel_loop3A_517 : i32 to index
        %parallel_loop3A_587 = tpu.vector_load %arg11[%parallel_loop3A_585, %parallel_loop3A_586] {strides = array<i32>} : memref<8x2048xf32, #tpu.memory_space<vmem>>, vector<1x16xf32>,
        %parallel_loop3A_588 = vector.shape_cast %parallel_loop3A_587 : vector<1x16xf32> to vector<16xf32>
        %parallel_loop3A_589 = arith.constant 6 : i32
        %parallel_loop3A_590 = arith.index_cast %parallel_loop3A_589 : i32 to index
        %parallel_loop3A_591 = arith.index_cast %parallel_loop3A_517 : i32 to index
        %parallel_loop3A_592 = tpu.vector_load %arg10[%parallel_loop3A_590, %parallel_loop3A_591] {strides = array<i32>} : memref<16x2048xf32, #tpu.memory_space<vmem>>, vector<1x16xf32>,
        %parallel_loop3A_593 = vector.shape_cast %parallel_loop3A_592 : vector<1x16xf32> to vector<16xf32>
        %parallel_loop3A_594 = vector.shape_cast %parallel_loop3A_588 : vector<16xf32> to vector<1x16xf32>
        tpu.vector_store %arg10[%parallel_loop3A_590, %parallel_loop3A_591], %parallel_loop3A_594 {add = true, strides = array<i32>} : memref<16x2048xf32, #tpu.memory_space<vmem>>, vector<1x16xf32>,
        %parallel_loop3A_595 = arith.constant 7 : i32
        %parallel_loop3A_596 = arith.index_cast %parallel_loop3A_595 : i32 to index
        %parallel_loop3A_597 = arith.index_cast %parallel_loop3A_517 : i32 to index
        %parallel_loop3A_598 = tpu.vector_load %arg11[%parallel_loop3A_596, %parallel_loop3A_597] {strides = array<i32>} : memref<8x2048xf32, #tpu.memory_space<vmem>>, vector<1x16xf32>,
        %parallel_loop3A_599 = vector.shape_cast %parallel_loop3A_598 : vector<1x16xf32> to vector<16xf32>
        %parallel_loop3A_600 = arith.constant 7 : i32
        %parallel_loop3A_601 = arith.index_cast %parallel_loop3A_600 : i32 to index
        %parallel_loop3A_602 = arith.index_cast %parallel_loop3A_517 : i32 to index
        %parallel_loop3A_603 = tpu.vector_load %arg10[%parallel_loop3A_601, %parallel_loop3A_602] {strides = array<i32>} : memref<16x2048xf32, #tpu.memory_space<vmem>>, vector<1x16xf32>,
        %parallel_loop3A_604 = vector.shape_cast %parallel_loop3A_603 : vector<1x16xf32> to vector<16xf32>
        %parallel_loop3A_605 = vector.shape_cast %parallel_loop3A_599 : vector<16xf32> to vector<1x16xf32>
        tpu.vector_store %arg10[%parallel_loop3A_601, %parallel_loop3A_602], %parallel_loop3A_605 {add = true, strides = array<i32>} : memref<16x2048xf32, #tpu.memory_space<vmem>>, vector<1x16xf32>,
      } {sc.loop_unroll_factor = 1 : i64, sc.parallel_access}
      %add3A_226 = arith.constant 4096 : i32
      %add3A_227 = arith.addi %add3A_226, %mul3A_2 : i32
      %mul3A_228 = arith.constant 8 : i32
      %mul3A_229 = arith.muli %add3A_81, %mul3A_228 : i32
      %add3A_230 = arith.addi %add3A_227, %mul3A_229 : i32
      %dma_start3A_231 = arith.constant 0 : i32
      %dma_start3A_232 = arith.constant 0 : i32
      %dma_start3A_233 = tpu.memref_slice %arg10[%dma_start3A_231, %dma_start3A_232] : memref<16x2048xf32, #tpu.memory_space<vmem>> -> memref<8x2048xf32, #tpu.memory_space<vmem>>
      %dma_start3A_234 = arith.constant 0 : i32
      %dma_start3A_235 = tpu.memref_slice %arg5[%add3A_230, %dma_start3A_234] : memref<8192x2048xf32, #tpu.memory_space<hbm>> -> memref<8x2048xf32, #tpu.memory_space<hbm>>
      %dma_start3A_236 = arith.constant 0 : i32
      %dma_start3A_237 = tpu.memref_slice %arg5[%add3A_230, %dma_start3A_236] : memref<8192x2048xf32, #tpu.memory_space<hbm>> -> memref<8x2048xf32, #tpu.memory_space<hbm>>
      %dma_start3A_238 = arith.constant 0 : i32
      %dma_start3A_239 = arith.constant 0 : i32
      %dma_start3A_240 = tpu.memref_slice %arg10[%dma_start3A_238, %dma_start3A_239] : memref<16x2048xf32, #tpu.memory_space<vmem>> -> memref<8x2048xf32, #tpu.memory_space<vmem>>
      tpu.enqueue_dma source(%dma_start3A_240 : memref<8x2048xf32, #tpu.memory_space<vmem>>) target(%dma_start3A_237 : memref<8x2048xf32, #tpu.memory_space<hbm>>) target_semaphore(%arg20 : memref<!tpu.dma_semaphore, #tpu.memory_space<semaphore_mem>>)
      %add3A_241 = arith.constant 6144 : i32
      %add3A_242 = arith.addi %add3A_241, %mul3A_2 : i32
      %mul3A_243 = arith.constant 8 : i32
      %mul3A_244 = arith.muli %add3A_81, %mul3A_243 : i32
      %add3A_245 = arith.addi %add3A_242, %mul3A_244 : i32
      %dma_wait3A_246 = arith.constant 0 : i32
      %dma_wait3A_247 = tpu.memref_slice %arg5[%add3A_245, %dma_wait3A_246] : memref<8192x2048xf32, #tpu.memory_space<hbm>> -> memref<8x2048xf32, #tpu.memory_space<hbm>>
      %dma_wait3A_248 = arith.constant 0 : i32
      %dma_wait3A_249 = tpu.memref_slice %arg5[%add3A_245, %dma_wait3A_248] : memref<8192x2048xf32, #tpu.memory_space<hbm>> -> memref<8x2048xf32, #tpu.memory_space<hbm>>
      tpu.wait_dma2 semaphore(%arg21 : memref<!tpu.dma_semaphore, #tpu.memory_space<semaphore_mem>>) src(%arg13 : memref<8x2048xf32, #tpu.memory_space<vmem>>) dst(%dma_wait3A_249 : memref<8x2048xf32, #tpu.memory_space<hbm>>)
      %mul3A_250 = arith.constant 2 : i32
      %mul3A_251 = arith.muli %add3A_81, %mul3A_250 : i32
      %add3A_252 = arith.constant 1 : i32
      %add3A_253 = arith.addi %mul3A_251, %add3A_252 : i32
      %mul3A_254 = arith.constant 16 : i32
      %mul3A_255 = arith.muli %add3A_253, %mul3A_254 : i32
      %add3A_256 = arith.constant 8 : i32
      %add3A_257 = arith.addi %mul3A_255, %add3A_256 : i32
      %dma_wait3A_258 = arith.constant 8 : i32
      %dma_wait3A_259 = arith.constant 0 : i32
      %dma_wait3A_260 = tpu.memref_slice %arg10[%dma_wait3A_258, %dma_wait3A_259] : memref<16x2048xf32, #tpu.memory_space<vmem>> -> memref<8x2048xf32, #tpu.memory_space<vmem>>
      %dma_wait3A_261 = tpu.memref_slice %arg6[%add3A_257] : memref<256xi32, #tpu.memory_space<vmem>> -> memref<8xi32, #tpu.memory_space<vmem>>
      %dma_wait3A_262 = arith.constant 0 : i32
      %dma_wait3A_263 = arith.constant 0 : i32
      %dma_wait3A_264 = tpu.memref_slice %arg3[%dma_wait3A_262, %dma_wait3A_263] : memref<50272x2048xf32, #tpu.memory_space<hbm>> -> memref<50272x2048xf32, #tpu.memory_space<hbm>>
      tpu.wait_indirect_dma semaphore(%arg17 : memref<!tpu.dma_semaphore, #tpu.memory_space<semaphore_mem>>) src(%dma_wait3A_264 : memref<50272x2048xf32, #tpu.memory_space<hbm>>) dst(%dma_wait3A_260 : memref<8x2048xf32, #tpu.memory_space<vmem>>)
      %parallel_loop3A_265 = arith.constant 0 : i32
      %parallel_loop3A_266 = arith.constant 128 : i32
      %parallel_loop3A_267 = arith.constant 1 : i32
      scf.for %parallel_loop3A_515 = %parallel_loop3A_265 to %parallel_loop3A_266 step %parallel_loop3A_267  : i32 {
        %parallel_loop3A_516 = arith.constant 16 : i32
        %parallel_loop3A_517 = arith.muli %parallel_loop3A_515, %parallel_loop3A_516 : i32
        %parallel_loop3A_518 = arith.constant 8 : i32
        %parallel_loop3A_519 = arith.index_cast %parallel_loop3A_518 : i32 to index
        %parallel_loop3A_520 = arith.index_cast %parallel_loop3A_517 : i32 to index
        %parallel_loop3A_521 = tpu.vector_load %arg10[%parallel_loop3A_519, %parallel_loop3A_520] {strides = array<i32>} : memref<16x2048xf32, #tpu.memory_space<vmem>>, vector<1x16xf32>,
        %parallel_loop3A_522 = vector.shape_cast %parallel_loop3A_521 : vector<1x16xf32> to vector<16xf32>
        %parallel_loop3A_523 = arith.constant 0 : i32
        %parallel_loop3A_524 = arith.index_cast %parallel_loop3A_523 : i32 to index
        %parallel_loop3A_525 = arith.index_cast %parallel_loop3A_517 : i32 to index
        %parallel_loop3A_526 = tpu.vector_load %arg11[%parallel_loop3A_524, %parallel_loop3A_525] {strides = array<i32>} : memref<8x2048xf32, #tpu.memory_space<vmem>>, vector<1x16xf32>,
        %parallel_loop3A_527 = vector.shape_cast %parallel_loop3A_526 : vector<1x16xf32> to vector<16xf32>
        %parallel_loop3A_528 = arith.addf %parallel_loop3A_522, %parallel_loop3A_527 : vector<16xf32>
        %parallel_loop3A_529 = arith.constant 0 : i32
        %parallel_loop3A_530 = arith.index_cast %parallel_loop3A_529 : i32 to index
        %parallel_loop3A_531 = arith.index_cast %parallel_loop3A_517 : i32 to index
        %parallel_loop3A_532 = tpu.vector_load %arg13[%parallel_loop3A_530, %parallel_loop3A_531] {strides = array<i32>} : memref<8x2048xf32, #tpu.memory_space<vmem>>, vector<1x16xf32>,
        %parallel_loop3A_533 = vector.shape_cast %parallel_loop3A_532 : vector<1x16xf32> to vector<16xf32>
        %parallel_loop3A_534 = vector.shape_cast %parallel_loop3A_528 : vector<16xf32> to vector<1x16xf32>
        tpu.vector_store %arg13[%parallel_loop3A_530, %parallel_loop3A_531], %parallel_loop3A_534 {strides = array<i32>} : memref<8x2048xf32, #tpu.memory_space<vmem>>, vector<1x16xf32>,
        %parallel_loop3A_535 = arith.constant 9 : i32
        %parallel_loop3A_536 = arith.index_cast %parallel_loop3A_535 : i32 to index
        %parallel_loop3A_537 = arith.index_cast %parallel_loop3A_517 : i32 to index
        %parallel_loop3A_538 = tpu.vector_load %arg10[%parallel_loop3A_536, %parallel_loop3A_537] {strides = array<i32>} : memref<16x2048xf32, #tpu.memory_space<vmem>>, vector<1x16xf32>,
        %parallel_loop3A_539 = vector.shape_cast %parallel_loop3A_538 : vector<1x16xf32> to vector<16xf32>
        %parallel_loop3A_540 = arith.constant 1 : i32
        %parallel_loop3A_541 = arith.index_cast %parallel_loop3A_540 : i32 to index
        %parallel_loop3A_542 = arith.index_cast %parallel_loop3A_517 : i32 to index
        %parallel_loop3A_543 = tpu.vector_load %arg11[%parallel_loop3A_541, %parallel_loop3A_542] {strides = array<i32>} : memref<8x2048xf32, #tpu.memory_space<vmem>>, vector<1x16xf32>,
        %parallel_loop3A_544 = vector.shape_cast %parallel_loop3A_543 : vector<1x16xf32> to vector<16xf32>
        %parallel_loop3A_545 = arith.addf %parallel_loop3A_539, %parallel_loop3A_544 : vector<16xf32>
        %parallel_loop3A_546 = arith.constant 1 : i32
        %parallel_loop3A_547 = arith.index_cast %parallel_loop3A_546 : i32 to index
        %parallel_loop3A_548 = arith.index_cast %parallel_loop3A_517 : i32 to index
        %parallel_loop3A_549 = tpu.vector_load %arg13[%parallel_loop3A_547, %parallel_loop3A_548] {strides = array<i32>} : memref<8x2048xf32, #tpu.memory_space<vmem>>, vector<1x16xf32>,
        %parallel_loop3A_550 = vector.shape_cast %parallel_loop3A_549 : vector<1x16xf32> to vector<16xf32>
        %parallel_loop3A_551 = vector.shape_cast %parallel_loop3A_545 : vector<16xf32> to vector<1x16xf32>
        tpu.vector_store %arg13[%parallel_loop3A_547, %parallel_loop3A_548], %parallel_loop3A_551 {strides = array<i32>} : memref<8x2048xf32, #tpu.memory_space<vmem>>, vector<1x16xf32>,
        %parallel_loop3A_552 = arith.constant 10 : i32
        %parallel_loop3A_553 = arith.index_cast %parallel_loop3A_552 : i32 to index
        %parallel_loop3A_554 = arith.index_cast %parallel_loop3A_517 : i32 to index
        %parallel_loop3A_555 = tpu.vector_load %arg10[%parallel_loop3A_553, %parallel_loop3A_554] {strides = array<i32>} : memref<16x2048xf32, #tpu.memory_space<vmem>>, vector<1x16xf32>,
        %parallel_loop3A_556 = vector.shape_cast %parallel_loop3A_555 : vector<1x16xf32> to vector<16xf32>
        %parallel_loop3A_557 = arith.constant 2 : i32
        %parallel_loop3A_558 = arith.index_cast %parallel_loop3A_557 : i32 to index
        %parallel_loop3A_559 = arith.index_cast %parallel_loop3A_517 : i32 to index
        %parallel_loop3A_560 = tpu.vector_load %arg11[%parallel_loop3A_558, %parallel_loop3A_559] {strides = array<i32>} : memref<8x2048xf32, #tpu.memory_space<vmem>>, vector<1x16xf32>,
        %parallel_loop3A_561 = vector.shape_cast %parallel_loop3A_560 : vector<1x16xf32> to vector<16xf32>
        %parallel_loop3A_562 = arith.addf %parallel_loop3A_556, %parallel_loop3A_561 : vector<16xf32>
        %parallel_loop3A_563 = arith.constant 2 : i32
        %parallel_loop3A_564 = arith.index_cast %parallel_loop3A_563 : i32 to index
        %parallel_loop3A_565 = arith.index_cast %parallel_loop3A_517 : i32 to index
        %parallel_loop3A_566 = tpu.vector_load %arg13[%parallel_loop3A_564, %parallel_loop3A_565] {strides = array<i32>} : memref<8x2048xf32, #tpu.memory_space<vmem>>, vector<1x16xf32>,
        %parallel_loop3A_567 = vector.shape_cast %parallel_loop3A_566 : vector<1x16xf32> to vector<16xf32>
        %parallel_loop3A_568 = vector.shape_cast %parallel_loop3A_562 : vector<16xf32> to vector<1x16xf32>
        tpu.vector_store %arg13[%parallel_loop3A_564, %parallel_loop3A_565], %parallel_loop3A_568 {strides = array<i32>} : memref<8x2048xf32, #tpu.memory_space<vmem>>, vector<1x16xf32>,
        %parallel_loop3A_569 = arith.constant 11 : i32
        %parallel_loop3A_570 = arith.index_cast %parallel_loop3A_569 : i32 to index
        %parallel_loop3A_571 = arith.index_cast %parallel_loop3A_517 : i32 to index
        %parallel_loop3A_572 = tpu.vector_load %arg10[%parallel_loop3A_570, %parallel_loop3A_571] {strides = array<i32>} : memref<16x2048xf32, #tpu.memory_space<vmem>>, vector<1x16xf32>,
        %parallel_loop3A_573 = vector.shape_cast %parallel_loop3A_572 : vector<1x16xf32> to vector<16xf32>
        %parallel_loop3A_574 = arith.constant 3 : i32
        %parallel_loop3A_575 = arith.index_cast %parallel_loop3A_574 : i32 to index
        %parallel_loop3A_576 = arith.index_cast %parallel_loop3A_517 : i32 to index
        %parallel_loop3A_577 = tpu.vector_load %arg11[%parallel_loop3A_575, %parallel_loop3A_576] {strides = array<i32>} : memref<8x2048xf32, #tpu.memory_space<vmem>>, vector<1x16xf32>,
        %parallel_loop3A_578 = vector.shape_cast %parallel_loop3A_577 : vector<1x16xf32> to vector<16xf32>
        %parallel_loop3A_579 = arith.addf %parallel_loop3A_573, %parallel_loop3A_578 : vector<16xf32>
        %parallel_loop3A_580 = arith.constant 3 : i32
        %parallel_loop3A_581 = arith.index_cast %parallel_loop3A_580 : i32 to index
        %parallel_loop3A_582 = arith.index_cast %parallel_loop3A_517 : i32 to index
        %parallel_loop3A_583 = tpu.vector_load %arg13[%parallel_loop3A_581, %parallel_loop3A_582] {strides = array<i32>} : memref<8x2048xf32, #tpu.memory_space<vmem>>, vector<1x16xf32>,
        %parallel_loop3A_584 = vector.shape_cast %parallel_loop3A_583 : vector<1x16xf32> to vector<16xf32>
        %parallel_loop3A_585 = vector.shape_cast %parallel_loop3A_579 : vector<16xf32> to vector<1x16xf32>
        tpu.vector_store %arg13[%parallel_loop3A_581, %parallel_loop3A_582], %parallel_loop3A_585 {strides = array<i32>} : memref<8x2048xf32, #tpu.memory_space<vmem>>, vector<1x16xf32>,
        %parallel_loop3A_586 = arith.constant 12 : i32
        %parallel_loop3A_587 = arith.index_cast %parallel_loop3A_586 : i32 to index
        %parallel_loop3A_588 = arith.index_cast %parallel_loop3A_517 : i32 to index
        %parallel_loop3A_589 = tpu.vector_load %arg10[%parallel_loop3A_587, %parallel_loop3A_588] {strides = array<i32>} : memref<16x2048xf32, #tpu.memory_space<vmem>>, vector<1x16xf32>,
        %parallel_loop3A_590 = vector.shape_cast %parallel_loop3A_589 : vector<1x16xf32> to vector<16xf32>
        %parallel_loop3A_591 = arith.constant 4 : i32
        %parallel_loop3A_592 = arith.index_cast %parallel_loop3A_591 : i32 to index
        %parallel_loop3A_593 = arith.index_cast %parallel_loop3A_517 : i32 to index
        %parallel_loop3A_594 = tpu.vector_load %arg11[%parallel_loop3A_592, %parallel_loop3A_593] {strides = array<i32>} : memref<8x2048xf32, #tpu.memory_space<vmem>>, vector<1x16xf32>,
        %parallel_loop3A_595 = vector.shape_cast %parallel_loop3A_594 : vector<1x16xf32> to vector<16xf32>
        %parallel_loop3A_596 = arith.addf %parallel_loop3A_590, %parallel_loop3A_595 : vector<16xf32>
        %parallel_loop3A_597 = arith.constant 4 : i32
        %parallel_loop3A_598 = arith.index_cast %parallel_loop3A_597 : i32 to index
        %parallel_loop3A_599 = arith.index_cast %parallel_loop3A_517 : i32 to index
        %parallel_loop3A_600 = tpu.vector_load %arg13[%parallel_loop3A_598, %parallel_loop3A_599] {strides = array<i32>} : memref<8x2048xf32, #tpu.memory_space<vmem>>, vector<1x16xf32>,
        %parallel_loop3A_601 = vector.shape_cast %parallel_loop3A_600 : vector<1x16xf32> to vector<16xf32>
        %parallel_loop3A_602 = vector.shape_cast %parallel_loop3A_596 : vector<16xf32> to vector<1x16xf32>
        tpu.vector_store %arg13[%parallel_loop3A_598, %parallel_loop3A_599], %parallel_loop3A_602 {strides = array<i32>} : memref<8x2048xf32, #tpu.memory_space<vmem>>, vector<1x16xf32>,
        %parallel_loop3A_603 = arith.constant 13 : i32
        %parallel_loop3A_604 = arith.index_cast %parallel_loop3A_603 : i32 to index
        %parallel_loop3A_605 = arith.index_cast %parallel_loop3A_517 : i32 to index
        %parallel_loop3A_606 = tpu.vector_load %arg10[%parallel_loop3A_604, %parallel_loop3A_605] {strides = array<i32>} : memref<16x2048xf32, #tpu.memory_space<vmem>>, vector<1x16xf32>,
        %parallel_loop3A_607 = vector.shape_cast %parallel_loop3A_606 : vector<1x16xf32> to vector<16xf32>
        %parallel_loop3A_608 = arith.constant 5 : i32
        %parallel_loop3A_609 = arith.index_cast %parallel_loop3A_608 : i32 to index
        %parallel_loop3A_610 = arith.index_cast %parallel_loop3A_517 : i32 to index
        %parallel_loop3A_611 = tpu.vector_load %arg11[%parallel_loop3A_609, %parallel_loop3A_610] {strides = array<i32>} : memref<8x2048xf32, #tpu.memory_space<vmem>>, vector<1x16xf32>,
        %parallel_loop3A_612 = vector.shape_cast %parallel_loop3A_611 : vector<1x16xf32> to vector<16xf32>
        %parallel_loop3A_613 = arith.addf %parallel_loop3A_607, %parallel_loop3A_612 : vector<16xf32>
        %parallel_loop3A_614 = arith.constant 5 : i32
        %parallel_loop3A_615 = arith.index_cast %parallel_loop3A_614 : i32 to index
        %parallel_loop3A_616 = arith.index_cast %parallel_loop3A_517 : i32 to index
        %parallel_loop3A_617 = tpu.vector_load %arg13[%parallel_loop3A_615, %parallel_loop3A_616] {strides = array<i32>} : memref<8x2048xf32, #tpu.memory_space<vmem>>, vector<1x16xf32>,
        %parallel_loop3A_618 = vector.shape_cast %parallel_loop3A_617 : vector<1x16xf32> to vector<16xf32>
        %parallel_loop3A_619 = vector.shape_cast %parallel_loop3A_613 : vector<16xf32> to vector<1x16xf32>
        tpu.vector_store %arg13[%parallel_loop3A_615, %parallel_loop3A_616], %parallel_loop3A_619 {strides = array<i32>} : memref<8x2048xf32, #tpu.memory_space<vmem>>, vector<1x16xf32>,
        %parallel_loop3A_620 = arith.constant 14 : i32
        %parallel_loop3A_621 = arith.index_cast %parallel_loop3A_620 : i32 to index
        %parallel_loop3A_622 = arith.index_cast %parallel_loop3A_517 : i32 to index
        %parallel_loop3A_623 = tpu.vector_load %arg10[%parallel_loop3A_621, %parallel_loop3A_622] {strides = array<i32>} : memref<16x2048xf32, #tpu.memory_space<vmem>>, vector<1x16xf32>,
        %parallel_loop3A_624 = vector.shape_cast %parallel_loop3A_623 : vector<1x16xf32> to vector<16xf32>
        %parallel_loop3A_625 = arith.constant 6 : i32
        %parallel_loop3A_626 = arith.index_cast %parallel_loop3A_625 : i32 to index
        %parallel_loop3A_627 = arith.index_cast %parallel_loop3A_517 : i32 to index
        %parallel_loop3A_628 = tpu.vector_load %arg11[%parallel_loop3A_626, %parallel_loop3A_627] {strides = array<i32>} : memref<8x2048xf32, #tpu.memory_space<vmem>>, vector<1x16xf32>,
        %parallel_loop3A_629 = vector.shape_cast %parallel_loop3A_628 : vector<1x16xf32> to vector<16xf32>
        %parallel_loop3A_630 = arith.addf %parallel_loop3A_624, %parallel_loop3A_629 : vector<16xf32>
        %parallel_loop3A_631 = arith.constant 6 : i32
        %parallel_loop3A_632 = arith.index_cast %parallel_loop3A_631 : i32 to index
        %parallel_loop3A_633 = arith.index_cast %parallel_loop3A_517 : i32 to index
        %parallel_loop3A_634 = tpu.vector_load %arg13[%parallel_loop3A_632, %parallel_loop3A_633] {strides = array<i32>} : memref<8x2048xf32, #tpu.memory_space<vmem>>, vector<1x16xf32>,
        %parallel_loop3A_635 = vector.shape_cast %parallel_loop3A_634 : vector<1x16xf32> to vector<16xf32>
        %parallel_loop3A_636 = vector.shape_cast %parallel_loop3A_630 : vector<16xf32> to vector<1x16xf32>
        tpu.vector_store %arg13[%parallel_loop3A_632, %parallel_loop3A_633], %parallel_loop3A_636 {strides = array<i32>} : memref<8x2048xf32, #tpu.memory_space<vmem>>, vector<1x16xf32>,
        %parallel_loop3A_637 = arith.constant 15 : i32
        %parallel_loop3A_638 = arith.index_cast %parallel_loop3A_637 : i32 to index
        %parallel_loop3A_639 = arith.index_cast %parallel_loop3A_517 : i32 to index
        %parallel_loop3A_640 = tpu.vector_load %arg10[%parallel_loop3A_638, %parallel_loop3A_639] {strides = array<i32>} : memref<16x2048xf32, #tpu.memory_space<vmem>>, vector<1x16xf32>,
        %parallel_loop3A_641 = vector.shape_cast %parallel_loop3A_640 : vector<1x16xf32> to vector<16xf32>
        %parallel_loop3A_642 = arith.constant 7 : i32
        %parallel_loop3A_643 = arith.index_cast %parallel_loop3A_642 : i32 to index
        %parallel_loop3A_644 = arith.index_cast %parallel_loop3A_517 : i32 to index
        %parallel_loop3A_645 = tpu.vector_load %arg11[%parallel_loop3A_643, %parallel_loop3A_644] {strides = array<i32>} : memref<8x2048xf32, #tpu.memory_space<vmem>>, vector<1x16xf32>,
        %parallel_loop3A_646 = vector.shape_cast %parallel_loop3A_645 : vector<1x16xf32> to vector<16xf32>
        %parallel_loop3A_647 = arith.addf %parallel_loop3A_641, %parallel_loop3A_646 : vector<16xf32>
        %parallel_loop3A_648 = arith.constant 7 : i32
        %parallel_loop3A_649 = arith.index_cast %parallel_loop3A_648 : i32 to index
        %parallel_loop3A_650 = arith.index_cast %parallel_loop3A_517 : i32 to index
        %parallel_loop3A_651 = tpu.vector_load %arg13[%parallel_loop3A_649, %parallel_loop3A_650] {strides = array<i32>} : memref<8x2048xf32, #tpu.memory_space<vmem>>, vector<1x16xf32>,
        %parallel_loop3A_652 = vector.shape_cast %parallel_loop3A_651 : vector<1x16xf32> to vector<16xf32>
        %parallel_loop3A_653 = vector.shape_cast %parallel_loop3A_647 : vector<16xf32> to vector<1x16xf32>
        tpu.vector_store %arg13[%parallel_loop3A_649, %parallel_loop3A_650], %parallel_loop3A_653 {strides = array<i32>} : memref<8x2048xf32, #tpu.memory_space<vmem>>, vector<1x16xf32>,
      } {sc.loop_unroll_factor = 1 : i64, sc.parallel_access}
      %add3A_268 = arith.constant 6144 : i32
      %add3A_269 = arith.addi %add3A_268, %mul3A_2 : i32
      %mul3A_270 = arith.constant 8 : i32
      %mul3A_271 = arith.muli %add3A_81, %mul3A_270 : i32
      %add3A_272 = arith.addi %add3A_269, %mul3A_271 : i32
      %dma_start3A_273 = arith.constant 0 : i32
      %dma_start3A_274 = tpu.memref_slice %arg5[%add3A_272, %dma_start3A_273] : memref<8192x2048xf32, #tpu.memory_space<hbm>> -> memref<8x2048xf32, #tpu.memory_space<hbm>>
      %dma_start3A_275 = arith.constant 0 : i32
      %dma_start3A_276 = tpu.memref_slice %arg5[%add3A_272, %dma_start3A_275] : memref<8192x2048xf32, #tpu.memory_space<hbm>> -> memref<8x2048xf32, #tpu.memory_space<hbm>>
      tpu.enqueue_dma source(%arg13 : memref<8x2048xf32, #tpu.memory_space<vmem>>) target(%dma_start3A_276 : memref<8x2048xf32, #tpu.memory_space<hbm>>) target_semaphore(%arg21 : memref<!tpu.dma_semaphore, #tpu.memory_space<semaphore_mem>>)
      %add3A_277 = arith.constant 4096 : i32
      %add3A_278 = arith.addi %add3A_277, %mul3A_2 : i32
      %mul3A_279 = arith.constant 8 : i32
      %mul3A_280 = arith.muli %add3A_81, %mul3A_279 : i32
      %add3A_281 = arith.addi %add3A_278, %mul3A_280 : i32
      %dma_wait3A_282 = arith.constant 0 : i32
      %dma_wait3A_283 = arith.constant 0 : i32
      %dma_wait3A_284 = tpu.memref_slice %arg10[%dma_wait3A_282, %dma_wait3A_283] : memref<16x2048xf32, #tpu.memory_space<vmem>> -> memref<8x2048xf32, #tpu.memory_space<vmem>>
      %dma_wait3A_285 = arith.constant 0 : i32
      %dma_wait3A_286 = tpu.memref_slice %arg5[%add3A_281, %dma_wait3A_285] : memref<8192x2048xf32, #tpu.memory_space<hbm>> -> memref<8x2048xf32, #tpu.memory_space<hbm>>
      %dma_wait3A_287 = arith.constant 0 : i32
      %dma_wait3A_288 = tpu.memref_slice %arg5[%add3A_281, %dma_wait3A_287] : memref<8192x2048xf32, #tpu.memory_space<hbm>> -> memref<8x2048xf32, #tpu.memory_space<hbm>>
      %dma_wait3A_289 = arith.constant 0 : i32
      %dma_wait3A_290 = arith.constant 0 : i32
      %dma_wait3A_291 = tpu.memref_slice %arg10[%dma_wait3A_289, %dma_wait3A_290] : memref<16x2048xf32, #tpu.memory_space<vmem>> -> memref<8x2048xf32, #tpu.memory_space<vmem>>
      tpu.wait_dma2 semaphore(%arg20 : memref<!tpu.dma_semaphore, #tpu.memory_space<semaphore_mem>>) src(%dma_wait3A_291 : memref<8x2048xf32, #tpu.memory_space<vmem>>) dst(%dma_wait3A_288 : memref<8x2048xf32, #tpu.memory_space<hbm>>)
      %add3A_292 = arith.constant 1 : i32
      %add3A_293 = arith.addi %add3A_81, %add3A_292 : i32
      %mul3A_294 = arith.constant 2 : i32
      %mul3A_295 = arith.muli %add3A_293, %mul3A_294 : i32
      %add3A_296 = arith.constant 1 : i32
      %add3A_297 = arith.addi %mul3A_295, %add3A_296 : i32
      %mul3A_298 = arith.constant 16 : i32
      %mul3A_299 = arith.muli %add3A_297, %mul3A_298 : i32
      %dma_start3A_300 = arith.constant 0 : i32
      %dma_start3A_301 = arith.constant 0 : i32
      %dma_start3A_302 = tpu.memref_slice %arg10[%dma_start3A_300, %dma_start3A_301] : memref<16x2048xf32, #tpu.memory_space<vmem>> -> memref<8x2048xf32, #tpu.memory_space<vmem>>
      %dma_start3A_303 = tpu.memref_slice %arg6[%mul3A_299] : memref<256xi32, #tpu.memory_space<vmem>> -> memref<8xi32, #tpu.memory_space<vmem>>
      %dma_start3A_304 = arith.constant 0 : i32
      %dma_start3A_305 = arith.constant 0 : i32
      %dma_start3A_306 = tpu.memref_slice %arg3[%dma_start3A_304, %dma_start3A_305] : memref<50272x2048xf32, #tpu.memory_space<hbm>> -> memref<50272x2048xf32, #tpu.memory_space<hbm>>
      tpu.enqueue_indirect_dma source(%dma_start3A_306 : memref<50272x2048xf32, #tpu.memory_space<hbm>>) target(%dma_start3A_302 : memref<8x2048xf32, #tpu.memory_space<vmem>>) offsets(%dma_start3A_303 : memref<8xi32, #tpu.memory_space<vmem>>) semaphore(%arg15 : memref<!tpu.dma_semaphore, #tpu.memory_space<semaphore_mem>>)
      %mul3A_307 = arith.constant 2 : i32
      %mul3A_308 = arith.muli %add3A_293, %mul3A_307 : i32
      %add3A_309 = arith.constant 1 : i32
      %add3A_310 = arith.addi %mul3A_308, %add3A_309 : i32
      %mul3A_311 = arith.constant 16 : i32
      %mul3A_312 = arith.muli %add3A_310, %mul3A_311 : i32
      %add3A_313 = arith.constant 8 : i32
      %add3A_314 = arith.addi %mul3A_312, %add3A_313 : i32
      %dma_start3A_315 = arith.constant 8 : i32
      %dma_start3A_316 = arith.constant 0 : i32
      %dma_start3A_317 = tpu.memref_slice %arg10[%dma_start3A_315, %dma_start3A_316] : memref<16x2048xf32, #tpu.memory_space<vmem>> -> memref<8x2048xf32, #tpu.memory_space<vmem>>
      %dma_start3A_318 = tpu.memref_slice %arg6[%add3A_314] : memref<256xi32, #tpu.memory_space<vmem>> -> memref<8xi32, #tpu.memory_space<vmem>>
      %dma_start3A_319 = arith.constant 0 : i32
      %dma_start3A_320 = arith.constant 0 : i32
      %dma_start3A_321 = tpu.memref_slice %arg3[%dma_start3A_319, %dma_start3A_320] : memref<50272x2048xf32, #tpu.memory_space<hbm>> -> memref<50272x2048xf32, #tpu.memory_space<hbm>>
      tpu.enqueue_indirect_dma source(%dma_start3A_321 : memref<50272x2048xf32, #tpu.memory_space<hbm>>) target(%dma_start3A_317 : memref<8x2048xf32, #tpu.memory_space<vmem>>) offsets(%dma_start3A_318 : memref<8xi32, #tpu.memory_space<vmem>>) semaphore(%arg17 : memref<!tpu.dma_semaphore, #tpu.memory_space<semaphore_mem>>)
      %mul3A_322 = arith.constant 2 : i32
      %mul3A_323 = arith.muli %mul3A_322, %scan3A_77 : i32
      %add3A_324 = arith.constant 1 : i32
      %add3A_325 = arith.addi %mul3A_323, %add3A_324 : i32
      %dma_wait3A_326 = arith.constant 0 : i32
      %dma_wait3A_327 = tpu.memref_slice %arg8[%dma_wait3A_326] : memref<16xi32, #tpu.memory_space<vmem>> -> memref<8xi32, #tpu.memory_space<vmem>>
      %dma_wait3A_328 = arith.constant 0 : i32
      %dma_wait3A_329 = arith.constant 0 : i32
      %dma_wait3A_330 = tpu.memref_slice %arg4[%dma_wait3A_328, %dma_wait3A_329] : memref<2050x2048xf32, #tpu.memory_space<hbm>> -> memref<2050x2048xf32, #tpu.memory_space<hbm>>
      tpu.wait_indirect_dma semaphore(%arg19 : memref<!tpu.dma_semaphore, #tpu.memory_space<semaphore_mem>>) src(%dma_wait3A_330 : memref<2050x2048xf32, #tpu.memory_space<hbm>>) dst(%arg12 : memref<8x2048xf32, #tpu.memory_space<vmem>>)
      %add3A_331 = arith.constant 1 : i32
      %add3A_332 = arith.addi %scan3A_77, %add3A_331 : i32
      %lt3A = arith.constant 4 : i32
      %lt3A_333 = arith.cmpi slt, %add3A_332, %lt3A : i32
      %convert_element_type3A_334 = arith.extui %lt3A_333 : i1 to i32
      %cond3A_335 = arith.constant 0 : i32
      %cond3A_336 = arith.cmpi ne, %convert_element_type3A_334, %cond3A_335 : i32
      scf.if %cond3A_336 {
        %add3A_515 = arith.constant 1 : i32
        %add3A_516 = arith.addi %add3A_325, %add3A_515 : i32
        %iota3A_517 = tpu.iota {dimensions = array<i32: 0>} : vector<16xi32>
        %add3A_518 = arith.constant 2 : i32
        %add3A_519 = arith.addi %mul3A_2, %add3A_518 : i32
        %mul3A_520 = arith.constant 8 : i32
        %mul3A_521 = arith.muli %add3A_516, %mul3A_520 : i32
        %add3A_522 = arith.addi %add3A_519, %mul3A_521 : i32
        %add3A_523 = vector.broadcast %add3A_522 : i32 to vector<16xi32>
        %add3A_524 = arith.addi %iota3A_517, %add3A_523 : vector<16xi32>
        %swap3A_525 = arith.constant 0 : index
        %swap3A_526 = tpu.vector_load %arg7[%swap3A_525] {strides = array<i32>} : memref<16xi32, #tpu.memory_space<vmem>>, vector<16xi32>,
        %swap3A_527 = vector.shape_cast %swap3A_526 : vector<16xi32> to vector<16xi32>
        %swap3A_528 = vector.shape_cast %add3A_524 : vector<16xi32> to vector<16xi32>
        tpu.vector_store %arg7[%swap3A_525], %swap3A_528 {strides = array<i32>} : memref<16xi32, #tpu.memory_space<vmem>>, vector<16xi32>,
        %dma_start3A_529 = arith.constant 0 : i32
        %dma_start3A_530 = tpu.memref_slice %arg7[%dma_start3A_529] : memref<16xi32, #tpu.memory_space<vmem>> -> memref<8xi32, #tpu.memory_space<vmem>>
        %dma_start3A_531 = arith.constant 0 : i32
        %dma_start3A_532 = arith.constant 0 : i32
        %dma_start3A_533 = tpu.memref_slice %arg4[%dma_start3A_531, %dma_start3A_532] : memref<2050x2048xf32, #tpu.memory_space<hbm>> -> memref<2050x2048xf32, #tpu.memory_space<hbm>>
        tpu.enqueue_indirect_dma source(%dma_start3A_533 : memref<2050x2048xf32, #tpu.memory_space<hbm>>) target(%arg11 : memref<8x2048xf32, #tpu.memory_space<vmem>>) offsets(%dma_start3A_530 : memref<8xi32, #tpu.memory_space<vmem>>) semaphore(%arg18 : memref<!tpu.dma_semaphore, #tpu.memory_space<semaphore_mem>>)
      } else {
      }
      %mul3A_337 = arith.constant 2 : i32
      %mul3A_338 = arith.muli %add3A_325, %mul3A_337 : i32
      %add3A_339 = arith.constant 0 : i32
      %add3A_340 = arith.addi %mul3A_338, %add3A_339 : i32
      %mul3A_341 = arith.constant 16 : i32
      %mul3A_342 = arith.muli %add3A_340, %mul3A_341 : i32
      %dma_wait3A_343 = arith.constant 0 : i32
      %dma_wait3A_344 = arith.constant 0 : i32
      %dma_wait3A_345 = tpu.memref_slice %arg9[%dma_wait3A_343, %dma_wait3A_344] : memref<16x2048xf32, #tpu.memory_space<vmem>> -> memref<8x2048xf32, #tpu.memory_space<vmem>>
      %dma_wait3A_346 = tpu.memref_slice %arg6[%mul3A_342] : memref<256xi32, #tpu.memory_space<vmem>> -> memref<8xi32, #tpu.memory_space<vmem>>
      %dma_wait3A_347 = arith.constant 0 : i32
      %dma_wait3A_348 = arith.constant 0 : i32
      %dma_wait3A_349 = tpu.memref_slice %arg3[%dma_wait3A_347, %dma_wait3A_348] : memref<50272x2048xf32, #tpu.memory_space<hbm>> -> memref<50272x2048xf32, #tpu.memory_space<hbm>>
      tpu.wait_indirect_dma semaphore(%arg14 : memref<!tpu.dma_semaphore, #tpu.memory_space<semaphore_mem>>) src(%dma_wait3A_349 : memref<50272x2048xf32, #tpu.memory_space<hbm>>) dst(%dma_wait3A_345 : memref<8x2048xf32, #tpu.memory_space<vmem>>)
      %parallel_loop3A_350 = arith.constant 0 : i32
      %parallel_loop3A_351 = arith.constant 128 : i32
      %parallel_loop3A_352 = arith.constant 1 : i32
      scf.for %parallel_loop3A_515 = %parallel_loop3A_350 to %parallel_loop3A_351 step %parallel_loop3A_352  : i32 {
        %parallel_loop3A_516 = arith.constant 16 : i32
        %parallel_loop3A_517 = arith.muli %parallel_loop3A_515, %parallel_loop3A_516 : i32
        %parallel_loop3A_518 = arith.constant 0 : i32
        %parallel_loop3A_519 = arith.index_cast %parallel_loop3A_518 : i32 to index
        %parallel_loop3A_520 = arith.index_cast %parallel_loop3A_517 : i32 to index
        %parallel_loop3A_521 = tpu.vector_load %arg12[%parallel_loop3A_519, %parallel_loop3A_520] {strides = array<i32>} : memref<8x2048xf32, #tpu.memory_space<vmem>>, vector<1x16xf32>,
        %parallel_loop3A_522 = vector.shape_cast %parallel_loop3A_521 : vector<1x16xf32> to vector<16xf32>
        %parallel_loop3A_523 = arith.constant 0 : i32
        %parallel_loop3A_524 = arith.index_cast %parallel_loop3A_523 : i32 to index
        %parallel_loop3A_525 = arith.index_cast %parallel_loop3A_517 : i32 to index
        %parallel_loop3A_526 = tpu.vector_load %arg9[%parallel_loop3A_524, %parallel_loop3A_525] {strides = array<i32>} : memref<16x2048xf32, #tpu.memory_space<vmem>>, vector<1x16xf32>,
        %parallel_loop3A_527 = vector.shape_cast %parallel_loop3A_526 : vector<1x16xf32> to vector<16xf32>
        %parallel_loop3A_528 = vector.shape_cast %parallel_loop3A_522 : vector<16xf32> to vector<1x16xf32>
        tpu.vector_store %arg9[%parallel_loop3A_524, %parallel_loop3A_525], %parallel_loop3A_528 {add = true, strides = array<i32>} : memref<16x2048xf32, #tpu.memory_space<vmem>>, vector<1x16xf32>,
        %parallel_loop3A_529 = arith.constant 1 : i32
        %parallel_loop3A_530 = arith.index_cast %parallel_loop3A_529 : i32 to index
        %parallel_loop3A_531 = arith.index_cast %parallel_loop3A_517 : i32 to index
        %parallel_loop3A_532 = tpu.vector_load %arg12[%parallel_loop3A_530, %parallel_loop3A_531] {strides = array<i32>} : memref<8x2048xf32, #tpu.memory_space<vmem>>, vector<1x16xf32>,
        %parallel_loop3A_533 = vector.shape_cast %parallel_loop3A_532 : vector<1x16xf32> to vector<16xf32>
        %parallel_loop3A_534 = arith.constant 1 : i32
        %parallel_loop3A_535 = arith.index_cast %parallel_loop3A_534 : i32 to index
        %parallel_loop3A_536 = arith.index_cast %parallel_loop3A_517 : i32 to index
        %parallel_loop3A_537 = tpu.vector_load %arg9[%parallel_loop3A_535, %parallel_loop3A_536] {strides = array<i32>} : memref<16x2048xf32, #tpu.memory_space<vmem>>, vector<1x16xf32>,
        %parallel_loop3A_538 = vector.shape_cast %parallel_loop3A_537 : vector<1x16xf32> to vector<16xf32>
        %parallel_loop3A_539 = vector.shape_cast %parallel_loop3A_533 : vector<16xf32> to vector<1x16xf32>
        tpu.vector_store %arg9[%parallel_loop3A_535, %parallel_loop3A_536], %parallel_loop3A_539 {add = true, strides = array<i32>} : memref<16x2048xf32, #tpu.memory_space<vmem>>, vector<1x16xf32>,
        %parallel_loop3A_540 = arith.constant 2 : i32
        %parallel_loop3A_541 = arith.index_cast %parallel_loop3A_540 : i32 to index
        %parallel_loop3A_542 = arith.index_cast %parallel_loop3A_517 : i32 to index
        %parallel_loop3A_543 = tpu.vector_load %arg12[%parallel_loop3A_541, %parallel_loop3A_542] {strides = array<i32>} : memref<8x2048xf32, #tpu.memory_space<vmem>>, vector<1x16xf32>,
        %parallel_loop3A_544 = vector.shape_cast %parallel_loop3A_543 : vector<1x16xf32> to vector<16xf32>
        %parallel_loop3A_545 = arith.constant 2 : i32
        %parallel_loop3A_546 = arith.index_cast %parallel_loop3A_545 : i32 to index
        %parallel_loop3A_547 = arith.index_cast %parallel_loop3A_517 : i32 to index
        %parallel_loop3A_548 = tpu.vector_load %arg9[%parallel_loop3A_546, %parallel_loop3A_547] {strides = array<i32>} : memref<16x2048xf32, #tpu.memory_space<vmem>>, vector<1x16xf32>,
        %parallel_loop3A_549 = vector.shape_cast %parallel_loop3A_548 : vector<1x16xf32> to vector<16xf32>
        %parallel_loop3A_550 = vector.shape_cast %parallel_loop3A_544 : vector<16xf32> to vector<1x16xf32>
        tpu.vector_store %arg9[%parallel_loop3A_546, %parallel_loop3A_547], %parallel_loop3A_550 {add = true, strides = array<i32>} : memref<16x2048xf32, #tpu.memory_space<vmem>>, vector<1x16xf32>,
        %parallel_loop3A_551 = arith.constant 3 : i32
        %parallel_loop3A_552 = arith.index_cast %parallel_loop3A_551 : i32 to index
        %parallel_loop3A_553 = arith.index_cast %parallel_loop3A_517 : i32 to index
        %parallel_loop3A_554 = tpu.vector_load %arg12[%parallel_loop3A_552, %parallel_loop3A_553] {strides = array<i32>} : memref<8x2048xf32, #tpu.memory_space<vmem>>, vector<1x16xf32>,
        %parallel_loop3A_555 = vector.shape_cast %parallel_loop3A_554 : vector<1x16xf32> to vector<16xf32>
        %parallel_loop3A_556 = arith.constant 3 : i32
        %parallel_loop3A_557 = arith.index_cast %parallel_loop3A_556 : i32 to index
        %parallel_loop3A_558 = arith.index_cast %parallel_loop3A_517 : i32 to index
        %parallel_loop3A_559 = tpu.vector_load %arg9[%parallel_loop3A_557, %parallel_loop3A_558] {strides = array<i32>} : memref<16x2048xf32, #tpu.memory_space<vmem>>, vector<1x16xf32>,
        %parallel_loop3A_560 = vector.shape_cast %parallel_loop3A_559 : vector<1x16xf32> to vector<16xf32>
        %parallel_loop3A_561 = vector.shape_cast %parallel_loop3A_555 : vector<16xf32> to vector<1x16xf32>
        tpu.vector_store %arg9[%parallel_loop3A_557, %parallel_loop3A_558], %parallel_loop3A_561 {add = true, strides = array<i32>} : memref<16x2048xf32, #tpu.memory_space<vmem>>, vector<1x16xf32>,
        %parallel_loop3A_562 = arith.constant 4 : i32
        %parallel_loop3A_563 = arith.index_cast %parallel_loop3A_562 : i32 to index
        %parallel_loop3A_564 = arith.index_cast %parallel_loop3A_517 : i32 to index
        %parallel_loop3A_565 = tpu.vector_load %arg12[%parallel_loop3A_563, %parallel_loop3A_564] {strides = array<i32>} : memref<8x2048xf32, #tpu.memory_space<vmem>>, vector<1x16xf32>,
        %parallel_loop3A_566 = vector.shape_cast %parallel_loop3A_565 : vector<1x16xf32> to vector<16xf32>
        %parallel_loop3A_567 = arith.constant 4 : i32
        %parallel_loop3A_568 = arith.index_cast %parallel_loop3A_567 : i32 to index
        %parallel_loop3A_569 = arith.index_cast %parallel_loop3A_517 : i32 to index
        %parallel_loop3A_570 = tpu.vector_load %arg9[%parallel_loop3A_568, %parallel_loop3A_569] {strides = array<i32>} : memref<16x2048xf32, #tpu.memory_space<vmem>>, vector<1x16xf32>,
        %parallel_loop3A_571 = vector.shape_cast %parallel_loop3A_570 : vector<1x16xf32> to vector<16xf32>
        %parallel_loop3A_572 = vector.shape_cast %parallel_loop3A_566 : vector<16xf32> to vector<1x16xf32>
        tpu.vector_store %arg9[%parallel_loop3A_568, %parallel_loop3A_569], %parallel_loop3A_572 {add = true, strides = array<i32>} : memref<16x2048xf32, #tpu.memory_space<vmem>>, vector<1x16xf32>,
        %parallel_loop3A_573 = arith.constant 5 : i32
        %parallel_loop3A_574 = arith.index_cast %parallel_loop3A_573 : i32 to index
        %parallel_loop3A_575 = arith.index_cast %parallel_loop3A_517 : i32 to index
        %parallel_loop3A_576 = tpu.vector_load %arg12[%parallel_loop3A_574, %parallel_loop3A_575] {strides = array<i32>} : memref<8x2048xf32, #tpu.memory_space<vmem>>, vector<1x16xf32>,
        %parallel_loop3A_577 = vector.shape_cast %parallel_loop3A_576 : vector<1x16xf32> to vector<16xf32>
        %parallel_loop3A_578 = arith.constant 5 : i32
        %parallel_loop3A_579 = arith.index_cast %parallel_loop3A_578 : i32 to index
        %parallel_loop3A_580 = arith.index_cast %parallel_loop3A_517 : i32 to index
        %parallel_loop3A_581 = tpu.vector_load %arg9[%parallel_loop3A_579, %parallel_loop3A_580] {strides = array<i32>} : memref<16x2048xf32, #tpu.memory_space<vmem>>, vector<1x16xf32>,
        %parallel_loop3A_582 = vector.shape_cast %parallel_loop3A_581 : vector<1x16xf32> to vector<16xf32>
        %parallel_loop3A_583 = vector.shape_cast %parallel_loop3A_577 : vector<16xf32> to vector<1x16xf32>
        tpu.vector_store %arg9[%parallel_loop3A_579, %parallel_loop3A_580], %parallel_loop3A_583 {add = true, strides = array<i32>} : memref<16x2048xf32, #tpu.memory_space<vmem>>, vector<1x16xf32>,
        %parallel_loop3A_584 = arith.constant 6 : i32
        %parallel_loop3A_585 = arith.index_cast %parallel_loop3A_584 : i32 to index
        %parallel_loop3A_586 = arith.index_cast %parallel_loop3A_517 : i32 to index
        %parallel_loop3A_587 = tpu.vector_load %arg12[%parallel_loop3A_585, %parallel_loop3A_586] {strides = array<i32>} : memref<8x2048xf32, #tpu.memory_space<vmem>>, vector<1x16xf32>,
        %parallel_loop3A_588 = vector.shape_cast %parallel_loop3A_587 : vector<1x16xf32> to vector<16xf32>
        %parallel_loop3A_589 = arith.constant 6 : i32
        %parallel_loop3A_590 = arith.index_cast %parallel_loop3A_589 : i32 to index
        %parallel_loop3A_591 = arith.index_cast %parallel_loop3A_517 : i32 to index
        %parallel_loop3A_592 = tpu.vector_load %arg9[%parallel_loop3A_590, %parallel_loop3A_591] {strides = array<i32>} : memref<16x2048xf32, #tpu.memory_space<vmem>>, vector<1x16xf32>,
        %parallel_loop3A_593 = vector.shape_cast %parallel_loop3A_592 : vector<1x16xf32> to vector<16xf32>
        %parallel_loop3A_594 = vector.shape_cast %parallel_loop3A_588 : vector<16xf32> to vector<1x16xf32>
        tpu.vector_store %arg9[%parallel_loop3A_590, %parallel_loop3A_591], %parallel_loop3A_594 {add = true, strides = array<i32>} : memref<16x2048xf32, #tpu.memory_space<vmem>>, vector<1x16xf32>,
        %parallel_loop3A_595 = arith.constant 7 : i32
        %parallel_loop3A_596 = arith.index_cast %parallel_loop3A_595 : i32 to index
        %parallel_loop3A_597 = arith.index_cast %parallel_loop3A_517 : i32 to index
        %parallel_loop3A_598 = tpu.vector_load %arg12[%parallel_loop3A_596, %parallel_loop3A_597] {strides = array<i32>} : memref<8x2048xf32, #tpu.memory_space<vmem>>, vector<1x16xf32>,
        %parallel_loop3A_599 = vector.shape_cast %parallel_loop3A_598 : vector<1x16xf32> to vector<16xf32>
        %parallel_loop3A_600 = arith.constant 7 : i32
        %parallel_loop3A_601 = arith.index_cast %parallel_loop3A_600 : i32 to index
        %parallel_loop3A_602 = arith.index_cast %parallel_loop3A_517 : i32 to index
        %parallel_loop3A_603 = tpu.vector_load %arg9[%parallel_loop3A_601, %parallel_loop3A_602] {strides = array<i32>} : memref<16x2048xf32, #tpu.memory_space<vmem>>, vector<1x16xf32>,
        %parallel_loop3A_604 = vector.shape_cast %parallel_loop3A_603 : vector<1x16xf32> to vector<16xf32>
        %parallel_loop3A_605 = vector.shape_cast %parallel_loop3A_599 : vector<16xf32> to vector<1x16xf32>
        tpu.vector_store %arg9[%parallel_loop3A_601, %parallel_loop3A_602], %parallel_loop3A_605 {add = true, strides = array<i32>} : memref<16x2048xf32, #tpu.memory_space<vmem>>, vector<1x16xf32>,
      } {sc.loop_unroll_factor = 1 : i64, sc.parallel_access}
      %add3A_353 = arith.constant 0 : i32
      %add3A_354 = arith.addi %add3A_353, %mul3A_2 : i32
      %mul3A_355 = arith.constant 8 : i32
      %mul3A_356 = arith.muli %add3A_325, %mul3A_355 : i32
      %add3A_357 = arith.addi %add3A_354, %mul3A_356 : i32
      %dma_start3A_358 = arith.constant 0 : i32
      %dma_start3A_359 = arith.constant 0 : i32
      %dma_start3A_360 = tpu.memref_slice %arg9[%dma_start3A_358, %dma_start3A_359] : memref<16x2048xf32, #tpu.memory_space<vmem>> -> memref<8x2048xf32, #tpu.memory_space<vmem>>
      %dma_start3A_361 = arith.constant 0 : i32
      %dma_start3A_362 = tpu.memref_slice %arg5[%add3A_357, %dma_start3A_361] : memref<8192x2048xf32, #tpu.memory_space<hbm>> -> memref<8x2048xf32, #tpu.memory_space<hbm>>
      %dma_start3A_363 = arith.constant 0 : i32
      %dma_start3A_364 = tpu.memref_slice %arg5[%add3A_357, %dma_start3A_363] : memref<8192x2048xf32, #tpu.memory_space<hbm>> -> memref<8x2048xf32, #tpu.memory_space<hbm>>
      %dma_start3A_365 = arith.constant 0 : i32
      %dma_start3A_366 = arith.constant 0 : i32
      %dma_start3A_367 = tpu.memref_slice %arg9[%dma_start3A_365, %dma_start3A_366] : memref<16x2048xf32, #tpu.memory_space<vmem>> -> memref<8x2048xf32, #tpu.memory_space<vmem>>
      tpu.enqueue_dma source(%dma_start3A_367 : memref<8x2048xf32, #tpu.memory_space<vmem>>) target(%dma_start3A_364 : memref<8x2048xf32, #tpu.memory_space<hbm>>) target_semaphore(%arg20 : memref<!tpu.dma_semaphore, #tpu.memory_space<semaphore_mem>>)
      %add3A_368 = arith.constant 2048 : i32
      %add3A_369 = arith.addi %add3A_368, %mul3A_2 : i32
      %mul3A_370 = arith.constant 8 : i32
      %mul3A_371 = arith.muli %add3A_325, %mul3A_370 : i32
      %add3A_372 = arith.addi %add3A_369, %mul3A_371 : i32
      %dma_wait3A_373 = arith.constant 0 : i32
      %dma_wait3A_374 = tpu.memref_slice %arg5[%add3A_372, %dma_wait3A_373] : memref<8192x2048xf32, #tpu.memory_space<hbm>> -> memref<8x2048xf32, #tpu.memory_space<hbm>>
      %dma_wait3A_375 = arith.constant 0 : i32
      %dma_wait3A_376 = tpu.memref_slice %arg5[%add3A_372, %dma_wait3A_375] : memref<8192x2048xf32, #tpu.memory_space<hbm>> -> memref<8x2048xf32, #tpu.memory_space<hbm>>
      tpu.wait_dma2 semaphore(%arg21 : memref<!tpu.dma_semaphore, #tpu.memory_space<semaphore_mem>>) src(%arg13 : memref<8x2048xf32, #tpu.memory_space<vmem>>) dst(%dma_wait3A_376 : memref<8x2048xf32, #tpu.memory_space<hbm>>)
      %mul3A_377 = arith.constant 2 : i32
      %mul3A_378 = arith.muli %add3A_325, %mul3A_377 : i32
      %add3A_379 = arith.constant 0 : i32
      %add3A_380 = arith.addi %mul3A_378, %add3A_379 : i32
      %mul3A_381 = arith.constant 16 : i32
      %mul3A_382 = arith.muli %add3A_380, %mul3A_381 : i32
      %add3A_383 = arith.constant 8 : i32
      %add3A_384 = arith.addi %mul3A_382, %add3A_383 : i32
      %dma_wait3A_385 = arith.constant 8 : i32
      %dma_wait3A_386 = arith.constant 0 : i32
      %dma_wait3A_387 = tpu.memref_slice %arg9[%dma_wait3A_385, %dma_wait3A_386] : memref<16x2048xf32, #tpu.memory_space<vmem>> -> memref<8x2048xf32, #tpu.memory_space<vmem>>
      %dma_wait3A_388 = tpu.memref_slice %arg6[%add3A_384] : memref<256xi32, #tpu.memory_space<vmem>> -> memref<8xi32, #tpu.memory_space<vmem>>
      %dma_wait3A_389 = arith.constant 0 : i32
      %dma_wait3A_390 = arith.constant 0 : i32
      %dma_wait3A_391 = tpu.memref_slice %arg3[%dma_wait3A_389, %dma_wait3A_390] : memref<50272x2048xf32, #tpu.memory_space<hbm>> -> memref<50272x2048xf32, #tpu.memory_space<hbm>>
      tpu.wait_indirect_dma semaphore(%arg16 : memref<!tpu.dma_semaphore, #tpu.memory_space<semaphore_mem>>) src(%dma_wait3A_391 : memref<50272x2048xf32, #tpu.memory_space<hbm>>) dst(%dma_wait3A_387 : memref<8x2048xf32, #tpu.memory_space<vmem>>)
      %parallel_loop3A_392 = arith.constant 0 : i32
      %parallel_loop3A_393 = arith.constant 128 : i32
      %parallel_loop3A_394 = arith.constant 1 : i32
      scf.for %parallel_loop3A_515 = %parallel_loop3A_392 to %parallel_loop3A_393 step %parallel_loop3A_394  : i32 {
        %parallel_loop3A_516 = arith.constant 16 : i32
        %parallel_loop3A_517 = arith.muli %parallel_loop3A_515, %parallel_loop3A_516 : i32
        %parallel_loop3A_518 = arith.constant 8 : i32
        %parallel_loop3A_519 = arith.index_cast %parallel_loop3A_518 : i32 to index
        %parallel_loop3A_520 = arith.index_cast %parallel_loop3A_517 : i32 to index
        %parallel_loop3A_521 = tpu.vector_load %arg9[%parallel_loop3A_519, %parallel_loop3A_520] {strides = array<i32>} : memref<16x2048xf32, #tpu.memory_space<vmem>>, vector<1x16xf32>,
        %parallel_loop3A_522 = vector.shape_cast %parallel_loop3A_521 : vector<1x16xf32> to vector<16xf32>
        %parallel_loop3A_523 = arith.constant 0 : i32
        %parallel_loop3A_524 = arith.index_cast %parallel_loop3A_523 : i32 to index
        %parallel_loop3A_525 = arith.index_cast %parallel_loop3A_517 : i32 to index
        %parallel_loop3A_526 = tpu.vector_load %arg12[%parallel_loop3A_524, %parallel_loop3A_525] {strides = array<i32>} : memref<8x2048xf32, #tpu.memory_space<vmem>>, vector<1x16xf32>,
        %parallel_loop3A_527 = vector.shape_cast %parallel_loop3A_526 : vector<1x16xf32> to vector<16xf32>
        %parallel_loop3A_528 = arith.addf %parallel_loop3A_522, %parallel_loop3A_527 : vector<16xf32>
        %parallel_loop3A_529 = arith.constant 0 : i32
        %parallel_loop3A_530 = arith.index_cast %parallel_loop3A_529 : i32 to index
        %parallel_loop3A_531 = arith.index_cast %parallel_loop3A_517 : i32 to index
        %parallel_loop3A_532 = tpu.vector_load %arg13[%parallel_loop3A_530, %parallel_loop3A_531] {strides = array<i32>} : memref<8x2048xf32, #tpu.memory_space<vmem>>, vector<1x16xf32>,
        %parallel_loop3A_533 = vector.shape_cast %parallel_loop3A_532 : vector<1x16xf32> to vector<16xf32>
        %parallel_loop3A_534 = vector.shape_cast %parallel_loop3A_528 : vector<16xf32> to vector<1x16xf32>
        tpu.vector_store %arg13[%parallel_loop3A_530, %parallel_loop3A_531], %parallel_loop3A_534 {strides = array<i32>} : memref<8x2048xf32, #tpu.memory_space<vmem>>, vector<1x16xf32>,
        %parallel_loop3A_535 = arith.constant 9 : i32
        %parallel_loop3A_536 = arith.index_cast %parallel_loop3A_535 : i32 to index
        %parallel_loop3A_537 = arith.index_cast %parallel_loop3A_517 : i32 to index
        %parallel_loop3A_538 = tpu.vector_load %arg9[%parallel_loop3A_536, %parallel_loop3A_537] {strides = array<i32>} : memref<16x2048xf32, #tpu.memory_space<vmem>>, vector<1x16xf32>,
        %parallel_loop3A_539 = vector.shape_cast %parallel_loop3A_538 : vector<1x16xf32> to vector<16xf32>
        %parallel_loop3A_540 = arith.constant 1 : i32
        %parallel_loop3A_541 = arith.index_cast %parallel_loop3A_540 : i32 to index
        %parallel_loop3A_542 = arith.index_cast %parallel_loop3A_517 : i32 to index
        %parallel_loop3A_543 = tpu.vector_load %arg12[%parallel_loop3A_541, %parallel_loop3A_542] {strides = array<i32>} : memref<8x2048xf32, #tpu.memory_space<vmem>>, vector<1x16xf32>,
        %parallel_loop3A_544 = vector.shape_cast %parallel_loop3A_543 : vector<1x16xf32> to vector<16xf32>
        %parallel_loop3A_545 = arith.addf %parallel_loop3A_539, %parallel_loop3A_544 : vector<16xf32>
        %parallel_loop3A_546 = arith.constant 1 : i32
        %parallel_loop3A_547 = arith.index_cast %parallel_loop3A_546 : i32 to index
        %parallel_loop3A_548 = arith.index_cast %parallel_loop3A_517 : i32 to index
        %parallel_loop3A_549 = tpu.vector_load %arg13[%parallel_loop3A_547, %parallel_loop3A_548] {strides = array<i32>} : memref<8x2048xf32, #tpu.memory_space<vmem>>, vector<1x16xf32>,
        %parallel_loop3A_550 = vector.shape_cast %parallel_loop3A_549 : vector<1x16xf32> to vector<16xf32>
        %parallel_loop3A_551 = vector.shape_cast %parallel_loop3A_545 : vector<16xf32> to vector<1x16xf32>
        tpu.vector_store %arg13[%parallel_loop3A_547, %parallel_loop3A_548], %parallel_loop3A_551 {strides = array<i32>} : memref<8x2048xf32, #tpu.memory_space<vmem>>, vector<1x16xf32>,
        %parallel_loop3A_552 = arith.constant 10 : i32
        %parallel_loop3A_553 = arith.index_cast %parallel_loop3A_552 : i32 to index
        %parallel_loop3A_554 = arith.index_cast %parallel_loop3A_517 : i32 to index
        %parallel_loop3A_555 = tpu.vector_load %arg9[%parallel_loop3A_553, %parallel_loop3A_554] {strides = array<i32>} : memref<16x2048xf32, #tpu.memory_space<vmem>>, vector<1x16xf32>,
        %parallel_loop3A_556 = vector.shape_cast %parallel_loop3A_555 : vector<1x16xf32> to vector<16xf32>
        %parallel_loop3A_557 = arith.constant 2 : i32
        %parallel_loop3A_558 = arith.index_cast %parallel_loop3A_557 : i32 to index
        %parallel_loop3A_559 = arith.index_cast %parallel_loop3A_517 : i32 to index
        %parallel_loop3A_560 = tpu.vector_load %arg12[%parallel_loop3A_558, %parallel_loop3A_559] {strides = array<i32>} : memref<8x2048xf32, #tpu.memory_space<vmem>>, vector<1x16xf32>,
        %parallel_loop3A_561 = vector.shape_cast %parallel_loop3A_560 : vector<1x16xf32> to vector<16xf32>
        %parallel_loop3A_562 = arith.addf %parallel_loop3A_556, %parallel_loop3A_561 : vector<16xf32>
        %parallel_loop3A_563 = arith.constant 2 : i32
        %parallel_loop3A_564 = arith.index_cast %parallel_loop3A_563 : i32 to index
        %parallel_loop3A_565 = arith.index_cast %parallel_loop3A_517 : i32 to index
        %parallel_loop3A_566 = tpu.vector_load %arg13[%parallel_loop3A_564, %parallel_loop3A_565] {strides = array<i32>} : memref<8x2048xf32, #tpu.memory_space<vmem>>, vector<1x16xf32>,
        %parallel_loop3A_567 = vector.shape_cast %parallel_loop3A_566 : vector<1x16xf32> to vector<16xf32>
        %parallel_loop3A_568 = vector.shape_cast %parallel_loop3A_562 : vector<16xf32> to vector<1x16xf32>
        tpu.vector_store %arg13[%parallel_loop3A_564, %parallel_loop3A_565], %parallel_loop3A_568 {strides = array<i32>} : memref<8x2048xf32, #tpu.memory_space<vmem>>, vector<1x16xf32>,
        %parallel_loop3A_569 = arith.constant 11 : i32
        %parallel_loop3A_570 = arith.index_cast %parallel_loop3A_569 : i32 to index
        %parallel_loop3A_571 = arith.index_cast %parallel_loop3A_517 : i32 to index
        %parallel_loop3A_572 = tpu.vector_load %arg9[%parallel_loop3A_570, %parallel_loop3A_571] {strides = array<i32>} : memref<16x2048xf32, #tpu.memory_space<vmem>>, vector<1x16xf32>,
        %parallel_loop3A_573 = vector.shape_cast %parallel_loop3A_572 : vector<1x16xf32> to vector<16xf32>
        %parallel_loop3A_574 = arith.constant 3 : i32
        %parallel_loop3A_575 = arith.index_cast %parallel_loop3A_574 : i32 to index
        %parallel_loop3A_576 = arith.index_cast %parallel_loop3A_517 : i32 to index
        %parallel_loop3A_577 = tpu.vector_load %arg12[%parallel_loop3A_575, %parallel_loop3A_576] {strides = array<i32>} : memref<8x2048xf32, #tpu.memory_space<vmem>>, vector<1x16xf32>,
        %parallel_loop3A_578 = vector.shape_cast %parallel_loop3A_577 : vector<1x16xf32> to vector<16xf32>
        %parallel_loop3A_579 = arith.addf %parallel_loop3A_573, %parallel_loop3A_578 : vector<16xf32>
        %parallel_loop3A_580 = arith.constant 3 : i32
        %parallel_loop3A_581 = arith.index_cast %parallel_loop3A_580 : i32 to index
        %parallel_loop3A_582 = arith.index_cast %parallel_loop3A_517 : i32 to index
        %parallel_loop3A_583 = tpu.vector_load %arg13[%parallel_loop3A_581, %parallel_loop3A_582] {strides = array<i32>} : memref<8x2048xf32, #tpu.memory_space<vmem>>, vector<1x16xf32>,
        %parallel_loop3A_584 = vector.shape_cast %parallel_loop3A_583 : vector<1x16xf32> to vector<16xf32>
        %parallel_loop3A_585 = vector.shape_cast %parallel_loop3A_579 : vector<16xf32> to vector<1x16xf32>
        tpu.vector_store %arg13[%parallel_loop3A_581, %parallel_loop3A_582], %parallel_loop3A_585 {strides = array<i32>} : memref<8x2048xf32, #tpu.memory_space<vmem>>, vector<1x16xf32>,
        %parallel_loop3A_586 = arith.constant 12 : i32
        %parallel_loop3A_587 = arith.index_cast %parallel_loop3A_586 : i32 to index
        %parallel_loop3A_588 = arith.index_cast %parallel_loop3A_517 : i32 to index
        %parallel_loop3A_589 = tpu.vector_load %arg9[%parallel_loop3A_587, %parallel_loop3A_588] {strides = array<i32>} : memref<16x2048xf32, #tpu.memory_space<vmem>>, vector<1x16xf32>,
        %parallel_loop3A_590 = vector.shape_cast %parallel_loop3A_589 : vector<1x16xf32> to vector<16xf32>
        %parallel_loop3A_591 = arith.constant 4 : i32
        %parallel_loop3A_592 = arith.index_cast %parallel_loop3A_591 : i32 to index
        %parallel_loop3A_593 = arith.index_cast %parallel_loop3A_517 : i32 to index
        %parallel_loop3A_594 = tpu.vector_load %arg12[%parallel_loop3A_592, %parallel_loop3A_593] {strides = array<i32>} : memref<8x2048xf32, #tpu.memory_space<vmem>>, vector<1x16xf32>,
        %parallel_loop3A_595 = vector.shape_cast %parallel_loop3A_594 : vector<1x16xf32> to vector<16xf32>
        %parallel_loop3A_596 = arith.addf %parallel_loop3A_590, %parallel_loop3A_595 : vector<16xf32>
        %parallel_loop3A_597 = arith.constant 4 : i32
        %parallel_loop3A_598 = arith.index_cast %parallel_loop3A_597 : i32 to index
        %parallel_loop3A_599 = arith.index_cast %parallel_loop3A_517 : i32 to index
        %parallel_loop3A_600 = tpu.vector_load %arg13[%parallel_loop3A_598, %parallel_loop3A_599] {strides = array<i32>} : memref<8x2048xf32, #tpu.memory_space<vmem>>, vector<1x16xf32>,
        %parallel_loop3A_601 = vector.shape_cast %parallel_loop3A_600 : vector<1x16xf32> to vector<16xf32>
        %parallel_loop3A_602 = vector.shape_cast %parallel_loop3A_596 : vector<16xf32> to vector<1x16xf32>
        tpu.vector_store %arg13[%parallel_loop3A_598, %parallel_loop3A_599], %parallel_loop3A_602 {strides = array<i32>} : memref<8x2048xf32, #tpu.memory_space<vmem>>, vector<1x16xf32>,
        %parallel_loop3A_603 = arith.constant 13 : i32
        %parallel_loop3A_604 = arith.index_cast %parallel_loop3A_603 : i32 to index
        %parallel_loop3A_605 = arith.index_cast %parallel_loop3A_517 : i32 to index
        %parallel_loop3A_606 = tpu.vector_load %arg9[%parallel_loop3A_604, %parallel_loop3A_605] {strides = array<i32>} : memref<16x2048xf32, #tpu.memory_space<vmem>>, vector<1x16xf32>,
        %parallel_loop3A_607 = vector.shape_cast %parallel_loop3A_606 : vector<1x16xf32> to vector<16xf32>
        %parallel_loop3A_608 = arith.constant 5 : i32
        %parallel_loop3A_609 = arith.index_cast %parallel_loop3A_608 : i32 to index
        %parallel_loop3A_610 = arith.index_cast %parallel_loop3A_517 : i32 to index
        %parallel_loop3A_611 = tpu.vector_load %arg12[%parallel_loop3A_609, %parallel_loop3A_610] {strides = array<i32>} : memref<8x2048xf32, #tpu.memory_space<vmem>>, vector<1x16xf32>,
        %parallel_loop3A_612 = vector.shape_cast %parallel_loop3A_611 : vector<1x16xf32> to vector<16xf32>
        %parallel_loop3A_613 = arith.addf %parallel_loop3A_607, %parallel_loop3A_612 : vector<16xf32>
        %parallel_loop3A_614 = arith.constant 5 : i32
        %parallel_loop3A_615 = arith.index_cast %parallel_loop3A_614 : i32 to index
        %parallel_loop3A_616 = arith.index_cast %parallel_loop3A_517 : i32 to index
        %parallel_loop3A_617 = tpu.vector_load %arg13[%parallel_loop3A_615, %parallel_loop3A_616] {strides = array<i32>} : memref<8x2048xf32, #tpu.memory_space<vmem>>, vector<1x16xf32>,
        %parallel_loop3A_618 = vector.shape_cast %parallel_loop3A_617 : vector<1x16xf32> to vector<16xf32>
        %parallel_loop3A_619 = vector.shape_cast %parallel_loop3A_613 : vector<16xf32> to vector<1x16xf32>
        tpu.vector_store %arg13[%parallel_loop3A_615, %parallel_loop3A_616], %parallel_loop3A_619 {strides = array<i32>} : memref<8x2048xf32, #tpu.memory_space<vmem>>, vector<1x16xf32>,
        %parallel_loop3A_620 = arith.constant 14 : i32
        %parallel_loop3A_621 = arith.index_cast %parallel_loop3A_620 : i32 to index
        %parallel_loop3A_622 = arith.index_cast %parallel_loop3A_517 : i32 to index
        %parallel_loop3A_623 = tpu.vector_load %arg9[%parallel_loop3A_621, %parallel_loop3A_622] {strides = array<i32>} : memref<16x2048xf32, #tpu.memory_space<vmem>>, vector<1x16xf32>,
        %parallel_loop3A_624 = vector.shape_cast %parallel_loop3A_623 : vector<1x16xf32> to vector<16xf32>
        %parallel_loop3A_625 = arith.constant 6 : i32
        %parallel_loop3A_626 = arith.index_cast %parallel_loop3A_625 : i32 to index
        %parallel_loop3A_627 = arith.index_cast %parallel_loop3A_517 : i32 to index
        %parallel_loop3A_628 = tpu.vector_load %arg12[%parallel_loop3A_626, %parallel_loop3A_627] {strides = array<i32>} : memref<8x2048xf32, #tpu.memory_space<vmem>>, vector<1x16xf32>,
        %parallel_loop3A_629 = vector.shape_cast %parallel_loop3A_628 : vector<1x16xf32> to vector<16xf32>
        %parallel_loop3A_630 = arith.addf %parallel_loop3A_624, %parallel_loop3A_629 : vector<16xf32>
        %parallel_loop3A_631 = arith.constant 6 : i32
        %parallel_loop3A_632 = arith.index_cast %parallel_loop3A_631 : i32 to index
        %parallel_loop3A_633 = arith.index_cast %parallel_loop3A_517 : i32 to index
        %parallel_loop3A_634 = tpu.vector_load %arg13[%parallel_loop3A_632, %parallel_loop3A_633] {strides = array<i32>} : memref<8x2048xf32, #tpu.memory_space<vmem>>, vector<1x16xf32>,
        %parallel_loop3A_635 = vector.shape_cast %parallel_loop3A_634 : vector<1x16xf32> to vector<16xf32>
        %parallel_loop3A_636 = vector.shape_cast %parallel_loop3A_630 : vector<16xf32> to vector<1x16xf32>
        tpu.vector_store %arg13[%parallel_loop3A_632, %parallel_loop3A_633], %parallel_loop3A_636 {strides = array<i32>} : memref<8x2048xf32, #tpu.memory_space<vmem>>, vector<1x16xf32>,
        %parallel_loop3A_637 = arith.constant 15 : i32
        %parallel_loop3A_638 = arith.index_cast %parallel_loop3A_637 : i32 to index
        %parallel_loop3A_639 = arith.index_cast %parallel_loop3A_517 : i32 to index
        %parallel_loop3A_640 = tpu.vector_load %arg9[%parallel_loop3A_638, %parallel_loop3A_639] {strides = array<i32>} : memref<16x2048xf32, #tpu.memory_space<vmem>>, vector<1x16xf32>,
        %parallel_loop3A_641 = vector.shape_cast %parallel_loop3A_640 : vector<1x16xf32> to vector<16xf32>
        %parallel_loop3A_642 = arith.constant 7 : i32
        %parallel_loop3A_643 = arith.index_cast %parallel_loop3A_642 : i32 to index
        %parallel_loop3A_644 = arith.index_cast %parallel_loop3A_517 : i32 to index
        %parallel_loop3A_645 = tpu.vector_load %arg12[%parallel_loop3A_643, %parallel_loop3A_644] {strides = array<i32>} : memref<8x2048xf32, #tpu.memory_space<vmem>>, vector<1x16xf32>,
        %parallel_loop3A_646 = vector.shape_cast %parallel_loop3A_645 : vector<1x16xf32> to vector<16xf32>
        %parallel_loop3A_647 = arith.addf %parallel_loop3A_641, %parallel_loop3A_646 : vector<16xf32>
        %parallel_loop3A_648 = arith.constant 7 : i32
        %parallel_loop3A_649 = arith.index_cast %parallel_loop3A_648 : i32 to index
        %parallel_loop3A_650 = arith.index_cast %parallel_loop3A_517 : i32 to index
        %parallel_loop3A_651 = tpu.vector_load %arg13[%parallel_loop3A_649, %parallel_loop3A_650] {strides = array<i32>} : memref<8x2048xf32, #tpu.memory_space<vmem>>, vector<1x16xf32>,
        %parallel_loop3A_652 = vector.shape_cast %parallel_loop3A_651 : vector<1x16xf32> to vector<16xf32>
        %parallel_loop3A_653 = vector.shape_cast %parallel_loop3A_647 : vector<16xf32> to vector<1x16xf32>
        tpu.vector_store %arg13[%parallel_loop3A_649, %parallel_loop3A_650], %parallel_loop3A_653 {strides = array<i32>} : memref<8x2048xf32, #tpu.memory_space<vmem>>, vector<1x16xf32>,
      } {sc.loop_unroll_factor = 1 : i64, sc.parallel_access}
      %add3A_395 = arith.constant 2048 : i32
      %add3A_396 = arith.addi %add3A_395, %mul3A_2 : i32
      %mul3A_397 = arith.constant 8 : i32
      %mul3A_398 = arith.muli %add3A_325, %mul3A_397 : i32
      %add3A_399 = arith.addi %add3A_396, %mul3A_398 : i32
      %dma_start3A_400 = arith.constant 0 : i32
      %dma_start3A_401 = tpu.memref_slice %arg5[%add3A_399, %dma_start3A_400] : memref<8192x2048xf32, #tpu.memory_space<hbm>> -> memref<8x2048xf32, #tpu.memory_space<hbm>>
      %dma_start3A_402 = arith.constant 0 : i32
      %dma_start3A_403 = tpu.memref_slice %arg5[%add3A_399, %dma_start3A_402] : memref<8192x2048xf32, #tpu.memory_space<hbm>> -> memref<8x2048xf32, #tpu.memory_space<hbm>>
      tpu.enqueue_dma source(%arg13 : memref<8x2048xf32, #tpu.memory_space<vmem>>) target(%dma_start3A_403 : memref<8x2048xf32, #tpu.memory_space<hbm>>) target_semaphore(%arg21 : memref<!tpu.dma_semaphore, #tpu.memory_space<semaphore_mem>>)
      %add3A_404 = arith.constant 0 : i32
      %add3A_405 = arith.addi %add3A_404, %mul3A_2 : i32
      %mul3A_406 = arith.constant 8 : i32
      %mul3A_407 = arith.muli %add3A_325, %mul3A_406 : i32
      %add3A_408 = arith.addi %add3A_405, %mul3A_407 : i32
      %dma_wait3A_409 = arith.constant 0 : i32
      %dma_wait3A_410 = arith.constant 0 : i32
      %dma_wait3A_411 = tpu.memref_slice %arg9[%dma_wait3A_409, %dma_wait3A_410] : memref<16x2048xf32, #tpu.memory_space<vmem>> -> memref<8x2048xf32, #tpu.memory_space<vmem>>
      %dma_wait3A_412 = arith.constant 0 : i32
      %dma_wait3A_413 = tpu.memref_slice %arg5[%add3A_408, %dma_wait3A_412] : memref<8192x2048xf32, #tpu.memory_space<hbm>> -> memref<8x2048xf32, #tpu.memory_space<hbm>>
      %dma_wait3A_414 = arith.constant 0 : i32
      %dma_wait3A_415 = tpu.memref_slice %arg5[%add3A_408, %dma_wait3A_414] : memref<8192x2048xf32, #tpu.memory_space<hbm>> -> memref<8x2048xf32, #tpu.memory_space<hbm>>
      %dma_wait3A_416 = arith.constant 0 : i32
      %dma_wait3A_417 = arith.constant 0 : i32
      %dma_wait3A_418 = tpu.memref_slice %arg9[%dma_wait3A_416, %dma_wait3A_417] : memref<16x2048xf32, #tpu.memory_space<vmem>> -> memref<8x2048xf32, #tpu.memory_space<vmem>>
      tpu.wait_dma2 semaphore(%arg20 : memref<!tpu.dma_semaphore, #tpu.memory_space<semaphore_mem>>) src(%dma_wait3A_418 : memref<8x2048xf32, #tpu.memory_space<vmem>>) dst(%dma_wait3A_415 : memref<8x2048xf32, #tpu.memory_space<hbm>>)
      %add3A_419 = arith.constant 1 : i32
      %add3A_420 = arith.addi %scan3A_77, %add3A_419 : i32
      %lt3A_421 = arith.constant 4 : i32
      %lt3A_422 = arith.cmpi slt, %add3A_420, %lt3A_421 : i32
      %convert_element_type3A_423 = arith.extui %lt3A_422 : i1 to i32
      %cond3A_424 = arith.constant 0 : i32
      %cond3A_425 = arith.cmpi ne, %convert_element_type3A_423, %cond3A_424 : i32
      scf.if %cond3A_425 {
        %add3A_515 = arith.constant 1 : i32
        %add3A_516 = arith.addi %add3A_325, %add3A_515 : i32
        %mul3A_517 = arith.constant 2 : i32
        %mul3A_518 = arith.muli %add3A_516, %mul3A_517 : i32
        %add3A_519 = arith.constant 0 : i32
        %add3A_520 = arith.addi %mul3A_518, %add3A_519 : i32
        %mul3A_521 = arith.constant 16 : i32
        %mul3A_522 = arith.muli %add3A_520, %mul3A_521 : i32
        %dma_start3A_523 = arith.constant 0 : i32
        %dma_start3A_524 = arith.constant 0 : i32
        %dma_start3A_525 = tpu.memref_slice %arg9[%dma_start3A_523, %dma_start3A_524] : memref<16x2048xf32, #tpu.memory_space<vmem>> -> memref<8x2048xf32, #tpu.memory_space<vmem>>
        %dma_start3A_526 = tpu.memref_slice %arg6[%mul3A_522] : memref<256xi32, #tpu.memory_space<vmem>> -> memref<8xi32, #tpu.memory_space<vmem>>
        %dma_start3A_527 = arith.constant 0 : i32
        %dma_start3A_528 = arith.constant 0 : i32
        %dma_start3A_529 = tpu.memref_slice %arg3[%dma_start3A_527, %dma_start3A_528] : memref<50272x2048xf32, #tpu.memory_space<hbm>> -> memref<50272x2048xf32, #tpu.memory_space<hbm>>
        tpu.enqueue_indirect_dma source(%dma_start3A_529 : memref<50272x2048xf32, #tpu.memory_space<hbm>>) target(%dma_start3A_525 : memref<8x2048xf32, #tpu.memory_space<vmem>>) offsets(%dma_start3A_526 : memref<8xi32, #tpu.memory_space<vmem>>) semaphore(%arg14 : memref<!tpu.dma_semaphore, #tpu.memory_space<semaphore_mem>>)
        %mul3A_530 = arith.constant 2 : i32
        %mul3A_531 = arith.muli %add3A_516, %mul3A_530 : i32
        %add3A_532 = arith.constant 0 : i32
        %add3A_533 = arith.addi %mul3A_531, %add3A_532 : i32
        %mul3A_534 = arith.constant 16 : i32
        %mul3A_535 = arith.muli %add3A_533, %mul3A_534 : i32
        %add3A_536 = arith.constant 8 : i32
        %add3A_537 = arith.addi %mul3A_535, %add3A_536 : i32
        %dma_start3A_538 = arith.constant 8 : i32
        %dma_start3A_539 = arith.constant 0 : i32
        %dma_start3A_540 = tpu.memref_slice %arg9[%dma_start3A_538, %dma_start3A_539] : memref<16x2048xf32, #tpu.memory_space<vmem>> -> memref<8x2048xf32, #tpu.memory_space<vmem>>
        %dma_start3A_541 = tpu.memref_slice %arg6[%add3A_537] : memref<256xi32, #tpu.memory_space<vmem>> -> memref<8xi32, #tpu.memory_space<vmem>>
        %dma_start3A_542 = arith.constant 0 : i32
        %dma_start3A_543 = arith.constant 0 : i32
        %dma_start3A_544 = tpu.memref_slice %arg3[%dma_start3A_542, %dma_start3A_543] : memref<50272x2048xf32, #tpu.memory_space<hbm>> -> memref<50272x2048xf32, #tpu.memory_space<hbm>>
        tpu.enqueue_indirect_dma source(%dma_start3A_544 : memref<50272x2048xf32, #tpu.memory_space<hbm>>) target(%dma_start3A_540 : memref<8x2048xf32, #tpu.memory_space<vmem>>) offsets(%dma_start3A_541 : memref<8xi32, #tpu.memory_space<vmem>>) semaphore(%arg16 : memref<!tpu.dma_semaphore, #tpu.memory_space<semaphore_mem>>)
      } else {
      }
      %mul3A_426 = arith.constant 2 : i32
      %mul3A_427 = arith.muli %add3A_325, %mul3A_426 : i32
      %add3A_428 = arith.constant 1 : i32
      %add3A_429 = arith.addi %mul3A_427, %add3A_428 : i32
      %mul3A_430 = arith.constant 16 : i32
      %mul3A_431 = arith.muli %add3A_429, %mul3A_430 : i32
      %dma_wait3A_432 = arith.constant 0 : i32
      %dma_wait3A_433 = arith.constant 0 : i32
      %dma_wait3A_434 = tpu.memref_slice %arg10[%dma_wait3A_432, %dma_wait3A_433] : memref<16x2048xf32, #tpu.memory_space<vmem>> -> memref<8x2048xf32, #tpu.memory_space<vmem>>
      %dma_wait3A_435 = tpu.memref_slice %arg6[%mul3A_431] : memref<256xi32, #tpu.memory_space<vmem>> -> memref<8xi32, #tpu.memory_space<vmem>>
      %dma_wait3A_436 = arith.constant 0 : i32
      %dma_wait3A_437 = arith.constant 0 : i32
      %dma_wait3A_438 = tpu.memref_slice %arg3[%dma_wait3A_436, %dma_wait3A_437] : memref<50272x2048xf32, #tpu.memory_space<hbm>> -> memref<50272x2048xf32, #tpu.memory_space<hbm>>
      tpu.wait_indirect_dma semaphore(%arg15 : memref<!tpu.dma_semaphore, #tpu.memory_space<semaphore_mem>>) src(%dma_wait3A_438 : memref<50272x2048xf32, #tpu.memory_space<hbm>>) dst(%dma_wait3A_434 : memref<8x2048xf32, #tpu.memory_space<vmem>>)
      %parallel_loop3A_439 = arith.constant 0 : i32
      %parallel_loop3A_440 = arith.constant 128 : i32
      %parallel_loop3A_441 = arith.constant 1 : i32
      scf.for %parallel_loop3A_515 = %parallel_loop3A_439 to %parallel_loop3A_440 step %parallel_loop3A_441  : i32 {
        %parallel_loop3A_516 = arith.constant 16 : i32
        %parallel_loop3A_517 = arith.muli %parallel_loop3A_515, %parallel_loop3A_516 : i32
        %parallel_loop3A_518 = arith.constant 0 : i32
        %parallel_loop3A_519 = arith.index_cast %parallel_loop3A_518 : i32 to index
        %parallel_loop3A_520 = arith.index_cast %parallel_loop3A_517 : i32 to index
        %parallel_loop3A_521 = tpu.vector_load %arg12[%parallel_loop3A_519, %parallel_loop3A_520] {strides = array<i32>} : memref<8x2048xf32, #tpu.memory_space<vmem>>, vector<1x16xf32>,
        %parallel_loop3A_522 = vector.shape_cast %parallel_loop3A_521 : vector<1x16xf32> to vector<16xf32>
        %parallel_loop3A_523 = arith.constant 0 : i32
        %parallel_loop3A_524 = arith.index_cast %parallel_loop3A_523 : i32 to index
        %parallel_loop3A_525 = arith.index_cast %parallel_loop3A_517 : i32 to index
        %parallel_loop3A_526 = tpu.vector_load %arg10[%parallel_loop3A_524, %parallel_loop3A_525] {strides = array<i32>} : memref<16x2048xf32, #tpu.memory_space<vmem>>, vector<1x16xf32>,
        %parallel_loop3A_527 = vector.shape_cast %parallel_loop3A_526 : vector<1x16xf32> to vector<16xf32>
        %parallel_loop3A_528 = vector.shape_cast %parallel_loop3A_522 : vector<16xf32> to vector<1x16xf32>
        tpu.vector_store %arg10[%parallel_loop3A_524, %parallel_loop3A_525], %parallel_loop3A_528 {add = true, strides = array<i32>} : memref<16x2048xf32, #tpu.memory_space<vmem>>, vector<1x16xf32>,
        %parallel_loop3A_529 = arith.constant 1 : i32
        %parallel_loop3A_530 = arith.index_cast %parallel_loop3A_529 : i32 to index
        %parallel_loop3A_531 = arith.index_cast %parallel_loop3A_517 : i32 to index
        %parallel_loop3A_532 = tpu.vector_load %arg12[%parallel_loop3A_530, %parallel_loop3A_531] {strides = array<i32>} : memref<8x2048xf32, #tpu.memory_space<vmem>>, vector<1x16xf32>,
        %parallel_loop3A_533 = vector.shape_cast %parallel_loop3A_532 : vector<1x16xf32> to vector<16xf32>
        %parallel_loop3A_534 = arith.constant 1 : i32
        %parallel_loop3A_535 = arith.index_cast %parallel_loop3A_534 : i32 to index
        %parallel_loop3A_536 = arith.index_cast %parallel_loop3A_517 : i32 to index
        %parallel_loop3A_537 = tpu.vector_load %arg10[%parallel_loop3A_535, %parallel_loop3A_536] {strides = array<i32>} : memref<16x2048xf32, #tpu.memory_space<vmem>>, vector<1x16xf32>,
        %parallel_loop3A_538 = vector.shape_cast %parallel_loop3A_537 : vector<1x16xf32> to vector<16xf32>
        %parallel_loop3A_539 = vector.shape_cast %parallel_loop3A_533 : vector<16xf32> to vector<1x16xf32>
        tpu.vector_store %arg10[%parallel_loop3A_535, %parallel_loop3A_536], %parallel_loop3A_539 {add = true, strides = array<i32>} : memref<16x2048xf32, #tpu.memory_space<vmem>>, vector<1x16xf32>,
        %parallel_loop3A_540 = arith.constant 2 : i32
        %parallel_loop3A_541 = arith.index_cast %parallel_loop3A_540 : i32 to index
        %parallel_loop3A_542 = arith.index_cast %parallel_loop3A_517 : i32 to index
        %parallel_loop3A_543 = tpu.vector_load %arg12[%parallel_loop3A_541, %parallel_loop3A_542] {strides = array<i32>} : memref<8x2048xf32, #tpu.memory_space<vmem>>, vector<1x16xf32>,
        %parallel_loop3A_544 = vector.shape_cast %parallel_loop3A_543 : vector<1x16xf32> to vector<16xf32>
        %parallel_loop3A_545 = arith.constant 2 : i32
        %parallel_loop3A_546 = arith.index_cast %parallel_loop3A_545 : i32 to index
        %parallel_loop3A_547 = arith.index_cast %parallel_loop3A_517 : i32 to index
        %parallel_loop3A_548 = tpu.vector_load %arg10[%parallel_loop3A_546, %parallel_loop3A_547] {strides = array<i32>} : memref<16x2048xf32, #tpu.memory_space<vmem>>, vector<1x16xf32>,
        %parallel_loop3A_549 = vector.shape_cast %parallel_loop3A_548 : vector<1x16xf32> to vector<16xf32>
        %parallel_loop3A_550 = vector.shape_cast %parallel_loop3A_544 : vector<16xf32> to vector<1x16xf32>
        tpu.vector_store %arg10[%parallel_loop3A_546, %parallel_loop3A_547], %parallel_loop3A_550 {add = true, strides = array<i32>} : memref<16x2048xf32, #tpu.memory_space<vmem>>, vector<1x16xf32>,
        %parallel_loop3A_551 = arith.constant 3 : i32
        %parallel_loop3A_552 = arith.index_cast %parallel_loop3A_551 : i32 to index
        %parallel_loop3A_553 = arith.index_cast %parallel_loop3A_517 : i32 to index
        %parallel_loop3A_554 = tpu.vector_load %arg12[%parallel_loop3A_552, %parallel_loop3A_553] {strides = array<i32>} : memref<8x2048xf32, #tpu.memory_space<vmem>>, vector<1x16xf32>,
        %parallel_loop3A_555 = vector.shape_cast %parallel_loop3A_554 : vector<1x16xf32> to vector<16xf32>
        %parallel_loop3A_556 = arith.constant 3 : i32
        %parallel_loop3A_557 = arith.index_cast %parallel_loop3A_556 : i32 to index
        %parallel_loop3A_558 = arith.index_cast %parallel_loop3A_517 : i32 to index
        %parallel_loop3A_559 = tpu.vector_load %arg10[%parallel_loop3A_557, %parallel_loop3A_558] {strides = array<i32>} : memref<16x2048xf32, #tpu.memory_space<vmem>>, vector<1x16xf32>,
        %parallel_loop3A_560 = vector.shape_cast %parallel_loop3A_559 : vector<1x16xf32> to vector<16xf32>
        %parallel_loop3A_561 = vector.shape_cast %parallel_loop3A_555 : vector<16xf32> to vector<1x16xf32>
        tpu.vector_store %arg10[%parallel_loop3A_557, %parallel_loop3A_558], %parallel_loop3A_561 {add = true, strides = array<i32>} : memref<16x2048xf32, #tpu.memory_space<vmem>>, vector<1x16xf32>,
        %parallel_loop3A_562 = arith.constant 4 : i32
        %parallel_loop3A_563 = arith.index_cast %parallel_loop3A_562 : i32 to index
        %parallel_loop3A_564 = arith.index_cast %parallel_loop3A_517 : i32 to index
        %parallel_loop3A_565 = tpu.vector_load %arg12[%parallel_loop3A_563, %parallel_loop3A_564] {strides = array<i32>} : memref<8x2048xf32, #tpu.memory_space<vmem>>, vector<1x16xf32>,
        %parallel_loop3A_566 = vector.shape_cast %parallel_loop3A_565 : vector<1x16xf32> to vector<16xf32>
        %parallel_loop3A_567 = arith.constant 4 : i32
        %parallel_loop3A_568 = arith.index_cast %parallel_loop3A_567 : i32 to index
        %parallel_loop3A_569 = arith.index_cast %parallel_loop3A_517 : i32 to index
        %parallel_loop3A_570 = tpu.vector_load %arg10[%parallel_loop3A_568, %parallel_loop3A_569] {strides = array<i32>} : memref<16x2048xf32, #tpu.memory_space<vmem>>, vector<1x16xf32>,
        %parallel_loop3A_571 = vector.shape_cast %parallel_loop3A_570 : vector<1x16xf32> to vector<16xf32>
        %parallel_loop3A_572 = vector.shape_cast %parallel_loop3A_566 : vector<16xf32> to vector<1x16xf32>
        tpu.vector_store %arg10[%parallel_loop3A_568, %parallel_loop3A_569], %parallel_loop3A_572 {add = true, strides = array<i32>} : memref<16x2048xf32, #tpu.memory_space<vmem>>, vector<1x16xf32>,
        %parallel_loop3A_573 = arith.constant 5 : i32
        %parallel_loop3A_574 = arith.index_cast %parallel_loop3A_573 : i32 to index
        %parallel_loop3A_575 = arith.index_cast %parallel_loop3A_517 : i32 to index
        %parallel_loop3A_576 = tpu.vector_load %arg12[%parallel_loop3A_574, %parallel_loop3A_575] {strides = array<i32>} : memref<8x2048xf32, #tpu.memory_space<vmem>>, vector<1x16xf32>,
        %parallel_loop3A_577 = vector.shape_cast %parallel_loop3A_576 : vector<1x16xf32> to vector<16xf32>
        %parallel_loop3A_578 = arith.constant 5 : i32
        %parallel_loop3A_579 = arith.index_cast %parallel_loop3A_578 : i32 to index
        %parallel_loop3A_580 = arith.index_cast %parallel_loop3A_517 : i32 to index
        %parallel_loop3A_581 = tpu.vector_load %arg10[%parallel_loop3A_579, %parallel_loop3A_580] {strides = array<i32>} : memref<16x2048xf32, #tpu.memory_space<vmem>>, vector<1x16xf32>,
        %parallel_loop3A_582 = vector.shape_cast %parallel_loop3A_581 : vector<1x16xf32> to vector<16xf32>
        %parallel_loop3A_583 = vector.shape_cast %parallel_loop3A_577 : vector<16xf32> to vector<1x16xf32>
        tpu.vector_store %arg10[%parallel_loop3A_579, %parallel_loop3A_580], %parallel_loop3A_583 {add = true, strides = array<i32>} : memref<16x2048xf32, #tpu.memory_space<vmem>>, vector<1x16xf32>,
        %parallel_loop3A_584 = arith.constant 6 : i32
        %parallel_loop3A_585 = arith.index_cast %parallel_loop3A_584 : i32 to index
        %parallel_loop3A_586 = arith.index_cast %parallel_loop3A_517 : i32 to index
        %parallel_loop3A_587 = tpu.vector_load %arg12[%parallel_loop3A_585, %parallel_loop3A_586] {strides = array<i32>} : memref<8x2048xf32, #tpu.memory_space<vmem>>, vector<1x16xf32>,
        %parallel_loop3A_588 = vector.shape_cast %parallel_loop3A_587 : vector<1x16xf32> to vector<16xf32>
        %parallel_loop3A_589 = arith.constant 6 : i32
        %parallel_loop3A_590 = arith.index_cast %parallel_loop3A_589 : i32 to index
        %parallel_loop3A_591 = arith.index_cast %parallel_loop3A_517 : i32 to index
        %parallel_loop3A_592 = tpu.vector_load %arg10[%parallel_loop3A_590, %parallel_loop3A_591] {strides = array<i32>} : memref<16x2048xf32, #tpu.memory_space<vmem>>, vector<1x16xf32>,
        %parallel_loop3A_593 = vector.shape_cast %parallel_loop3A_592 : vector<1x16xf32> to vector<16xf32>
        %parallel_loop3A_594 = vector.shape_cast %parallel_loop3A_588 : vector<16xf32> to vector<1x16xf32>
        tpu.vector_store %arg10[%parallel_loop3A_590, %parallel_loop3A_591], %parallel_loop3A_594 {add = true, strides = array<i32>} : memref<16x2048xf32, #tpu.memory_space<vmem>>, vector<1x16xf32>,
        %parallel_loop3A_595 = arith.constant 7 : i32
        %parallel_loop3A_596 = arith.index_cast %parallel_loop3A_595 : i32 to index
        %parallel_loop3A_597 = arith.index_cast %parallel_loop3A_517 : i32 to index
        %parallel_loop3A_598 = tpu.vector_load %arg12[%parallel_loop3A_596, %parallel_loop3A_597] {strides = array<i32>} : memref<8x2048xf32, #tpu.memory_space<vmem>>, vector<1x16xf32>,
        %parallel_loop3A_599 = vector.shape_cast %parallel_loop3A_598 : vector<1x16xf32> to vector<16xf32>
        %parallel_loop3A_600 = arith.constant 7 : i32
        %parallel_loop3A_601 = arith.index_cast %parallel_loop3A_600 : i32 to index
        %parallel_loop3A_602 = arith.index_cast %parallel_loop3A_517 : i32 to index
        %parallel_loop3A_603 = tpu.vector_load %arg10[%parallel_loop3A_601, %parallel_loop3A_602] {strides = array<i32>} : memref<16x2048xf32, #tpu.memory_space<vmem>>, vector<1x16xf32>,
        %parallel_loop3A_604 = vector.shape_cast %parallel_loop3A_603 : vector<1x16xf32> to vector<16xf32>
        %parallel_loop3A_605 = vector.shape_cast %parallel_loop3A_599 : vector<16xf32> to vector<1x16xf32>
        tpu.vector_store %arg10[%parallel_loop3A_601, %parallel_loop3A_602], %parallel_loop3A_605 {add = true, strides = array<i32>} : memref<16x2048xf32, #tpu.memory_space<vmem>>, vector<1x16xf32>,
      } {sc.loop_unroll_factor = 1 : i64, sc.parallel_access}
      %add3A_442 = arith.constant 4096 : i32
      %add3A_443 = arith.addi %add3A_442, %mul3A_2 : i32
      %mul3A_444 = arith.constant 8 : i32
      %mul3A_445 = arith.muli %add3A_325, %mul3A_444 : i32
      %add3A_446 = arith.addi %add3A_443, %mul3A_445 : i32
      %dma_start3A_447 = arith.constant 0 : i32
      %dma_start3A_448 = arith.constant 0 : i32
      %dma_start3A_449 = tpu.memref_slice %arg10[%dma_start3A_447, %dma_start3A_448] : memref<16x2048xf32, #tpu.memory_space<vmem>> -> memref<8x2048xf32, #tpu.memory_space<vmem>>
      %dma_start3A_450 = arith.constant 0 : i32
      %dma_start3A_451 = tpu.memref_slice %arg5[%add3A_446, %dma_start3A_450] : memref<8192x2048xf32, #tpu.memory_space<hbm>> -> memref<8x2048xf32, #tpu.memory_space<hbm>>
      %dma_start3A_452 = arith.constant 0 : i32
      %dma_start3A_453 = tpu.memref_slice %arg5[%add3A_446, %dma_start3A_452] : memref<8192x2048xf32, #tpu.memory_space<hbm>> -> memref<8x2048xf32, #tpu.memory_space<hbm>>
      %dma_start3A_454 = arith.constant 0 : i32
      %dma_start3A_455 = arith.constant 0 : i32
      %dma_start3A_456 = tpu.memref_slice %arg10[%dma_start3A_454, %dma_start3A_455] : memref<16x2048xf32, #tpu.memory_space<vmem>> -> memref<8x2048xf32, #tpu.memory_space<vmem>>
      tpu.enqueue_dma source(%dma_start3A_456 : memref<8x2048xf32, #tpu.memory_space<vmem>>) target(%dma_start3A_453 : memref<8x2048xf32, #tpu.memory_space<hbm>>) target_semaphore(%arg20 : memref<!tpu.dma_semaphore, #tpu.memory_space<semaphore_mem>>)
      %add3A_457 = arith.constant 6144 : i32
      %add3A_458 = arith.addi %add3A_457, %mul3A_2 : i32
      %mul3A_459 = arith.constant 8 : i32
      %mul3A_460 = arith.muli %add3A_325, %mul3A_459 : i32
      %add3A_461 = arith.addi %add3A_458, %mul3A_460 : i32
      %dma_wait3A_462 = arith.constant 0 : i32
      %dma_wait3A_463 = tpu.memref_slice %arg5[%add3A_461, %dma_wait3A_462] : memref<8192x2048xf32, #tpu.memory_space<hbm>> -> memref<8x2048xf32, #tpu.memory_space<hbm>>
      %dma_wait3A_464 = arith.constant 0 : i32
      %dma_wait3A_465 = tpu.memref_slice %arg5[%add3A_461, %dma_wait3A_464] : memref<8192x2048xf32, #tpu.memory_space<hbm>> -> memref<8x2048xf32, #tpu.memory_space<hbm>>
      tpu.wait_dma2 semaphore(%arg21 : memref<!tpu.dma_semaphore, #tpu.memory_space<semaphore_mem>>) src(%arg13 : memref<8x2048xf32, #tpu.memory_space<vmem>>) dst(%dma_wait3A_465 : memref<8x2048xf32, #tpu.memory_space<hbm>>)
      %mul3A_466 = arith.constant 2 : i32
      %mul3A_467 = arith.muli %add3A_325, %mul3A_466 : i32
      %add3A_468 = arith.constant 1 : i32
      %add3A_469 = arith.addi %mul3A_467, %add3A_468 : i32
      %mul3A_470 = arith.constant 16 : i32
      %mul3A_471 = arith.muli %add3A_469, %mul3A_470 : i32
      %add3A_472 = arith.constant 8 : i32
      %add3A_473 = arith.addi %mul3A_471, %add3A_472 : i32
      %dma_wait3A_474 = arith.constant 8 : i32
      %dma_wait3A_475 = arith.constant 0 : i32
      %dma_wait3A_476 = tpu.memref_slice %arg10[%dma_wait3A_474, %dma_wait3A_475] : memref<16x2048xf32, #tpu.memory_space<vmem>> -> memref<8x2048xf32, #tpu.memory_space<vmem>>
      %dma_wait3A_477 = tpu.memref_slice %arg6[%add3A_473] : memref<256xi32, #tpu.memory_space<vmem>> -> memref<8xi32, #tpu.memory_space<vmem>>
      %dma_wait3A_478 = arith.constant 0 : i32
      %dma_wait3A_479 = arith.constant 0 : i32
      %dma_wait3A_480 = tpu.memref_slice %arg3[%dma_wait3A_478, %dma_wait3A_479] : memref<50272x2048xf32, #tpu.memory_space<hbm>> -> memref<50272x2048xf32, #tpu.memory_space<hbm>>
      tpu.wait_indirect_dma semaphore(%arg17 : memref<!tpu.dma_semaphore, #tpu.memory_space<semaphore_mem>>) src(%dma_wait3A_480 : memref<50272x2048xf32, #tpu.memory_space<hbm>>) dst(%dma_wait3A_476 : memref<8x2048xf32, #tpu.memory_space<vmem>>)
      %parallel_loop3A_481 = arith.constant 0 : i32
      %parallel_loop3A_482 = arith.constant 128 : i32
      %parallel_loop3A_483 = arith.constant 1 : i32
      scf.for %parallel_loop3A_515 = %parallel_loop3A_481 to %parallel_loop3A_482 step %parallel_loop3A_483  : i32 {
        %parallel_loop3A_516 = arith.constant 16 : i32
        %parallel_loop3A_517 = arith.muli %parallel_loop3A_515, %parallel_loop3A_516 : i32
        %parallel_loop3A_518 = arith.constant 8 : i32
        %parallel_loop3A_519 = arith.index_cast %parallel_loop3A_518 : i32 to index
        %parallel_loop3A_520 = arith.index_cast %parallel_loop3A_517 : i32 to index
        %parallel_loop3A_521 = tpu.vector_load %arg10[%parallel_loop3A_519, %parallel_loop3A_520] {strides = array<i32>} : memref<16x2048xf32, #tpu.memory_space<vmem>>, vector<1x16xf32>,
        %parallel_loop3A_522 = vector.shape_cast %parallel_loop3A_521 : vector<1x16xf32> to vector<16xf32>
        %parallel_loop3A_523 = arith.constant 0 : i32
        %parallel_loop3A_524 = arith.index_cast %parallel_loop3A_523 : i32 to index
        %parallel_loop3A_525 = arith.index_cast %parallel_loop3A_517 : i32 to index
        %parallel_loop3A_526 = tpu.vector_load %arg12[%parallel_loop3A_524, %parallel_loop3A_525] {strides = array<i32>} : memref<8x2048xf32, #tpu.memory_space<vmem>>, vector<1x16xf32>,
        %parallel_loop3A_527 = vector.shape_cast %parallel_loop3A_526 : vector<1x16xf32> to vector<16xf32>
        %parallel_loop3A_528 = arith.addf %parallel_loop3A_522, %parallel_loop3A_527 : vector<16xf32>
        %parallel_loop3A_529 = arith.constant 0 : i32
        %parallel_loop3A_530 = arith.index_cast %parallel_loop3A_529 : i32 to index
        %parallel_loop3A_531 = arith.index_cast %parallel_loop3A_517 : i32 to index
        %parallel_loop3A_532 = tpu.vector_load %arg13[%parallel_loop3A_530, %parallel_loop3A_531] {strides = array<i32>} : memref<8x2048xf32, #tpu.memory_space<vmem>>, vector<1x16xf32>,
        %parallel_loop3A_533 = vector.shape_cast %parallel_loop3A_532 : vector<1x16xf32> to vector<16xf32>
        %parallel_loop3A_534 = vector.shape_cast %parallel_loop3A_528 : vector<16xf32> to vector<1x16xf32>
        tpu.vector_store %arg13[%parallel_loop3A_530, %parallel_loop3A_531], %parallel_loop3A_534 {strides = array<i32>} : memref<8x2048xf32, #tpu.memory_space<vmem>>, vector<1x16xf32>,
        %parallel_loop3A_535 = arith.constant 9 : i32
        %parallel_loop3A_536 = arith.index_cast %parallel_loop3A_535 : i32 to index
        %parallel_loop3A_537 = arith.index_cast %parallel_loop3A_517 : i32 to index
        %parallel_loop3A_538 = tpu.vector_load %arg10[%parallel_loop3A_536, %parallel_loop3A_537] {strides = array<i32>} : memref<16x2048xf32, #tpu.memory_space<vmem>>, vector<1x16xf32>,
        %parallel_loop3A_539 = vector.shape_cast %parallel_loop3A_538 : vector<1x16xf32> to vector<16xf32>
        %parallel_loop3A_540 = arith.constant 1 : i32
        %parallel_loop3A_541 = arith.index_cast %parallel_loop3A_540 : i32 to index
        %parallel_loop3A_542 = arith.index_cast %parallel_loop3A_517 : i32 to index
        %parallel_loop3A_543 = tpu.vector_load %arg12[%parallel_loop3A_541, %parallel_loop3A_542] {strides = array<i32>} : memref<8x2048xf32, #tpu.memory_space<vmem>>, vector<1x16xf32>,
        %parallel_loop3A_544 = vector.shape_cast %parallel_loop3A_543 : vector<1x16xf32> to vector<16xf32>
        %parallel_loop3A_545 = arith.addf %parallel_loop3A_539, %parallel_loop3A_544 : vector<16xf32>
        %parallel_loop3A_546 = arith.constant 1 : i32
        %parallel_loop3A_547 = arith.index_cast %parallel_loop3A_546 : i32 to index
        %parallel_loop3A_548 = arith.index_cast %parallel_loop3A_517 : i32 to index
        %parallel_loop3A_549 = tpu.vector_load %arg13[%parallel_loop3A_547, %parallel_loop3A_548] {strides = array<i32>} : memref<8x2048xf32, #tpu.memory_space<vmem>>, vector<1x16xf32>,
        %parallel_loop3A_550 = vector.shape_cast %parallel_loop3A_549 : vector<1x16xf32> to vector<16xf32>
        %parallel_loop3A_551 = vector.shape_cast %parallel_loop3A_545 : vector<16xf32> to vector<1x16xf32>
        tpu.vector_store %arg13[%parallel_loop3A_547, %parallel_loop3A_548], %parallel_loop3A_551 {strides = array<i32>} : memref<8x2048xf32, #tpu.memory_space<vmem>>, vector<1x16xf32>,
        %parallel_loop3A_552 = arith.constant 10 : i32
        %parallel_loop3A_553 = arith.index_cast %parallel_loop3A_552 : i32 to index
        %parallel_loop3A_554 = arith.index_cast %parallel_loop3A_517 : i32 to index
        %parallel_loop3A_555 = tpu.vector_load %arg10[%parallel_loop3A_553, %parallel_loop3A_554] {strides = array<i32>} : memref<16x2048xf32, #tpu.memory_space<vmem>>, vector<1x16xf32>,
        %parallel_loop3A_556 = vector.shape_cast %parallel_loop3A_555 : vector<1x16xf32> to vector<16xf32>
        %parallel_loop3A_557 = arith.constant 2 : i32
        %parallel_loop3A_558 = arith.index_cast %parallel_loop3A_557 : i32 to index
        %parallel_loop3A_559 = arith.index_cast %parallel_loop3A_517 : i32 to index
        %parallel_loop3A_560 = tpu.vector_load %arg12[%parallel_loop3A_558, %parallel_loop3A_559] {strides = array<i32>} : memref<8x2048xf32, #tpu.memory_space<vmem>>, vector<1x16xf32>,
        %parallel_loop3A_561 = vector.shape_cast %parallel_loop3A_560 : vector<1x16xf32> to vector<16xf32>
        %parallel_loop3A_562 = arith.addf %parallel_loop3A_556, %parallel_loop3A_561 : vector<16xf32>
        %parallel_loop3A_563 = arith.constant 2 : i32
        %parallel_loop3A_564 = arith.index_cast %parallel_loop3A_563 : i32 to index
        %parallel_loop3A_565 = arith.index_cast %parallel_loop3A_517 : i32 to index
        %parallel_loop3A_566 = tpu.vector_load %arg13[%parallel_loop3A_564, %parallel_loop3A_565] {strides = array<i32>} : memref<8x2048xf32, #tpu.memory_space<vmem>>, vector<1x16xf32>,
        %parallel_loop3A_567 = vector.shape_cast %parallel_loop3A_566 : vector<1x16xf32> to vector<16xf32>
        %parallel_loop3A_568 = vector.shape_cast %parallel_loop3A_562 : vector<16xf32> to vector<1x16xf32>
        tpu.vector_store %arg13[%parallel_loop3A_564, %parallel_loop3A_565], %parallel_loop3A_568 {strides = array<i32>} : memref<8x2048xf32, #tpu.memory_space<vmem>>, vector<1x16xf32>,
        %parallel_loop3A_569 = arith.constant 11 : i32
        %parallel_loop3A_570 = arith.index_cast %parallel_loop3A_569 : i32 to index
        %parallel_loop3A_571 = arith.index_cast %parallel_loop3A_517 : i32 to index
        %parallel_loop3A_572 = tpu.vector_load %arg10[%parallel_loop3A_570, %parallel_loop3A_571] {strides = array<i32>} : memref<16x2048xf32, #tpu.memory_space<vmem>>, vector<1x16xf32>,
        %parallel_loop3A_573 = vector.shape_cast %parallel_loop3A_572 : vector<1x16xf32> to vector<16xf32>
        %parallel_loop3A_574 = arith.constant 3 : i32
        %parallel_loop3A_575 = arith.index_cast %parallel_loop3A_574 : i32 to index
        %parallel_loop3A_576 = arith.index_cast %parallel_loop3A_517 : i32 to index
        %parallel_loop3A_577 = tpu.vector_load %arg12[%parallel_loop3A_575, %parallel_loop3A_576] {strides = array<i32>} : memref<8x2048xf32, #tpu.memory_space<vmem>>, vector<1x16xf32>,
        %parallel_loop3A_578 = vector.shape_cast %parallel_loop3A_577 : vector<1x16xf32> to vector<16xf32>
        %parallel_loop3A_579 = arith.addf %parallel_loop3A_573, %parallel_loop3A_578 : vector<16xf32>
        %parallel_loop3A_580 = arith.constant 3 : i32
        %parallel_loop3A_581 = arith.index_cast %parallel_loop3A_580 : i32 to index
        %parallel_loop3A_582 = arith.index_cast %parallel_loop3A_517 : i32 to index
        %parallel_loop3A_583 = tpu.vector_load %arg13[%parallel_loop3A_581, %parallel_loop3A_582] {strides = array<i32>} : memref<8x2048xf32, #tpu.memory_space<vmem>>, vector<1x16xf32>,
        %parallel_loop3A_584 = vector.shape_cast %parallel_loop3A_583 : vector<1x16xf32> to vector<16xf32>
        %parallel_loop3A_585 = vector.shape_cast %parallel_loop3A_579 : vector<16xf32> to vector<1x16xf32>
        tpu.vector_store %arg13[%parallel_loop3A_581, %parallel_loop3A_582], %parallel_loop3A_585 {strides = array<i32>} : memref<8x2048xf32, #tpu.memory_space<vmem>>, vector<1x16xf32>,
        %parallel_loop3A_586 = arith.constant 12 : i32
        %parallel_loop3A_587 = arith.index_cast %parallel_loop3A_586 : i32 to index
        %parallel_loop3A_588 = arith.index_cast %parallel_loop3A_517 : i32 to index
        %parallel_loop3A_589 = tpu.vector_load %arg10[%parallel_loop3A_587, %parallel_loop3A_588] {strides = array<i32>} : memref<16x2048xf32, #tpu.memory_space<vmem>>, vector<1x16xf32>,
        %parallel_loop3A_590 = vector.shape_cast %parallel_loop3A_589 : vector<1x16xf32> to vector<16xf32>
        %parallel_loop3A_591 = arith.constant 4 : i32
        %parallel_loop3A_592 = arith.index_cast %parallel_loop3A_591 : i32 to index
        %parallel_loop3A_593 = arith.index_cast %parallel_loop3A_517 : i32 to index
        %parallel_loop3A_594 = tpu.vector_load %arg12[%parallel_loop3A_592, %parallel_loop3A_593] {strides = array<i32>} : memref<8x2048xf32, #tpu.memory_space<vmem>>, vector<1x16xf32>,
        %parallel_loop3A_595 = vector.shape_cast %parallel_loop3A_594 : vector<1x16xf32> to vector<16xf32>
        %parallel_loop3A_596 = arith.addf %parallel_loop3A_590, %parallel_loop3A_595 : vector<16xf32>
        %parallel_loop3A_597 = arith.constant 4 : i32
        %parallel_loop3A_598 = arith.index_cast %parallel_loop3A_597 : i32 to index
        %parallel_loop3A_599 = arith.index_cast %parallel_loop3A_517 : i32 to index
        %parallel_loop3A_600 = tpu.vector_load %arg13[%parallel_loop3A_598, %parallel_loop3A_599] {strides = array<i32>} : memref<8x2048xf32, #tpu.memory_space<vmem>>, vector<1x16xf32>,
        %parallel_loop3A_601 = vector.shape_cast %parallel_loop3A_600 : vector<1x16xf32> to vector<16xf32>
        %parallel_loop3A_602 = vector.shape_cast %parallel_loop3A_596 : vector<16xf32> to vector<1x16xf32>
        tpu.vector_store %arg13[%parallel_loop3A_598, %parallel_loop3A_599], %parallel_loop3A_602 {strides = array<i32>} : memref<8x2048xf32, #tpu.memory_space<vmem>>, vector<1x16xf32>,
        %parallel_loop3A_603 = arith.constant 13 : i32
        %parallel_loop3A_604 = arith.index_cast %parallel_loop3A_603 : i32 to index
        %parallel_loop3A_605 = arith.index_cast %parallel_loop3A_517 : i32 to index
        %parallel_loop3A_606 = tpu.vector_load %arg10[%parallel_loop3A_604, %parallel_loop3A_605] {strides = array<i32>} : memref<16x2048xf32, #tpu.memory_space<vmem>>, vector<1x16xf32>,
        %parallel_loop3A_607 = vector.shape_cast %parallel_loop3A_606 : vector<1x16xf32> to vector<16xf32>
        %parallel_loop3A_608 = arith.constant 5 : i32
        %parallel_loop3A_609 = arith.index_cast %parallel_loop3A_608 : i32 to index
        %parallel_loop3A_610 = arith.index_cast %parallel_loop3A_517 : i32 to index
        %parallel_loop3A_611 = tpu.vector_load %arg12[%parallel_loop3A_609, %parallel_loop3A_610] {strides = array<i32>} : memref<8x2048xf32, #tpu.memory_space<vmem>>, vector<1x16xf32>,
        %parallel_loop3A_612 = vector.shape_cast %parallel_loop3A_611 : vector<1x16xf32> to vector<16xf32>
        %parallel_loop3A_613 = arith.addf %parallel_loop3A_607, %parallel_loop3A_612 : vector<16xf32>
        %parallel_loop3A_614 = arith.constant 5 : i32
        %parallel_loop3A_615 = arith.index_cast %parallel_loop3A_614 : i32 to index
        %parallel_loop3A_616 = arith.index_cast %parallel_loop3A_517 : i32 to index
        %parallel_loop3A_617 = tpu.vector_load %arg13[%parallel_loop3A_615, %parallel_loop3A_616] {strides = array<i32>} : memref<8x2048xf32, #tpu.memory_space<vmem>>, vector<1x16xf32>,
        %parallel_loop3A_618 = vector.shape_cast %parallel_loop3A_617 : vector<1x16xf32> to vector<16xf32>
        %parallel_loop3A_619 = vector.shape_cast %parallel_loop3A_613 : vector<16xf32> to vector<1x16xf32>
        tpu.vector_store %arg13[%parallel_loop3A_615, %parallel_loop3A_616], %parallel_loop3A_619 {strides = array<i32>} : memref<8x2048xf32, #tpu.memory_space<vmem>>, vector<1x16xf32>,
        %parallel_loop3A_620 = arith.constant 14 : i32
        %parallel_loop3A_621 = arith.index_cast %parallel_loop3A_620 : i32 to index
        %parallel_loop3A_622 = arith.index_cast %parallel_loop3A_517 : i32 to index
        %parallel_loop3A_623 = tpu.vector_load %arg10[%parallel_loop3A_621, %parallel_loop3A_622] {strides = array<i32>} : memref<16x2048xf32, #tpu.memory_space<vmem>>, vector<1x16xf32>,
        %parallel_loop3A_624 = vector.shape_cast %parallel_loop3A_623 : vector<1x16xf32> to vector<16xf32>
        %parallel_loop3A_625 = arith.constant 6 : i32
        %parallel_loop3A_626 = arith.index_cast %parallel_loop3A_625 : i32 to index
        %parallel_loop3A_627 = arith.index_cast %parallel_loop3A_517 : i32 to index
        %parallel_loop3A_628 = tpu.vector_load %arg12[%parallel_loop3A_626, %parallel_loop3A_627] {strides = array<i32>} : memref<8x2048xf32, #tpu.memory_space<vmem>>, vector<1x16xf32>,
        %parallel_loop3A_629 = vector.shape_cast %parallel_loop3A_628 : vector<1x16xf32> to vector<16xf32>
        %parallel_loop3A_630 = arith.addf %parallel_loop3A_624, %parallel_loop3A_629 : vector<16xf32>
        %parallel_loop3A_631 = arith.constant 6 : i32
        %parallel_loop3A_632 = arith.index_cast %parallel_loop3A_631 : i32 to index
        %parallel_loop3A_633 = arith.index_cast %parallel_loop3A_517 : i32 to index
        %parallel_loop3A_634 = tpu.vector_load %arg13[%parallel_loop3A_632, %parallel_loop3A_633] {strides = array<i32>} : memref<8x2048xf32, #tpu.memory_space<vmem>>, vector<1x16xf32>,
        %parallel_loop3A_635 = vector.shape_cast %parallel_loop3A_634 : vector<1x16xf32> to vector<16xf32>
        %parallel_loop3A_636 = vector.shape_cast %parallel_loop3A_630 : vector<16xf32> to vector<1x16xf32>
        tpu.vector_store %arg13[%parallel_loop3A_632, %parallel_loop3A_633], %parallel_loop3A_636 {strides = array<i32>} : memref<8x2048xf32, #tpu.memory_space<vmem>>, vector<1x16xf32>,
        %parallel_loop3A_637 = arith.constant 15 : i32
        %parallel_loop3A_638 = arith.index_cast %parallel_loop3A_637 : i32 to index
        %parallel_loop3A_639 = arith.index_cast %parallel_loop3A_517 : i32 to index
        %parallel_loop3A_640 = tpu.vector_load %arg10[%parallel_loop3A_638, %parallel_loop3A_639] {strides = array<i32>} : memref<16x2048xf32, #tpu.memory_space<vmem>>, vector<1x16xf32>,
        %parallel_loop3A_641 = vector.shape_cast %parallel_loop3A_640 : vector<1x16xf32> to vector<16xf32>
        %parallel_loop3A_642 = arith.constant 7 : i32
        %parallel_loop3A_643 = arith.index_cast %parallel_loop3A_642 : i32 to index
        %parallel_loop3A_644 = arith.index_cast %parallel_loop3A_517 : i32 to index
        %parallel_loop3A_645 = tpu.vector_load %arg12[%parallel_loop3A_643, %parallel_loop3A_644] {strides = array<i32>} : memref<8x2048xf32, #tpu.memory_space<vmem>>, vector<1x16xf32>,
        %parallel_loop3A_646 = vector.shape_cast %parallel_loop3A_645 : vector<1x16xf32> to vector<16xf32>
        %parallel_loop3A_647 = arith.addf %parallel_loop3A_641, %parallel_loop3A_646 : vector<16xf32>
        %parallel_loop3A_648 = arith.constant 7 : i32
        %parallel_loop3A_649 = arith.index_cast %parallel_loop3A_648 : i32 to index
        %parallel_loop3A_650 = arith.index_cast %parallel_loop3A_517 : i32 to index
        %parallel_loop3A_651 = tpu.vector_load %arg13[%parallel_loop3A_649, %parallel_loop3A_650] {strides = array<i32>} : memref<8x2048xf32, #tpu.memory_space<vmem>>, vector<1x16xf32>,
        %parallel_loop3A_652 = vector.shape_cast %parallel_loop3A_651 : vector<1x16xf32> to vector<16xf32>
        %parallel_loop3A_653 = vector.shape_cast %parallel_loop3A_647 : vector<16xf32> to vector<1x16xf32>
        tpu.vector_store %arg13[%parallel_loop3A_649, %parallel_loop3A_650], %parallel_loop3A_653 {strides = array<i32>} : memref<8x2048xf32, #tpu.memory_space<vmem>>, vector<1x16xf32>,
      } {sc.loop_unroll_factor = 1 : i64, sc.parallel_access}
      %add3A_484 = arith.constant 6144 : i32
      %add3A_485 = arith.addi %add3A_484, %mul3A_2 : i32
      %mul3A_486 = arith.constant 8 : i32
      %mul3A_487 = arith.muli %add3A_325, %mul3A_486 : i32
      %add3A_488 = arith.addi %add3A_485, %mul3A_487 : i32
      %dma_start3A_489 = arith.constant 0 : i32
      %dma_start3A_490 = tpu.memref_slice %arg5[%add3A_488, %dma_start3A_489] : memref<8192x2048xf32, #tpu.memory_space<hbm>> -> memref<8x2048xf32, #tpu.memory_space<hbm>>
      %dma_start3A_491 = arith.constant 0 : i32
      %dma_start3A_492 = tpu.memref_slice %arg5[%add3A_488, %dma_start3A_491] : memref<8192x2048xf32, #tpu.memory_space<hbm>> -> memref<8x2048xf32, #tpu.memory_space<hbm>>
      tpu.enqueue_dma source(%arg13 : memref<8x2048xf32, #tpu.memory_space<vmem>>) target(%dma_start3A_492 : memref<8x2048xf32, #tpu.memory_space<hbm>>) target_semaphore(%arg21 : memref<!tpu.dma_semaphore, #tpu.memory_space<semaphore_mem>>)
      %add3A_493 = arith.constant 4096 : i32
      %add3A_494 = arith.addi %add3A_493, %mul3A_2 : i32
      %mul3A_495 = arith.constant 8 : i32
      %mul3A_496 = arith.muli %add3A_325, %mul3A_495 : i32
      %add3A_497 = arith.addi %add3A_494, %mul3A_496 : i32
      %dma_wait3A_498 = arith.constant 0 : i32
      %dma_wait3A_499 = arith.constant 0 : i32
      %dma_wait3A_500 = tpu.memref_slice %arg10[%dma_wait3A_498, %dma_wait3A_499] : memref<16x2048xf32, #tpu.memory_space<vmem>> -> memref<8x2048xf32, #tpu.memory_space<vmem>>
      %dma_wait3A_501 = arith.constant 0 : i32
      %dma_wait3A_502 = tpu.memref_slice %arg5[%add3A_497, %dma_wait3A_501] : memref<8192x2048xf32, #tpu.memory_space<hbm>> -> memref<8x2048xf32, #tpu.memory_space<hbm>>
      %dma_wait3A_503 = arith.constant 0 : i32
      %dma_wait3A_504 = tpu.memref_slice %arg5[%add3A_497, %dma_wait3A_503] : memref<8192x2048xf32, #tpu.memory_space<hbm>> -> memref<8x2048xf32, #tpu.memory_space<hbm>>
      %dma_wait3A_505 = arith.constant 0 : i32
      %dma_wait3A_506 = arith.constant 0 : i32
      %dma_wait3A_507 = tpu.memref_slice %arg10[%dma_wait3A_505, %dma_wait3A_506] : memref<16x2048xf32, #tpu.memory_space<vmem>> -> memref<8x2048xf32, #tpu.memory_space<vmem>>
      tpu.wait_dma2 semaphore(%arg20 : memref<!tpu.dma_semaphore, #tpu.memory_space<semaphore_mem>>) src(%dma_wait3A_507 : memref<8x2048xf32, #tpu.memory_space<vmem>>) dst(%dma_wait3A_504 : memref<8x2048xf32, #tpu.memory_space<hbm>>)
      %add3A_508 = arith.constant 1 : i32
      %add3A_509 = arith.addi %scan3A_77, %add3A_508 : i32
      %lt3A_510 = arith.constant 4 : i32
      %lt3A_511 = arith.cmpi slt, %add3A_509, %lt3A_510 : i32
      %convert_element_type3A_512 = arith.extui %lt3A_511 : i1 to i32
      %cond3A_513 = arith.constant 0 : i32
      %cond3A_514 = arith.cmpi ne, %convert_element_type3A_512, %cond3A_513 : i32
      scf.if %cond3A_514 {
        %add3A_515 = arith.constant 1 : i32
        %add3A_516 = arith.addi %add3A_325, %add3A_515 : i32
        %mul3A_517 = arith.constant 2 : i32
        %mul3A_518 = arith.muli %add3A_516, %mul3A_517 : i32
        %add3A_519 = arith.constant 1 : i32
        %add3A_520 = arith.addi %mul3A_518, %add3A_519 : i32
        %mul3A_521 = arith.constant 16 : i32
        %mul3A_522 = arith.muli %add3A_520, %mul3A_521 : i32
        %dma_start3A_523 = arith.constant 0 : i32
        %dma_start3A_524 = arith.constant 0 : i32
        %dma_start3A_525 = tpu.memref_slice %arg10[%dma_start3A_523, %dma_start3A_524] : memref<16x2048xf32, #tpu.memory_space<vmem>> -> memref<8x2048xf32, #tpu.memory_space<vmem>>
        %dma_start3A_526 = tpu.memref_slice %arg6[%mul3A_522] : memref<256xi32, #tpu.memory_space<vmem>> -> memref<8xi32, #tpu.memory_space<vmem>>
        %dma_start3A_527 = arith.constant 0 : i32
        %dma_start3A_528 = arith.constant 0 : i32
        %dma_start3A_529 = tpu.memref_slice %arg3[%dma_start3A_527, %dma_start3A_528] : memref<50272x2048xf32, #tpu.memory_space<hbm>> -> memref<50272x2048xf32, #tpu.memory_space<hbm>>
        tpu.enqueue_indirect_dma source(%dma_start3A_529 : memref<50272x2048xf32, #tpu.memory_space<hbm>>) target(%dma_start3A_525 : memref<8x2048xf32, #tpu.memory_space<vmem>>) offsets(%dma_start3A_526 : memref<8xi32, #tpu.memory_space<vmem>>) semaphore(%arg15 : memref<!tpu.dma_semaphore, #tpu.memory_space<semaphore_mem>>)
        %mul3A_530 = arith.constant 2 : i32
        %mul3A_531 = arith.muli %add3A_516, %mul3A_530 : i32
        %add3A_532 = arith.constant 1 : i32
        %add3A_533 = arith.addi %mul3A_531, %add3A_532 : i32
        %mul3A_534 = arith.constant 16 : i32
        %mul3A_535 = arith.muli %add3A_533, %mul3A_534 : i32
        %add3A_536 = arith.constant 8 : i32
        %add3A_537 = arith.addi %mul3A_535, %add3A_536 : i32
        %dma_start3A_538 = arith.constant 8 : i32
        %dma_start3A_539 = arith.constant 0 : i32
        %dma_start3A_540 = tpu.memref_slice %arg10[%dma_start3A_538, %dma_start3A_539] : memref<16x2048xf32, #tpu.memory_space<vmem>> -> memref<8x2048xf32, #tpu.memory_space<vmem>>
        %dma_start3A_541 = tpu.memref_slice %arg6[%add3A_537] : memref<256xi32, #tpu.memory_space<vmem>> -> memref<8xi32, #tpu.memory_space<vmem>>
        %dma_start3A_542 = arith.constant 0 : i32
        %dma_start3A_543 = arith.constant 0 : i32
        %dma_start3A_544 = tpu.memref_slice %arg3[%dma_start3A_542, %dma_start3A_543] : memref<50272x2048xf32, #tpu.memory_space<hbm>> -> memref<50272x2048xf32, #tpu.memory_space<hbm>>
        tpu.enqueue_indirect_dma source(%dma_start3A_544 : memref<50272x2048xf32, #tpu.memory_space<hbm>>) target(%dma_start3A_540 : memref<8x2048xf32, #tpu.memory_space<vmem>>) offsets(%dma_start3A_541 : memref<8xi32, #tpu.memory_space<vmem>>) semaphore(%arg17 : memref<!tpu.dma_semaphore, #tpu.memory_space<semaphore_mem>>)
      } else {
      }
    }
    %scan3A_69 = arith.constant 4 : i32
    %add3A_70 = arith.constant 6144 : i32
    %add3A_71 = arith.addi %add3A_70, %mul3A_2 : i32
    %add3A_72 = arith.constant 56 : i32
    %add3A_73 = arith.addi %add3A_71, %add3A_72 : i32
    %dma_wait3A = arith.constant 0 : i32
    %dma_wait3A_74 = tpu.memref_slice %arg5[%add3A_73, %dma_wait3A] : memref<8192x2048xf32, #tpu.memory_space<hbm>> -> memref<8x2048xf32, #tpu.memory_space<hbm>>
    %dma_wait3A_75 = arith.constant 0 : i32
    %dma_wait3A_76 = tpu.memref_slice %arg5[%add3A_73, %dma_wait3A_75] : memref<8192x2048xf32, #tpu.memory_space<hbm>> -> memref<8x2048xf32, #tpu.memory_space<hbm>>
    tpu.wait_dma2 semaphore(%arg21 : memref<!tpu.dma_semaphore, #tpu.memory_space<semaphore_mem>>) src(%arg13 : memref<8x2048xf32, #tpu.memory_space<vmem>>) dst(%dma_wait3A_76 : memref<8x2048xf32, #tpu.memory_space<hbm>>)
    return
  }
}

</mosaic_0001>

<sc_bundles>
// kernel: kernel.3.cloned.1.call-start
scs
__scs_entry_jumppad:
0x0: {  	(pc) =	sbr.rel $0x88, $3  }
0x1: {  	(tag) =	ssettag $0x0;
	lr =	simm.s32 $0x1  }
0x2: {  	[smem:$0x3F9E] =	sst lr;
	_ =	strace $0xD0000000  }
0x3: {  	_ = 	snop  }
0x4: {  	_ = 	snop  }
0x5: {  	_ = 	snop  }
0x6: {  	_ = 	snop  }
0x7: {  	_ = 	snop  }
__scs_overlays_trampoline_lowered:
0x8: {  	[smem:$0x3FAD] =	sst s0  }
0x9: {  	[smem:$0x3FAE] =	sst s1  }
0xa: {  	[smem:$0x3FAF] =	sst s2  }
0xb: {  	[smem:$0x3FB0] =	sst s3  }
0xc: {  	[smem:$0x3FB1] =	sst s4  }
0xd: {  	[smem:$0x3FB2] =	sst s5  }
0xe: {  	[smem:$0x3FB3] =	sst s6  }
0xf: {  	[smem:$0x3FB4] =	sst s7  }
0x10: {  	[smem:$0x3FB5] =	sst s8  }
0x11: {  	[smem:$0x3FB6] =	sst s9;
	s0 =	simm.s32 @!p0 $0x0  }
0x12: {  	s1 =	sld [smem:$0x3F9C];
	s0 =	simm.s32 @p0 $0x1  }
0x13: {  	[smem:$0x3FB7] =	sst s0;
	s0 =	simm.s32 @!p1 $0x0  }
0x14: {  	s2 =	sld [smem:$0x3F9B];
	s0 =	simm.s32 @p1 $0x1  }
0x15: {  	[smem:$0x3FB8] =	sst s0;
	s0 =	simm.s32 @!p2 $0x0  }
0x16: {  	s3 =	sld [smem:$0x3FDB];
	s0 =	simm.s32 @p2 $0x1  }
0x17: {  	s4 =	simm.s32 $0x1BF5;
	[smem:$0x3FBA] =	sst s0  }
0x18: {  	s0 =	sld [smem:$0x3F9D];
	_ =	swait.ge [sflag:s4], $0x0  }
0x19: {  	s7 =	sld [smem:$0x3F9E]  }
0x1a: {  	s8 =	sadd.s32 $0xFFFFE003, lr  }
0x1b: {  	s9 =	sadd.s32 $0xFFFFFEF7, lr;
	s5 =	simm.s32 $0xFFFFFFFF;
	p2 =	slt.u32 s8, $0xFFFFF086  }
0x1c: {  	p1 =	slt.u32 s9, $0xF7A;
	s5 =	simm.s32 @!p2 $0x0  }
0x1d: {  	s5 =	simm.s32 @p1 $0x1;
	p0 =	seq.s32 s7, s2  }
0x1e: {  	s7 =	smul.u32 @!p0 $0xF7A, s2;
	p2 =	seq.s32 @!p0 s5, $0x0  }
0x1f: {  	s9 =	smul.u32 $0xF7A, s1;
	s8 =	simm.s32 @!p0 $0x1BF5;
	p2 =	por !p2, p0  }
0x20: {  	[sflag:s8] =	ssyncset.s32 @!p0 $0xFFFFF086;
	s6 =	sadd.s32 @!p0 s3, s7;
	s7 =	simm.s32 @!p0 $0x108  }
0x21: {  	s3 =	sadd.s32 s3, s9;
	s6 =	sadd.s32 @!p0 $0x88, s6;
	s7 =	simm.s32 @p2 $0x1082  }
0x22: {  	[simem:s7], [sflag:s8] =	dma.local @!p0 [hbm:s6], $0xF7A  }
0x23: {  	s9 =	sor.u32 $0xD0000000, s2;
	s6 =	simm.s32 $0x108;
	_ =	swait.ge @!p0 [sflag:s8], $0x0  }
0x24: {  	s3 =	sadd.s32 $0x88, s3;
	s6 =	simm.s32 @!p1 $0x1082;
	[sflag:s4] =	ssyncset.s32 $0xFFFFF086  }
0x25: {  	[simem:s6], [sflag:s4] =	dma.local [hbm:s3], $0xF7A  }
0x26: {  	[smem:$0x3F9E] =	sst s1;
	(tag) =	ssettag s2;
	_ =	strace s9  }
0x27: {  	s1 =	sld [smem:$0x3FAE]  }
0x28: {  	s2 =	sld [smem:$0x3FAF]  }
0x29: {  	s4 =	sld [smem:$0x3FB1]  }
0x2a: {  	p0 =	seq.s32 s5, $0x0;
	s5 =	sld [smem:$0x3FB2]  }
0x2b: {  	s6 =	sld [smem:$0x3FB3]  }
0x2c: {  	s7 =	sld [smem:$0x3FB4]  }
0x2d: {  	s3 =	simm.s32 $0x108;
	s8 =	sld [smem:$0x3FB5]  }
0x2e: {  	s3 =	simm.s32 @!p0 $0x1082;
	s9 =	sld [smem:$0x3FB6]  }
0x2f: {  	lr =	sadd.s32 s0, s3;
	s0 =	sld [smem:$0x3FAD]  }
0x30: {  	s3 =	sld [smem:$0x3FB0]  }
0x31: {  	[smem:$0x3FB9] =	sst s10  }
0x32: {  	s10 =	sld [smem:$0x3FB7];
	_ =	sdelay $0x3  }
0x33: {  	p0 =	seq.s32 s10, $0x1;
	s10 =	sld [smem:$0x3FB9];
	_ =	sdelay $0x3  }
0x34: {  	[smem:$0x3FB9] =	sst s10  }
0x35: {  	s10 =	sld [smem:$0x3FB8];
	_ =	sdelay $0x3  }
0x36: {  	p1 =	seq.s32 s10, $0x1;
	s10 =	sld [smem:$0x3FB9];
	_ =	sdelay $0x3  }
0x37: {  	[smem:$0x3FB9] =	sst s10  }
0x38: {  	s10 =	sld [smem:$0x3FBA]  }
0x39: {  	_ = 	snop;
	(pc) =	sbr.ind lr, $3  }
0x3a: {  	_ = 	snop  }
0x3b: {  	_ = 	snop  }
0x3c: {  	p2 =	seq.s32 s10, $0x1;
	s10 =	sld [smem:$0x3FB9]  }
0x3d: {  	_ =	shalt  }
0x3e: {  	_ =	shalt  }
0x3f: {  	_ =	shalt  }
0x40: {  	_ =	shalt  }
0x41: {  	_ =	shalt  }
0x42: {  	_ =	shalt  }
0x43: {  	_ =	shalt  }
0x44: {  	_ =	shalt  }
0x45: {  	_ =	shalt  }
0x46: {  	_ =	shalt  }
0x47: {  	_ =	shalt  }
0x48: {  	_ =	shalt  }
0x49: {  	_ =	shalt  }
0x4a: {  	_ =	shalt  }
0x4b: {  	_ =	shalt  }
0x4c: {  	_ =	shalt  }
0x4d: {  	_ =	shalt  }
0x4e: {  	_ =	shalt  }
0x4f: {  	_ =	shalt  }
0x50: {  	_ =	shalt  }
0x51: {  	_ =	shalt  }
0x52: {  	_ =	shalt  }
0x53: {  	_ =	shalt  }
0x54: {  	_ =	shalt  }
0x55: {  	_ =	shalt  }
0x56: {  	_ =	shalt  }
0x57: {  	_ =	shalt  }
0x58: {  	_ =	shalt  }
0x59: {  	_ =	shalt  }
0x5a: {  	_ =	shalt  }
0x5b: {  	_ =	shalt  }
0x5c: {  	_ =	shalt  }
0x5d: {  	_ =	shalt  }
0x5e: {  	_ =	shalt  }
0x5f: {  	_ =	shalt  }
0x60: {  	_ =	shalt  }
0x61: {  	_ =	shalt  }
0x62: {  	_ =	shalt  }
0x63: {  	_ =	shalt  }
0x64: {  	_ =	shalt  }
0x65: {  	_ =	shalt  }
0x66: {  	_ =	shalt  }
0x67: {  	_ =	shalt  }
0x68: {  	_ =	shalt  }
0x69: {  	_ =	shalt  }
0x6a: {  	_ =	shalt  }
0x6b: {  	_ =	shalt  }
0x6c: {  	_ =	shalt  }
0x6d: {  	_ =	shalt  }
0x6e: {  	_ =	shalt  }
0x6f: {  	_ =	shalt  }
0x70: {  	_ =	shalt  }
0x71: {  	_ =	shalt  }
0x72: {  	_ =	shalt  }
0x73: {  	_ =	shalt  }
0x74: {  	_ =	shalt  }
0x75: {  	_ =	shalt  }
0x76: {  	_ =	shalt  }
0x77: {  	_ =	shalt  }
0x78: {  	_ =	shalt  }
0x79: {  	_ =	shalt  }
0x7a: {  	_ =	shalt  }
0x7b: {  	_ =	shalt  }
0x7c: {  	_ =	shalt  }
0x7d: {  	_ =	shalt  }
0x7e: {  	_ =	shalt  }
0x7f: {  	_ =	shalt  }
0x80: {  	_ =	shalt  }
0x81: {  	_ =	shalt  }
0x82: {  	_ =	shalt  }
0x83: {  	_ =	shalt  }
0x84: {  	_ =	shalt  }
0x85: {  	_ =	shalt  }
0x86: {  	_ =	shalt  }
0x87: {  	_ =	shalt  }
.Lfunc_end0:
.L_simem_size_0:
called_computation_lowered:
.L_overlay_start_0:
0x88: {  	s2 =	sld [smem:$0x3FD9]  }
0x89: {  	s3 =	sld [smem:$0x3FFE];
	_ =	sdelay $0x1  }
0x8a: {  	s1 =	srdreg.scid  }
0x8b: {  	s0 =	sand.u32 $0x1, s1  }
0x8c: {  	s17 =	sshll.u32 s0, $0xA;
	s2 =	sadd.s32 s3, s2  }
0x8d: {  	s2 =	sadd.s32 s2, s17  }
0x8e: {  	[smem:$0x3FC5] =	sst s2  }
0x8f: {  	_ = 	snop  }
0x90: {  	s2 =	sld [smem:$0x3FC8]  }
0x91: {  	s18 =	sld [smem:$0x3FC7]  }
0x92: {  	s4 =	sld [smem:$0x3FD0];
	(tm) =	ssettm $0x1  }
0x93: {  	s5 =	sld [smem:$0x3FFB];
	_ =	sdelay $0x3  }
0x94: {  	_ =	strace s5  }
0x95: {  	s5 =	sld [smem:$0x3FFC];
	_ =	sdelay $0x3  }
0x96: {  	_ =	strace s5  }
0x97: {  	s5 =	sld [smem:$0x3FFD];
	_ =	sdelay $0x3  }
0x98: {  	_ =	strace s5  }
0x99: {  	_ =	strace $0x8FFFFFFF  }
0x9a: {  	s19 =	sld [smem:$0x3FDB];
	_ =	sdelay $0x1  }
0x9b: {  	s6 =	simm.s32 $_scs_section_size  }
0x9c: {  	s7 =	simm.s32 $_size__tile_overlayer_lowered;
	s8 =	simm.s32 $_tile_overlayer_lowered  }
0x9d: {  	s22 =	simm.s32 $0x1BFF;
	s21 =	sshll.u32 s8, $0x1;
	s5 =	sadd.s32 s6, s19  }
0x9e: {  	s9 =	simm.s32 $0x0;
	s20 =	sshll.u32 s7, $0x1;
	s7 =	sadd.s32 s21, s5  }
0x9f: {  	[timem:s9], [sflag:s22] =	dma.local [hbm:s7], s20  }
0xa0: {  	_ =	swait.ge [sflag:s22], s20  }
0xa1: {  	s6 =	ssub.s32 $0x0, s20;
	[sflag:s22] =	ssyncset.done $0x0  }
0xa2: {  	[sflag:s22] =	ssyncadd.s32 s6;
	_ =	sdelay $0x1  }
0xa3: {  	s23 =	simm.s32 $0x1B8B  }
0xa4: {  	_ =	swait.ge [sflag:s23], $0x1  }
0xa5: {  	[sflag:s23] =	ssyncset.done $0x0  }
0xa6: {  	s25 =	simm.s32 $0x1B8E;
	s24 =	sld [smem:$0x3FFE];
	[sflag:s23] =	ssyncadd.s32 $0xFFFFFFFF  }
0xa7: {  	s26 =	simm.s32 $execute0_lowered;
	[smem:$0x3FD2] =	sst s25  }
0xa8: {  	s7 =	sshll.u32 s26, $0x1;
	_ =	strace $0x80000046;
	[dreg:$0x1] =	wrdreg $0xFFFFFFFF  }
0xa9: {  	s28 =	simm.s32 $_size_execute0_lowered;
	s5 =	sadd.s32 s5, s7;
	[dreg:$0x0] =	wrdreg $0x0  }
0xaa: {  	s7 =	sshll.u32 s28, $0x1;
	[dreg:$0x2] =	wrdreg s5  }
0xab: {  	[dreg:$0x3] =	wrdreg s7  }
0xac: {  	[dreg:$0x4] =	wrdreg $0xC0  }
0xad: {  	_ =	task [dreg:s9], $0x5FFFF  }
0xae: {  	[dreg:$0x1] =	wrdreg $0xFFFFFFFF  }
0xaf: {  	[dreg:$0x0] =	wrdreg $0x60  }
0xb0: {  	[dreg:$0x2] =	wrdreg s24  }
0xb1: {  	[dreg:$0x3] =	wrdreg s2  }
0xb2: {  	[dreg:$0x4] =	wrdreg s18  }
0xb3: {  	[dreg:$0x5] =	wrdreg s4  }
0xb4: {  	[dreg:$0x6] =	wrdreg $0x9  }
0xb5: {  	_ =	task.clear_ibuf [dreg:s9], $0x7FFFF;
	_ =	strace $0x90000046  }
0xb6: {  	s29 =	simm.s32 $0x9;
	_ =	strace $0x80000048  }
0xb7: {  	_ =	swait.ge [sflag:s29], $0x1  }
0xb8: {  	[sflag:s29] =	ssyncadd.s32 $0xFFFFFFFF  }
0xb9: {  	_ =	strace $0x90000048  }
0xba: {  	_ =	sfence  }
0xbb: {  	s30 =	sld [smem:$0x0];
	_ =	sdelay $0x2  }
0xbc: {  	s31 =	sshll.u32 s1, $0xD;
	s1 =	sshrl.u32 s1, $0x2  }
0xbd: {  	s3 =	sand.u32 $0x4000, s31;
	s1 =	sadd.s32 s1, s30  }
0xbe: {  	s0 =	sor.u32 s3, s0;
	s1 =	sshll.u32 s1, $0x11  }
0xbf: {  	s0 =	sor.u32 s1, s0  }
0xc0: {  	s0 =	sadd.s32 $0x8F2B, s0  }
0xc1: {  	[sflag:s0] =	ssyncadd.remote.s32 $0x1  }
0xc2: {  	_ =	sfence.sel $0xFFFF  }
0xc3: {  	[dreg:$0x0] =	wrdreg $0xFFFFFFFF;
	(pc) =	sbr.abs _section_cstart, $3  }
0xc4: {  	[dreg:$0x1] =	wrdreg $0xFFFFFFFF  }
0xc5: {  	_ =	task.clear_ibuf [dreg:s9], $0x2FFFF;
	_ =	strace $0x9FFFFFFF  }
0xc6: {  	(tm) =	ssettm $0x7FFFFFFF  }
0xc7: {  	_ =	shalt  }
tec
execute0_lowered:
.L_overlay_start_1:
0x0: {  	(tag) =	ssettag $0x1  }
0x1: {  	s0 =	rddreg [dreg:$0x0]  }
0x2: {  	s1 =	rddreg [dreg:$0x1]  }
0x3: {  	s8 =	rddreg [dreg:$0x2]  }
0x4: {  	s4 =	rddreg [dreg:$0x3];
	s2 =	srdreg.scid  }
0x5: {  	s3 =	stileid.u32;
	s5 =	simm.s32 $0x0;
	s30 =	simm.s32 $0x1  }
0x6: {  	s28 =	simm.s32 $0x8;
	[smem:$0x7FF] =	sst s5;
	s17 =	sadd.s32 $0x100, s8  }
0x7: {  	s18 =	sadd.s32 $0x200, s8;
	_ =	strace $0x80000047;
	[dreg:$0x8] =	wrdreg s17  }
0x8: {  	s2 =	sand.u32 $0x1, s2;
	s19 =	sadd.s32 $0x300, s8;
	[dreg:$0x9] =	wrdreg s18  }
0x9: {  	s3 =	sshll.u32 s3, $0x1;
	s20 =	sadd.s32 $0x400, s8;
	[dreg:$0xa] =	wrdreg s19  }
0xa: {  	s21 =	sadd.s32 $0x500, s8;
	s22 =	sadd.s32 $0x600, s8;
	[dreg:$0xb] =	wrdreg s20  }
0xb: {  	s23 =	sadd.s32 $0x700, s8;
	s16 =	sadd.s32 $0x100, s1;
	[dreg:$0xc] =	wrdreg s21  }
0xc: {  	s8 =	simm.s32 $0x2;
	s3 =	sor.u32 s2, s3;
	[dreg:$0xd] =	wrdreg s22  }
0xd: {  	s2 =	ssub.s32 $0x2, s2;
	[dreg:$0xe] =	wrdreg s23;
	s17 =	sadd.s32 $0x200, s1  }
0xe: {  	s18 =	sadd.s32 $0x300, s1;
	s19 =	sadd.s32 $0x400, s1;
	s20 =	sadd.s32 $0x500, s1  }
0xf: {  	s21 =	sadd.s32 $0x600, s1;
	s22 =	sadd.s32 $0x700, s1;
	s14 =	sshll.u32 s3, $0x6  }
0x10: {  	s6 =	sshll.u32 s3, $0x5;
	s24 =	sor.u32 $0x800, s14;
	[dreg:$0x5] =	wrdreg s14  }
0x11: {  	s7 =	sshrl.u32 s2, $0x1;
	s26 =	sor.u32 $0x1000, s14;
	[dreg:$0xf] =	wrdreg s24  }
0x12: {  	s0 =	sadd.s32 s6, s0;
	s29 =	sor.u32 $0x1800, s14;
	[dreg:$0x11] =	wrdreg s26  }
0x13: {  	s2 =	ssub.s32 s2, s7;
	s31 =	sor.u32 $0x12, s14;
	[dreg:$0x12] =	wrdreg s29  }
0x14: {  	s15 =	sor.u32 $0x2, s14;
	s3 =	sor.u32 $0xA, s14;
	[dreg:$0x13] =	wrdreg s31  }
0x15: {  	v0 =	vlaneseq.u32;
	s7 =	simm.s32 $0x7;
	s0 =	sadd.s32 $0x400, s0;
	[dreg:$0x7] =	wrdreg s15  }
0x16: {  	vm0 =	vmmov $0xffff;
	v4 =	vshrl.u32 v0, $0x3;
	v3 =	vand.u32 $0x7, v0;
	s6 =	simm.s32 $0x0;
	s25 =	smax.u32 s2, $0x1;
	[dreg:$0x6] =	wrdreg s0  }
0x17: {  	v4 =	vmul.u32 $0x8, v4;
	v1 =	vadd.s32 s3, v0;
	v2 =	vadd.s32 s15, v0;
	s3 =	simm.s32 $0x4;
	[dreg:$0x10] =	wrdreg s25;
	s0 =	simm.s32 $0x3  }
.LBB2_1:
0x18: {  	[dreg:$0x14] =	wrdreg s6  }
0x19: {  	s2 =	rddreg [dreg:$0x6];
	s14 =	simm.s32 $0x9  }
0x1a: {  	[tilespmem:s5], [sflag:$0x9] =	stream.linear.gather [hbm4b:s2+s5], $0x100, $0x38;
	[tilespmem:$0x1C200] =	vst v63  }
0x1b: {  	_ =	swait.ge [sflag:s14], $0x100  }
0x1c: {  	[sflag:s14] =	ssyncset.done $0x0  }
0x1d: {  	[sflag:s14] =	ssyncadd.s32 $0xFFFFFF00  }
0x1e: {  	[tilespmem:$0x100] =	vst v2  }
0x1f: {  	v5 =	vld.msk [tilespmem:$0x100], $0xff;
	_ =	sdelay $0x4  }
0x20: {  	v6 =	vshll.u32 v5, $0x4  }
0x21: {  	v5 =	vand.u32 $0x7, v5;
	v6 =	vand.u32 $0xFFFFFF80, v6  }
0x22: {  	v5 =	vor.u32 v5, v6  }
0x23: {  	v5 =	vperm.xlane v5, v3;
	_ =	sdelay $0x1  }
0x24: {  	v5 =	vadd.s32 v4, v5;
	_ =	sdelay $0x3  }
0x25: {  	s15 =	simm.s32 $0x10200;
	s2 =	rddreg [dreg:$0x2]  }
0x26: {  	[tilespmem:s15], [sflag:$0x5] =	stream.indirect_vreg.gather [hbm4b:s2+s5], $0x80, v5, vm0, $0xb8;
	[tilespmem:$0x1C200] =	vst v63  }
0x27: {  	s9 =	simm.s32 $0x10A00;
	s6 =	rddreg [dreg:$0x8]  }
0x28: {  	[tilespmem:s9], [sflag:$0x5] =	stream.indirect_vreg.gather [hbm4b:s6+s5], $0x80, v5, vm0, $0xb8;
	[tilespmem:$0x1C200] =	vst v63  }
0x29: {  	s10 =	simm.s32 $0x11200;
	s9 =	rddreg [dreg:$0x9]  }
0x2a: {  	[tilespmem:s10], [sflag:$0x5] =	stream.indirect_vreg.gather [hbm4b:s9+s5], $0x80, v5, vm0, $0xb8;
	[tilespmem:$0x1C200] =	vst v63  }
0x2b: {  	s11 =	simm.s32 $0x11A00;
	s10 =	rddreg [dreg:$0xa]  }
0x2c: {  	[tilespmem:s11], [sflag:$0x5] =	stream.indirect_vreg.gather [hbm4b:s10+s5], $0x80, v5, vm0, $0xb8;
	[tilespmem:$0x1C200] =	vst v63  }
0x2d: {  	s12 =	simm.s32 $0x12200;
	s23 =	rddreg [dreg:$0xb]  }
0x2e: {  	[tilespmem:s12], [sflag:$0x5] =	stream.indirect_vreg.gather [hbm4b:s23+s5], $0x80, v5, vm0, $0xb8;
	[tilespmem:$0x1C200] =	vst v63  }
0x2f: {  	s13 =	simm.s32 $0x12A00;
	s24 =	rddreg [dreg:$0xc]  }
0x30: {  	[tilespmem:s13], [sflag:$0x5] =	stream.indirect_vreg.gather [hbm4b:s24+s5], $0x80, v5, vm0, $0xb8;
	[tilespmem:$0x1C200] =	vst v63  }
0x31: {  	s25 =	rddreg [dreg:$0xd];
	s14 =	simm.s32 $0x13200  }
0x32: {  	[tilespmem:s14], [sflag:$0x5] =	stream.indirect_vreg.gather [hbm4b:s25+s5], $0x80, v5, vm0, $0xb8;
	[tilespmem:$0x1C200] =	vst v63  }
0x33: {  	s26 =	rddreg [dreg:$0xe];
	s15 =	simm.s32 $0x13A00  }
0x34: {  	[tilespmem:s15], [sflag:$0x5] =	stream.indirect_vreg.gather [hbm4b:s26+s5], $0x80, v5, vm0, $0xb8;
	[tilespmem:$0x1C200] =	vst v63  }
0x35: {  	[tilespmem:$0x180] =	vst v1  }
0x36: {  	v5 =	vld.msk [tilespmem:$0x180], $0xff;
	_ =	sdelay $0x4  }
0x37: {  	v6 =	vshll.u32 v5, $0x4  }
0x38: {  	v5 =	vand.u32 $0x7, v5;
	v6 =	vand.u32 $0xFFFFFF80, v6  }
0x39: {  	v5 =	vor.u32 v5, v6  }
0x3a: {  	v5 =	vperm.xlane v5, v3;
	_ =	sdelay $0x1  }
0x3b: {  	v5 =	vadd.s32 v4, v5;
	_ =	sdelay $0x3  }
0x3c: {  	s29 =	simm.s32 $0x14200  }
0x3d: {  	[tilespmem:s29], [sflag:$0x6] =	stream.indirect_vreg.gather [hbm4b:s2+s5], $0x80, v5, vm0, $0xb8;
	[tilespmem:$0x1C200] =	vst v63  }
0x3e: {  	s31 =	simm.s32 $0x14A00  }
0x3f: {  	[tilespmem:s31], [sflag:$0x6] =	stream.indirect_vreg.gather [hbm4b:s6+s5], $0x80, v5, vm0, $0xb8;
	[tilespmem:$0x1C200] =	vst v63  }
0x40: {  	s6 =	simm.s32 $0x15200  }
0x41: {  	[tilespmem:s6], [sflag:$0x6] =	stream.indirect_vreg.gather [hbm4b:s9+s5], $0x80, v5, vm0, $0xb8;
	[tilespmem:$0x1C200] =	vst v63  }
0x42: {  	s9 =	simm.s32 $0x15A00  }
0x43: {  	[tilespmem:s9], [sflag:$0x6] =	stream.indirect_vreg.gather [hbm4b:s10+s5], $0x80, v5, vm0, $0xb8;
	[tilespmem:$0x1C200] =	vst v63  }
0x44: {  	s10 =	simm.s32 $0x16200  }
0x45: {  	[tilespmem:s10], [sflag:$0x6] =	stream.indirect_vreg.gather [hbm4b:s23+s5], $0x80, v5, vm0, $0xb8;
	[tilespmem:$0x1C200] =	vst v63  }
0x46: {  	s15 =	simm.s32 $0x16A00  }
0x47: {  	[tilespmem:s15], [sflag:$0x6] =	stream.indirect_vreg.gather [hbm4b:s24+s5], $0x80, v5, vm0, $0xb8;
	[tilespmem:$0x1C200] =	vst v63  }
0x48: {  	s23 =	simm.s32 $0x17200  }
0x49: {  	[tilespmem:s23], [sflag:$0x6] =	stream.indirect_vreg.gather [hbm4b:s25+s5], $0x80, v5, vm0, $0xb8;
	[tilespmem:$0x1C200] =	vst v63  }
0x4a: {  	s24 =	simm.s32 $0x17A00  }
0x4b: {  	[tilespmem:s24], [sflag:$0x6] =	stream.indirect_vreg.gather [hbm4b:s26+s5], $0x80, v5, vm0, $0xb8;
	[tilespmem:$0x1C200] =	vst v63  }
0x4c: {  	v5 =	vld.msk [tilespmem:$0x0], $0xff;
	_ =	sdelay $0x4  }
0x4d: {  	v6 =	vshll.u32 v5, $0x4  }
0x4e: {  	v5 =	vand.u32 $0x7, v5;
	v6 =	vand.u32 $0xFFFFFF80, v6  }
0x4f: {  	v5 =	vor.u32 v5, v6  }
0x50: {  	v5 =	vperm.xlane v5, v3;
	_ =	sdelay $0x1  }
0x51: {  	v5 =	vadd.s32 v4, v5;
	_ =	sdelay $0x3  }
0x52: {  	s25 =	simm.s32 $0x200  }
0x53: {  	[tilespmem:s25], [sflag:$0x1] =	stream.indirect_vreg.gather [hbm4b:s1+s5], $0x80, v5, vm0, $0xb8;
	[tilespmem:$0x1C200] =	vst v63  }
0x54: {  	s26 =	simm.s32 $0xA00  }
0x55: {  	[tilespmem:s26], [sflag:$0x1] =	stream.indirect_vreg.gather [hbm4b:s16+s5], $0x80, v5, vm0, $0xb8;
	[tilespmem:$0x1C200] =	vst v63  }
0x56: {  	s29 =	simm.s32 $0x1200  }
0x57: {  	[tilespmem:s29], [sflag:$0x1] =	stream.indirect_vreg.gather [hbm4b:s17+s5], $0x80, v5, vm0, $0xb8;
	[tilespmem:$0x1C200] =	vst v63  }
0x58: {  	s31 =	simm.s32 $0x1A00  }
0x59: {  	[tilespmem:s31], [sflag:$0x1] =	stream.indirect_vreg.gather [hbm4b:s18+s5], $0x80, v5, vm0, $0xb8;
	[tilespmem:$0x1C200] =	vst v63  }
0x5a: {  	s6 =	simm.s32 $0x2200  }
0x5b: {  	[tilespmem:s6], [sflag:$0x1] =	stream.indirect_vreg.gather [hbm4b:s19+s5], $0x80, v5, vm0, $0xb8;
	[tilespmem:$0x1C200] =	vst v63  }
0x5c: {  	s9 =	simm.s32 $0x2A00  }
0x5d: {  	[tilespmem:s9], [sflag:$0x1] =	stream.indirect_vreg.gather [hbm4b:s20+s5], $0x80, v5, vm0, $0xb8;
	[tilespmem:$0x1C200] =	vst v63  }
0x5e: {  	s10 =	simm.s32 $0x3200  }
0x5f: {  	[tilespmem:s10], [sflag:$0x1] =	stream.indirect_vreg.gather [hbm4b:s21+s5], $0x80, v5, vm0, $0xb8;
	[tilespmem:$0x1C200] =	vst v63  }
0x60: {  	s11 =	simm.s32 $0x3A00  }
0x61: {  	[tilespmem:s11], [sflag:$0x1] =	stream.indirect_vreg.gather [hbm4b:s22+s5], $0x80, v5, vm0, $0xb8;
	[tilespmem:$0x1C200] =	vst v63  }
0x62: {  	v5 =	vld.msk [tilespmem:$0x8], $0xff;
	_ =	sdelay $0x4  }
0x63: {  	v6 =	vshll.u32 v5, $0x4  }
0x64: {  	v5 =	vand.u32 $0x7, v5;
	v6 =	vand.u32 $0xFFFFFF80, v6  }
0x65: {  	v5 =	vor.u32 v5, v6  }
0x66: {  	v5 =	vperm.xlane v5, v3;
	_ =	sdelay $0x1  }
0x67: {  	v5 =	vadd.s32 v4, v5;
	_ =	sdelay $0x3  }
0x68: {  	s12 =	simm.s32 $0x4200  }
0x69: {  	[tilespmem:s12], [sflag:$0x3] =	stream.indirect_vreg.gather [hbm4b:s1+s5], $0x80, v5, vm0, $0xb8;
	[tilespmem:$0x1C200] =	vst v63  }
0x6a: {  	s13 =	simm.s32 $0x4A00  }
0x6b: {  	[tilespmem:s13], [sflag:$0x3] =	stream.indirect_vreg.gather [hbm4b:s16+s5], $0x80, v5, vm0, $0xb8;
	[tilespmem:$0x1C200] =	vst v63  }
0x6c: {  	s14 =	simm.s32 $0x5200  }
0x6d: {  	[tilespmem:s14], [sflag:$0x3] =	stream.indirect_vreg.gather [hbm4b:s17+s5], $0x80, v5, vm0, $0xb8;
	[tilespmem:$0x1C200] =	vst v63  }
0x6e: {  	s15 =	simm.s32 $0x5A00  }
0x6f: {  	[tilespmem:s15], [sflag:$0x3] =	stream.indirect_vreg.gather [hbm4b:s18+s5], $0x80, v5, vm0, $0xb8;
	[tilespmem:$0x1C200] =	vst v63  }
0x70: {  	s23 =	simm.s32 $0x6200  }
0x71: {  	[tilespmem:s23], [sflag:$0x3] =	stream.indirect_vreg.gather [hbm4b:s19+s5], $0x80, v5, vm0, $0xb8;
	[tilespmem:$0x1C200] =	vst v63  }
0x72: {  	s24 =	simm.s32 $0x6A00  }
0x73: {  	[tilespmem:s24], [sflag:$0x3] =	stream.indirect_vreg.gather [hbm4b:s20+s5], $0x80, v5, vm0, $0xb8;
	[tilespmem:$0x1C200] =	vst v63  }
0x74: {  	s25 =	simm.s32 $0x7200  }
0x75: {  	[tilespmem:s25], [sflag:$0x3] =	stream.indirect_vreg.gather [hbm4b:s21+s5], $0x80, v5, vm0, $0xb8;
	[tilespmem:$0x1C200] =	vst v63  }
0x76: {  	s26 =	simm.s32 $0x7A00  }
0x77: {  	[tilespmem:s26], [sflag:$0x3] =	stream.indirect_vreg.gather [hbm4b:s22+s5], $0x80, v5, vm0, $0xb8;
	[tilespmem:$0x1C200] =	vst v63  }
0x78: {  	v5 =	vld.msk [tilespmem:$0x10], $0xff;
	_ =	sdelay $0x4  }
0x79: {  	v6 =	vshll.u32 v5, $0x4  }
0x7a: {  	v5 =	vand.u32 $0x7, v5;
	v6 =	vand.u32 $0xFFFFFF80, v6  }
0x7b: {  	v5 =	vor.u32 v5, v6  }
0x7c: {  	v5 =	vperm.xlane v5, v3;
	_ =	sdelay $0x1  }
0x7d: {  	v5 =	vadd.s32 v4, v5;
	_ =	sdelay $0x3  }
0x7e: {  	s29 =	simm.s32 $0x8200  }
0x7f: {  	[tilespmem:s29], [sflag:$0x2] =	stream.indirect_vreg.gather [hbm4b:s1+s5], $0x80, v5, vm0, $0xb8;
	[tilespmem:$0x1C200] =	vst v63  }
0x80: {  	s31 =	simm.s32 $0x8A00  }
0x81: {  	[tilespmem:s31], [sflag:$0x2] =	stream.indirect_vreg.gather [hbm4b:s16+s5], $0x80, v5, vm0, $0xb8;
	[tilespmem:$0x1C200] =	vst v63  }
0x82: {  	s6 =	simm.s32 $0x9200  }
0x83: {  	[tilespmem:s6], [sflag:$0x2] =	stream.indirect_vreg.gather [hbm4b:s17+s5], $0x80, v5, vm0, $0xb8;
	[tilespmem:$0x1C200] =	vst v63  }
0x84: {  	s9 =	simm.s32 $0x9A00  }
0x85: {  	[tilespmem:s9], [sflag:$0x2] =	stream.indirect_vreg.gather [hbm4b:s18+s5], $0x80, v5, vm0, $0xb8;
	[tilespmem:$0x1C200] =	vst v63  }
0x86: {  	s10 =	simm.s32 $0xA200  }
0x87: {  	[tilespmem:s10], [sflag:$0x2] =	stream.indirect_vreg.gather [hbm4b:s19+s5], $0x80, v5, vm0, $0xb8;
	[tilespmem:$0x1C200] =	vst v63  }
0x88: {  	s11 =	simm.s32 $0xAA00  }
0x89: {  	[tilespmem:s11], [sflag:$0x2] =	stream.indirect_vreg.gather [hbm4b:s20+s5], $0x80, v5, vm0, $0xb8;
	[tilespmem:$0x1C200] =	vst v63  }
0x8a: {  	s12 =	simm.s32 $0xB200  }
0x8b: {  	[tilespmem:s12], [sflag:$0x2] =	stream.indirect_vreg.gather [hbm4b:s21+s5], $0x80, v5, vm0, $0xb8;
	[tilespmem:$0x1C200] =	vst v63  }
0x8c: {  	s13 =	simm.s32 $0xBA00  }
0x8d: {  	[tilespmem:s13], [sflag:$0x2] =	stream.indirect_vreg.gather [hbm4b:s22+s5], $0x80, v5, vm0, $0xb8;
	[tilespmem:$0x1C200] =	vst v63  }
0x8e: {  	v5 =	vld.msk [tilespmem:$0x18], $0xff;
	_ =	sdelay $0x4  }
0x8f: {  	v6 =	vshll.u32 v5, $0x4  }
0x90: {  	v5 =	vand.u32 $0x7, v5;
	v6 =	vand.u32 $0xFFFFFF80, v6  }
0x91: {  	v5 =	vor.u32 v5, v6  }
0x92: {  	v5 =	vperm.xlane v5, v3;
	_ =	sdelay $0x1  }
0x93: {  	v5 =	vadd.s32 v4, v5;
	_ =	sdelay $0x3  }
0x94: {  	s14 =	simm.s32 $0xC200  }
0x95: {  	[tilespmem:s14], [sflag:$0x4] =	stream.indirect_vreg.gather [hbm4b:s1+s5], $0x80, v5, vm0, $0xb8;
	[tilespmem:$0x1C200] =	vst v63  }
0x96: {  	s15 =	simm.s32 $0xCA00  }
0x97: {  	[tilespmem:s15], [sflag:$0x4] =	stream.indirect_vreg.gather [hbm4b:s16+s5], $0x80, v5, vm0, $0xb8;
	[tilespmem:$0x1C200] =	vst v63  }
0x98: {  	s23 =	simm.s32 $0xD200  }
0x99: {  	[tilespmem:s23], [sflag:$0x4] =	stream.indirect_vreg.gather [hbm4b:s17+s5], $0x80, v5, vm0, $0xb8;
	[tilespmem:$0x1C200] =	vst v63  }
0x9a: {  	s24 =	simm.s32 $0xDA00  }
0x9b: {  	[tilespmem:s24], [sflag:$0x4] =	stream.indirect_vreg.gather [hbm4b:s18+s5], $0x80, v5, vm0, $0xb8;
	[tilespmem:$0x1C200] =	vst v63  }
0x9c: {  	s25 =	simm.s32 $0xE200  }
0x9d: {  	[tilespmem:s25], [sflag:$0x4] =	stream.indirect_vreg.gather [hbm4b:s19+s5], $0x80, v5, vm0, $0xb8;
	[tilespmem:$0x1C200] =	vst v63  }
0x9e: {  	s26 =	simm.s32 $0xEA00  }
0x9f: {  	[tilespmem:s26], [sflag:$0x4] =	stream.indirect_vreg.gather [hbm4b:s20+s5], $0x80, v5, vm0, $0xb8;
	[tilespmem:$0x1C200] =	vst v63  }
0xa0: {  	s29 =	simm.s32 $0xF200  }
0xa1: {  	[tilespmem:s29], [sflag:$0x4] =	stream.indirect_vreg.gather [hbm4b:s21+s5], $0x80, v5, vm0, $0xb8;
	[tilespmem:$0x1C200] =	vst v63  }
0xa2: {  	s31 =	simm.s32 $0xFA00;
	s24 =	simm.s32 $0x0  }
0xa3: {  	[tilespmem:s31], [sflag:$0x4] =	stream.indirect_vreg.gather [hbm4b:s22+s5], $0x80, v5, vm0, $0xb8;
	[tilespmem:$0x1C200] =	vst v63  }
.LBB2_2:
0xa4: {  	s10 =	simm.s32 $0x5  }
0xa5: {  	s6 =	sshllo.u32 s24, $0x1;
	_ =	swait.ge [sflag:s10], $0x4000  }
0xa6: {  	s29 =	sshll.u32 s6, $0x3;
	s2 =	rddreg [dreg:$0x7]  }
0xa7: {  	[sflag:s10] =	ssyncset.done $0x0;
	s9 =	sor.u32 s2, s29  }
0xa8: {  	[sflag:s10] =	ssyncadd.s32 $0xFFFFC000;
	v5 =	vadd.s32 s9, v0  }
0xa9: {  	[tilespmem:$0x180] =	vst v5  }
0xaa: {  	v5 =	vld.msk [tilespmem:$0x180], $0xff;
	_ =	sdelay $0x4  }
0xab: {  	v6 =	vshll.u32 v5, $0x4  }
0xac: {  	v5 =	vand.u32 $0x7, v5;
	v6 =	vand.u32 $0xFFFFFF80, v6  }
0xad: {  	v5 =	vor.u32 v5, v6  }
0xae: {  	v5 =	vperm.xlane v5, v3;
	_ =	sdelay $0x1  }
0xaf: {  	v5 =	vadd.s32 v4, v5;
	_ =	sdelay $0x3  }
0xb0: {  	s23 =	simm.s32 $0x0;
	s13 =	simm.s32 $0x14200;
	s12 =	rddreg [dreg:$0x2]  }
0xb1: {  	[tilespmem:s13], [sflag:$0x6] =	stream.indirect_vreg.gather [hbm4b:s12+s23], $0x80, v5, vm0, $0xb8;
	[tilespmem:$0x1C200] =	vst v63  }
0xb2: {  	s15 =	simm.s32 $0x14A00;
	s14 =	rddreg [dreg:$0x8]  }
0xb3: {  	[tilespmem:s15], [sflag:$0x6] =	stream.indirect_vreg.gather [hbm4b:s14+s23], $0x80, v5, vm0, $0xb8;
	[tilespmem:$0x1C200] =	vst v63  }
0xb4: {  	s26 =	simm.s32 $0x15200;
	s25 =	rddreg [dreg:$0x9]  }
0xb5: {  	[tilespmem:s26], [sflag:$0x6] =	stream.indirect_vreg.gather [hbm4b:s25+s23], $0x80, v5, vm0, $0xb8;
	[tilespmem:$0x1C200] =	vst v63  }
0xb6: {  	s11 =	simm.s32 $0x15A00;
	s10 =	rddreg [dreg:$0xa]  }
0xb7: {  	[tilespmem:s11], [sflag:$0x6] =	stream.indirect_vreg.gather [hbm4b:s10+s23], $0x80, v5, vm0, $0xb8;
	[tilespmem:$0x1C200] =	vst v63  }
0xb8: {  	s12 =	rddreg [dreg:$0xb];
	s13 =	simm.s32 $0x16200  }
0xb9: {  	[tilespmem:s13], [sflag:$0x6] =	stream.indirect_vreg.gather [hbm4b:s12+s23], $0x80, v5, vm0, $0xb8;
	[tilespmem:$0x1C200] =	vst v63  }
0xba: {  	s14 =	rddreg [dreg:$0xc];
	s15 =	simm.s32 $0x16A00  }
0xbb: {  	[tilespmem:s15], [sflag:$0x6] =	stream.indirect_vreg.gather [hbm4b:s14+s23], $0x80, v5, vm0, $0xb8;
	[tilespmem:$0x1C200] =	vst v63  }
0xbc: {  	s25 =	rddreg [dreg:$0xd];
	s26 =	simm.s32 $0x17200  }
0xbd: {  	[tilespmem:s26], [sflag:$0x6] =	stream.indirect_vreg.gather [hbm4b:s25+s23], $0x80, v5, vm0, $0xb8;
	[tilespmem:$0x1C200] =	vst v63  }
0xbe: {  	s9 =	rddreg [dreg:$0xe];
	s10 =	simm.s32 $0x17A00  }
0xbf: {  	[tilespmem:s10], [sflag:$0x6] =	stream.indirect_vreg.gather [hbm4b:s9+s23], $0x80, v5, vm0, $0xb8;
	[tilespmem:$0x1C200] =	vst v63  }
0xc0: {  	_ =	swait.ge [sflag:s30], $0x4000  }
0xc1: {  	s11 =	sand.u32 $0x70, s23;
	s12 =	sand.u32 $0x3C00, s23;
	[sflag:s30] =	ssyncset.done $0x0  }
0xc2: {  	s10 =	sor.u32 s11, s12;
	[sflag:s30] =	ssyncadd.s32 $0xFFFFC000  }
0xc3: {  	v5 =	vld [tilespmem:s10+$0x10200];
	_ =	sdelay $0x3  }
0xc4: {  	s9 =	sor.u32 $0x200, s10  }
0xc5: {  	[tilespmem:s9+$0x0] =	vst.add.f32.msk $0xffff, v5  }
0xc6: {  	v5 =	vld [tilespmem:s10+$0x10280];
	_ =	sdelay $0x3  }
0xc7: {  	s13 =	sor.u32 $0x280, s10  }
0xc8: {  	[tilespmem:s13+$0x0] =	vst.add.f32.msk $0xffff, v5  }
0xc9: {  	s14 =	simm.s32 $0x10;
	s25 =	simm.s32 $0x80;
	v5 =	vld [tilespmem:s10+$0x10300]  }
0xca: {  	s11 =	sand.u32 $0x3C00, s25;
	s9 =	sand.u32 $0x70, s14  }
0xcb: {  	s9 =	sor.u32 s9, s11  }
0xcc: {  	v6 =	vld [tilespmem:s9+$0x10200]  }
0xcd: {  	s15 =	sor.u32 $0x300, s10  }
0xce: {  	[tilespmem:s15+$0x0] =	vst.add.f32.msk $0xffff, v5  }
0xcf: {  	s12 =	simm.s32 $0x20;
	v7 =	vld [tilespmem:s10+$0x10380]  }
0xd0: {  	s31 =	simm.s32 $0x100;
	s26 =	sand.u32 $0x70, s12;
	s12 =	sor.u32 $0x200, s9  }
0xd1: {  	s2 =	sand.u32 $0x3C00, s31;
	[tilespmem:s12+$0x0] =	vst.add.f32.msk $0xffff, v6  }
0xd2: {  	s26 =	sor.u32 s26, s2;
	v6 =	vld [tilespmem:s9+$0x10280]  }
0xd3: {  	s13 =	sor.u32 $0x380, s10;
	v5 =	vld [tilespmem:s26+$0x10200]  }
0xd4: {  	[tilespmem:s13+$0x0] =	vst.add.f32.msk $0xffff, v7  }
0xd5: {  	v8 =	vld [tilespmem:s10+$0x10400]  }
0xd6: {  	v9 =	vld [tilespmem:s10+$0x10480]  }
0xd7: {  	s14 =	sor.u32 $0x280, s9;
	v10 =	vld [tilespmem:s10+$0x10500]  }
0xd8: {  	[tilespmem:s14+$0x0] =	vst.add.f32.msk $0xffff, v6  }
0xd9: {  	s15 =	sand.u32 $0x7, s23;
	v7 =	vld [tilespmem:s9+$0x10300]  }
0xda: {  	s11 =	sshll.u32 s15, $0x4;
	[tilespmem:s10+$0x400] =	vst.add.f32.msk $0xffff, v8  }
0xdb: {  	s11 =	sadd.s32 $0x0, s11;
	[tilespmem:s10+$0x480] =	vst.add.f32.msk $0xffff, v9  }
0xdc: {  	[tilespmem:s10+$0x500] =	vst.add.f32.msk $0xffff, v10;
	s10 =	sor.u32 $0x380, s11  }
0xdd: {  	s12 =	simm.s32 $0x30;
	s13 =	sor.u32 $0x300, s9;
	s11 =	simm.s32 $0x180;
	v6 =	vld [tilespmem:s10+$0x10200]  }
.LBB2_3:
0xde: {  	s14 =	sand.u32 $0x70, s12;
	s15 =	sand.u32 $0x3C00, s11;
	p0 =	sne.s32 s12, $0x7F0;
	[tilespmem:s13+$0x0] =	vst.add.f32.msk $0xffff, v7  }
0xdf: {  	s13 =	sor.u32 s14, s15;
	v7 =	vld [tilespmem:s9+$0x10380]  }
0xe0: {  	s14 =	sor.u32 $0x200, s26;
	v8 =	vld [tilespmem:s13+$0x10200]  }
0xe1: {  	[tilespmem:s14+$0x0] =	vst.add.f32.msk $0xffff, v5  }
0xe2: {  	[tilespmem:s10+$0x200] =	vst.add.f32.msk $0xffff, v6  }
0xe3: {  	s10 =	sor.u32 $0x380, s9;
	v6 =	vld [tilespmem:s26+$0x10280]  }
0xe4: {  	[tilespmem:s10+$0x0] =	vst.add.f32.msk $0xffff, v7  }
0xe5: {  	v9 =	vld [tilespmem:s9+$0x10400];
	v5 =	vmov v8  }
0xe6: {  	v8 =	vld [tilespmem:s9+$0x10480]  }
0xe7: {  	s10 =	sor.u32 $0x280, s26;
	v10 =	vld [tilespmem:s9+$0x10500]  }
0xe8: {  	s23 =	sadd.s32 $0x1, s23;
	[tilespmem:s10+$0x0] =	vst.add.f32.msk $0xffff, v6  }
.Ltmp0:
0xe9: {  	s10 =	sand.u32 $0x7, s23;
	v7 =	vld [tilespmem:s26+$0x10300];
	(pc) =	sbr.rel @p0 .LBB2_3-.Ltmp0, $4  }
0xea: {  	s10 =	sshll.u32 s10, $0x4;
	[tilespmem:s9+$0x400] =	vst.add.f32.msk $0xffff, v9  }
0xeb: {  	s10 =	sadd.s32 s10, s25;
	s25 =	smov.u32 s31;
	s31 =	smov.u32 s11;
	[tilespmem:s9+$0x480] =	vst.add.f32.msk $0xffff, v8  }
0xec: {  	s10 =	sor.u32 $0x380, s10;
	[tilespmem:s9+$0x500] =	vst.add.f32.msk $0xffff, v10;
	s9 =	smov.u32 s26;
	s26 =	smov.u32 s13  }
0xed: {  	s12 =	sadd.s32 $0x10, s12;
	s11 =	sadd.s32 $0x80, s11;
	s13 =	sor.u32 $0x300, s9;
	v6 =	vld [tilespmem:s10+$0x10200]  }
0xee: {  	s11 =	sor.u32 $0x200, s26  }
0xef: {  	[tilespmem:s11+$0x0] =	vst.add.f32.msk $0xffff, v5  }
0xf0: {  	v5 =	vld [tilespmem:s26+$0x10280];
	_ =	sdelay $0x1  }
0xf1: {  	[tilespmem:s13+$0x0] =	vst.add.f32.msk $0xffff, v7  }
0xf2: {  	v7 =	vld [tilespmem:s9+$0x10380]  }
0xf3: {  	s2 =	sor.u32 $0x280, s26  }
0xf4: {  	[tilespmem:s2+$0x0] =	vst.add.f32.msk $0xffff, v5  }
0xf5: {  	v5 =	vld [tilespmem:s26+$0x10300]  }
0xf6: {  	s12 =	sor.u32 $0x380, s9  }
0xf7: {  	[tilespmem:s12+$0x0] =	vst.add.f32.msk $0xffff, v7  }
0xf8: {  	v7 =	vld [tilespmem:s9+$0x10400]  }
0xf9: {  	s13 =	sor.u32 $0x300, s26;
	v8 =	vld [tilespmem:s9+$0x10480]  }
0xfa: {  	[tilespmem:s13+$0x0] =	vst.add.f32.msk $0xffff, v5  }
0xfb: {  	v5 =	vld [tilespmem:s26+$0x10380];
	_ =	sdelay $0x1  }
0xfc: {  	v9 =	vld [tilespmem:s9+$0x10500]  }
0xfd: {  	[tilespmem:s9+$0x400] =	vst.add.f32.msk $0xffff, v7  }
0xfe: {  	s14 =	sor.u32 $0x380, s26;
	[tilespmem:s9+$0x480] =	vst.add.f32.msk $0xffff, v8  }
0xff: {  	s12 =	sadd.s32 $0x1, s23;
	[tilespmem:s14+$0x0] =	vst.add.f32.msk $0xffff, v5  }
0x100: {  	s15 =	sand.u32 $0x7, s12;
	v5 =	vld [tilespmem:s26+$0x10400]  }
0x101: {  	s11 =	sshll.u32 s15, $0x4;
	v7 =	vld [tilespmem:s26+$0x10480]  }
0x102: {  	s11 =	sadd.s32 s11, s25;
	v8 =	vld [tilespmem:s26+$0x10500]  }
0x103: {  	s25 =	sadd.s32 $0x1, s12;
	s23 =	sor.u32 $0x380, s11;
	[tilespmem:s9+$0x500] =	vst.add.f32.msk $0xffff, v9  }
0x104: {  	s11 =	sand.u32 $0x7, s25;
	v9 =	vld [tilespmem:s23+$0x10200]  }
0x105: {  	s11 =	sshll.u32 s11, $0x4;
	[tilespmem:s26+$0x400] =	vst.add.f32.msk $0xffff, v5  }
0x106: {  	s11 =	sadd.s32 s11, s31;
	[tilespmem:s26+$0x480] =	vst.add.f32.msk $0xffff, v7  }
0x107: {  	s11 =	sor.u32 $0x380, s11;
	[tilespmem:s26+$0x500] =	vst.add.f32.msk $0xffff, v8  }
0x108: {  	v5 =	vld [tilespmem:s11+$0x10200]  }
0x109: {  	[tilespmem:s10+$0x200] =	vst.add.f32.msk $0xffff, v6  }
0x10a: {  	s31 =	sshll.u32 s24, $0x4;
	s2 =	rddreg [dreg:$0x5]  }
0x10b: {  	s2 =	sadd.s32 s2, s31  }
0x10c: {  	[tilespmem:s23+$0x200] =	vst.add.f32.msk $0xffff, v9;
	s10 =	sshll.u32 s2, $0x8  }
0x10d: {  	p0 =	seq.s32 s24, $0x0;
	s12 =	simm.s32 $0x200;
	s9 =	sadd.s32 s4, s10;
	[tilespmem:s11+$0x200] =	vst.add.f32.msk $0xffff, v5  }
0x10e: {  	[hbm4b:s9+s5] =	stream.linear.scatter [tilespmem:s12], [sflag:$0x7], $0x4000, $0x38;
	[tilespmem:$0x1C200] =	vst v63  }
0x10f: {  	s9 =	simm.s32 @!p0 $0x8  }
0x110: {  	_ =	swait.ge @!p0 [sflag:s9], $0x4000  }
0x111: {  	[sflag:s9] =	ssyncset.done @!p0 $0x0  }
0x112: {  	[sflag:s9] =	ssyncadd.s32 @!p0 $0xFFFFC000  }
0x113: {  	s23 =	simm.s32 $0x0;
	_ =	swait.ge [sflag:s0], $0x4000  }
0x114: {  	s13 =	sand.u32 $0x70, s23;
	s14 =	sand.u32 $0x3C00, s23;
	[sflag:s0] =	ssyncset.done $0x0  }
0x115: {  	s10 =	sor.u32 s13, s14;
	[sflag:s0] =	ssyncadd.s32 $0xFFFFC000  }
0x116: {  	v5 =	vld [tilespmem:s10+$0x4200]  }
0x117: {  	v6 =	vld [tilespmem:s10+$0x10200]  }
0x118: {  	v7 =	vld [tilespmem:s10+$0x4280]  }
0x119: {  	v8 =	vld [tilespmem:s10+$0x10280]  }
0x11a: {  	v9 =	vld [tilespmem:s10+$0x4300]  }
0x11b: {  	v10 =	vld [tilespmem:s10+$0x10300]  }
0x11c: {  	v11 =	vld [tilespmem:s10+$0x4380]  }
0x11d: {  	v12 =	vld [tilespmem:s10+$0x10380]  }
0x11e: {  	v13 =	vld [tilespmem:s10+$0x4400]  }
0x11f: {  	v14 =	vld [tilespmem:s10+$0x10400]  }
0x120: {  	v15 =	vld [tilespmem:s10+$0x4480]  }
0x121: {  	v16 =	vld [tilespmem:s10+$0x10480]  }
0x122: {  	s15 =	simm.s32 $0x10;
	s9 =	simm.s32 $0x80;
	v17 =	vld [tilespmem:s10+$0x4500];
	v5 =	vadd.f32 v6, v5  }
0x123: {  	s11 =	sand.u32 $0x70, s15;
	s25 =	sand.u32 $0x3C00, s9;
	v18 =	vld [tilespmem:s10+$0x10500];
	v6 =	vadd.f32 v8, v7  }
0x124: {  	s25 =	sor.u32 s11, s25;
	v19 =	vld [tilespmem:s10+$0x4580];
	v8 =	vadd.f32 v10, v9;
	[tilespmem:s10+$0x18200] =	vst v5  }
0x125: {  	v9 =	vadd.f32 v12, v11;
	v7 =	vld [tilespmem:s25+$0x10200];
	[tilespmem:s10+$0x18280] =	vst v6  }
0x126: {  	v10 =	vadd.f32 v14, v13;
	v12 =	vld [tilespmem:s25+$0x4380];
	[tilespmem:s10+$0x18300] =	vst v8  }
0x127: {  	s26 =	sand.u32 $0x7, s23;
	v11 =	vadd.f32 v16, v15;
	v15 =	vld [tilespmem:s25+$0x10380];
	[tilespmem:s10+$0x18380] =	vst v9  }
0x128: {  	s11 =	sshll.u32 s26, $0x4;
	v13 =	vld [tilespmem:s25+$0x4400];
	[tilespmem:s10+$0x18400] =	vst v10;
	v10 =	vadd.f32 v18, v17  }
0x129: {  	s11 =	sadd.s32 $0x0, s11;
	v16 =	vld [tilespmem:s25+$0x10400];
	[tilespmem:s10+$0x18480] =	vst v11  }
0x12a: {  	s26 =	sor.u32 $0x380, s11;
	v5 =	vld [tilespmem:s25+$0x4200];
	[tilespmem:s10+$0x18500] =	vst v10  }
0x12b: {  	v14 =	vld [tilespmem:s26+$0x10200]  }
0x12c: {  	v6 =	vld [tilespmem:s25+$0x4280]  }
0x12d: {  	v8 =	vld [tilespmem:s25+$0x10280]  }
0x12e: {  	v9 =	vld [tilespmem:s25+$0x4300]  }
0x12f: {  	v11 =	vld [tilespmem:s25+$0x10300]  }
0x130: {  	v10 =	vld [tilespmem:s25+$0x4480];
	v17 =	vadd.f32 v14, v19  }
0x131: {  	s11 =	simm.s32 $0x20;
	s10 =	simm.s32 $0x80;
	v14 =	vld [tilespmem:s25+$0x10480]  }
.LBB2_5:
0x132: {  	p0 =	sne.s32 s11, $0x7F0;
	v5 =	vadd.f32 v7, v5;
	v18 =	vld [tilespmem:s25+$0x4500];
	s9 =	sadd.s32 $0x80, s9;
	[tilespmem:s26+$0x18200] =	vst v17  }
0x133: {  	s12 =	sand.u32 $0x70, s11;
	v6 =	vadd.f32 v8, v6;
	s13 =	sand.u32 $0x3C00, s9;
	v17 =	vld [tilespmem:s25+$0x10500]  }
0x134: {  	v8 =	vadd.f32 v11, v9;
	s12 =	sor.u32 s12, s13;
	[tilespmem:s25+$0x18200] =	vst v5;
	v19 =	vld [tilespmem:s25+$0x4580]  }
0x135: {  	v9 =	vadd.f32 v15, v12;
	v5 =	vld [tilespmem:s12+$0x4200];
	[tilespmem:s25+$0x18280] =	vst v6  }
0x136: {  	s23 =	sadd.s32 $0x1, s23;
	v11 =	vadd.f32 v16, v13;
	v7 =	vld [tilespmem:s12+$0x10200];
	[tilespmem:s25+$0x18300] =	vst v8  }
0x137: {  	s13 =	sand.u32 $0x7, s23;
	v10 =	vadd.f32 v14, v10;
	v6 =	vld [tilespmem:s12+$0x4280];
	[tilespmem:s25+$0x18380] =	vst v9  }
0x138: {  	s13 =	sshll.u32 s13, $0x4;
	v8 =	vld [tilespmem:s12+$0x10280];
	[tilespmem:s25+$0x18400] =	vst v11;
	v12 =	vadd.f32 v17, v18  }
0x139: {  	s13 =	sadd.s32 s13, s10;
	s10 =	smov.u32 s9;
	v9 =	vld [tilespmem:s12+$0x4300];
	[tilespmem:s25+$0x18480] =	vst v10  }
0x13a: {  	s26 =	sor.u32 $0x380, s13;
	v11 =	vld [tilespmem:s12+$0x10300];
	[tilespmem:s25+$0x18500] =	vst v12;
	s25 =	smov.u32 s12  }
0x13b: {  	v14 =	vld [tilespmem:s26+$0x10200]  }
0x13c: {  	v12 =	vld [tilespmem:s25+$0x4380]  }
.Ltmp1:
0x13d: {  	v15 =	vld [tilespmem:s25+$0x10380];
	(pc) =	sbr.rel @p0 .LBB2_5-.Ltmp1, $4  }
0x13e: {  	v13 =	vld [tilespmem:s25+$0x4400]  }
0x13f: {  	v16 =	vld [tilespmem:s25+$0x10400]  }
0x140: {  	v10 =	vld [tilespmem:s25+$0x4480];
	v17 =	vadd.f32 v14, v19  }
0x141: {  	s11 =	sadd.s32 $0x10, s11;
	v14 =	vld [tilespmem:s25+$0x10480]  }
0x142: {  	v5 =	vadd.f32 v7, v5;
	v7 =	vld [tilespmem:s25+$0x4500]  }
0x143: {  	v18 =	vld [tilespmem:s25+$0x10500];
	v6 =	vadd.f32 v8, v6  }
0x144: {  	[tilespmem:s25+$0x18200] =	vst v5;
	v5 =	vadd.f32 v11, v9  }
0x145: {  	[tilespmem:s25+$0x18280] =	vst v6;
	v6 =	vadd.f32 v15, v12  }
0x146: {  	s9 =	sadd.s32 $0x1, s23;
	[tilespmem:s25+$0x18300] =	vst v5;
	v5 =	vadd.f32 v16, v13  }
0x147: {  	s9 =	sand.u32 $0x7, s9;
	[tilespmem:s25+$0x18380] =	vst v6;
	v6 =	vadd.f32 v14, v10  }
0x148: {  	s9 =	sshll.u32 s9, $0x4;
	[tilespmem:s25+$0x18400] =	vst v5;
	v5 =	vadd.f32 v18, v7  }
0x149: {  	s9 =	sadd.s32 s9, s10;
	[tilespmem:s25+$0x18480] =	vst v6  }
0x14a: {  	v8 =	vld [tilespmem:s25+$0x4580];
	s9 =	sor.u32 $0x380, s9;
	[tilespmem:s25+$0x18500] =	vst v5  }
0x14b: {  	v5 =	vld [tilespmem:s9+$0x10200];
	_ =	sdelay $0x3  }
0x14c: {  	s2 =	rddreg [dreg:$0xf]  }
0x14d: {  	s14 =	sadd.s32 s2, s31;
	v5 =	vadd.f32 v5, v8  }
0x14e: {  	[tilespmem:s26+$0x18200] =	vst v17;
	s10 =	sshll.u32 s14, $0x8  }
0x14f: {  	s23 =	simm.s32 $0x0;
	s25 =	simm.s32 $0x18200;
	s15 =	sadd.s32 s4, s10;
	[tilespmem:s9+$0x18200] =	vst v5  }
0x150: {  	[hbm4b:s15+s23] =	stream.linear.scatter [tilespmem:s25], [sflag:$0x8], $0x4000, $0x38;
	[tilespmem:$0x1C200] =	vst v63  }
0x151: {  	_ =	swait.ge [sflag:s7], $0x4000  }
0x152: {  	s6 =	sshll.u32 s6, $0x5;
	[sflag:s7] =	ssyncset.done $0x0  }
0x153: {  	s6 =	sand.u32 $0x3FFFFFE0, s6;
	[sflag:s7] =	ssyncadd.s32 $0xFFFFC000  }
0x154: {  	v5 =	vld.msk [tilespmem:s6+$0x0], $0xff;
	_ =	sdelay $0x4  }
0x155: {  	v6 =	vshll.u32 v5, $0x4  }
0x156: {  	v5 =	vand.u32 $0x7, v5;
	v6 =	vand.u32 $0xFFFFFF80, v6  }
0x157: {  	v5 =	vor.u32 v5, v6  }
0x158: {  	v5 =	vperm.xlane v5, v3;
	_ =	sdelay $0x1  }
0x159: {  	v5 =	vadd.s32 v4, v5;
	_ =	sdelay $0x3  }
0x15a: {  	s26 =	simm.s32 $0x200  }
0x15b: {  	[tilespmem:s26], [sflag:$0x1] =	stream.indirect_vreg.gather [hbm4b:s1+s23], $0x80, v5, vm0, $0xb8;
	[tilespmem:$0x1C200] =	vst v63  }
0x15c: {  	s9 =	simm.s32 $0xA00  }
0x15d: {  	[tilespmem:s9], [sflag:$0x1] =	stream.indirect_vreg.gather [hbm4b:s16+s23], $0x80, v5, vm0, $0xb8;
	[tilespmem:$0x1C200] =	vst v63  }
0x15e: {  	s10 =	simm.s32 $0x1200  }
0x15f: {  	[tilespmem:s10], [sflag:$0x1] =	stream.indirect_vreg.gather [hbm4b:s17+s23], $0x80, v5, vm0, $0xb8;
	[tilespmem:$0x1C200] =	vst v63  }
0x160: {  	s11 =	simm.s32 $0x1A00  }
0x161: {  	[tilespmem:s11], [sflag:$0x1] =	stream.indirect_vreg.gather [hbm4b:s18+s23], $0x80, v5, vm0, $0xb8;
	[tilespmem:$0x1C200] =	vst v63  }
0x162: {  	s12 =	simm.s32 $0x2200  }
0x163: {  	[tilespmem:s12], [sflag:$0x1] =	stream.indirect_vreg.gather [hbm4b:s19+s23], $0x80, v5, vm0, $0xb8;
	[tilespmem:$0x1C200] =	vst v63  }
0x164: {  	s13 =	simm.s32 $0x2A00  }
0x165: {  	[tilespmem:s13], [sflag:$0x1] =	stream.indirect_vreg.gather [hbm4b:s20+s23], $0x80, v5, vm0, $0xb8;
	[tilespmem:$0x1C200] =	vst v63  }
0x166: {  	s14 =	simm.s32 $0x3200  }
0x167: {  	[tilespmem:s14], [sflag:$0x1] =	stream.indirect_vreg.gather [hbm4b:s21+s23], $0x80, v5, vm0, $0xb8;
	[tilespmem:$0x1C200] =	vst v63  }
0x168: {  	s15 =	simm.s32 $0x3A00;
	s25 =	sor.u32 $0x8, s6  }
0x169: {  	[tilespmem:s15], [sflag:$0x1] =	stream.indirect_vreg.gather [hbm4b:s22+s23], $0x80, v5, vm0, $0xb8;
	[tilespmem:$0x1C200] =	vst v63  }
0x16a: {  	v5 =	vld.msk [tilespmem:s25+$0x0], $0xff;
	_ =	sdelay $0x4  }
0x16b: {  	v6 =	vshll.u32 v5, $0x4  }
0x16c: {  	v5 =	vand.u32 $0x7, v5;
	v6 =	vand.u32 $0xFFFFFF80, v6  }
0x16d: {  	v5 =	vor.u32 v5, v6  }
0x16e: {  	v5 =	vperm.xlane v5, v3;
	_ =	sdelay $0x1  }
0x16f: {  	v5 =	vadd.s32 v4, v5;
	_ =	sdelay $0x3  }
0x170: {  	s26 =	simm.s32 $0x4200  }
0x171: {  	[tilespmem:s26], [sflag:$0x3] =	stream.indirect_vreg.gather [hbm4b:s1+s23], $0x80, v5, vm0, $0xb8;
	[tilespmem:$0x1C200] =	vst v63  }
0x172: {  	s9 =	simm.s32 $0x4A00  }
0x173: {  	[tilespmem:s9], [sflag:$0x3] =	stream.indirect_vreg.gather [hbm4b:s16+s23], $0x80, v5, vm0, $0xb8;
	[tilespmem:$0x1C200] =	vst v63  }
0x174: {  	s10 =	simm.s32 $0x5200  }
0x175: {  	[tilespmem:s10], [sflag:$0x3] =	stream.indirect_vreg.gather [hbm4b:s17+s23], $0x80, v5, vm0, $0xb8;
	[tilespmem:$0x1C200] =	vst v63  }
0x176: {  	s11 =	simm.s32 $0x5A00  }
0x177: {  	[tilespmem:s11], [sflag:$0x3] =	stream.indirect_vreg.gather [hbm4b:s18+s23], $0x80, v5, vm0, $0xb8;
	[tilespmem:$0x1C200] =	vst v63  }
0x178: {  	s12 =	simm.s32 $0x6200  }
0x179: {  	[tilespmem:s12], [sflag:$0x3] =	stream.indirect_vreg.gather [hbm4b:s19+s23], $0x80, v5, vm0, $0xb8;
	[tilespmem:$0x1C200] =	vst v63  }
0x17a: {  	s13 =	simm.s32 $0x6A00  }
0x17b: {  	[tilespmem:s13], [sflag:$0x3] =	stream.indirect_vreg.gather [hbm4b:s20+s23], $0x80, v5, vm0, $0xb8;
	[tilespmem:$0x1C200] =	vst v63  }
0x17c: {  	s14 =	simm.s32 $0x7200  }
0x17d: {  	[tilespmem:s14], [sflag:$0x3] =	stream.indirect_vreg.gather [hbm4b:s21+s23], $0x80, v5, vm0, $0xb8;
	[tilespmem:$0x1C200] =	vst v63  }
0x17e: {  	s15 =	simm.s32 $0x7A00  }
0x17f: {  	[tilespmem:s15], [sflag:$0x3] =	stream.indirect_vreg.gather [hbm4b:s22+s23], $0x80, v5, vm0, $0xb8;
	[tilespmem:$0x1C200] =	vst v63  }
0x180: {  	_ =	swait.ge [sflag:s8], $0x4000  }
0x181: {  	s25 =	sand.u32 $0x70, s23;
	s26 =	sand.u32 $0x3C00, s23;
	[sflag:s8] =	ssyncset.done $0x0  }
0x182: {  	s11 =	sor.u32 s25, s26;
	[sflag:s8] =	ssyncadd.s32 $0xFFFFC000  }
0x183: {  	v5 =	vld [tilespmem:s11+$0x10200];
	_ =	sdelay $0x3  }
0x184: {  	s9 =	sor.u32 $0x8200, s11  }
0x185: {  	[tilespmem:s9+$0x0] =	vst.add.f32.msk $0xffff, v5  }
0x186: {  	v5 =	vld [tilespmem:s11+$0x10280];
	_ =	sdelay $0x3  }
0x187: {  	s2 =	sor.u32 $0x8280, s11  }
0x188: {  	[tilespmem:s2+$0x0] =	vst.add.f32.msk $0xffff, v5  }
0x189: {  	s10 =	simm.s32 $0x10;
	s26 =	simm.s32 $0x80;
	v5 =	vld [tilespmem:s11+$0x10300]  }
0x18a: {  	s12 =	sand.u32 $0x3C00, s26;
	s9 =	sand.u32 $0x70, s10  }
0x18b: {  	s10 =	sor.u32 s9, s12  }
0x18c: {  	v6 =	vld [tilespmem:s10+$0x10200]  }
0x18d: {  	s13 =	sor.u32 $0x8300, s11  }
0x18e: {  	[tilespmem:s13+$0x0] =	vst.add.f32.msk $0xffff, v5  }
0x18f: {  	v7 =	vld [tilespmem:s11+$0x10380]  }
0x190: {  	s25 =	simm.s32 $0x100;
	s12 =	simm.s32 $0x20;
	s2 =	sor.u32 $0x8200, s10  }
0x191: {  	s15 =	sand.u32 $0x3C00, s25;
	s14 =	sand.u32 $0x70, s12;
	[tilespmem:s2+$0x0] =	vst.add.f32.msk $0xffff, v6  }
0x192: {  	s9 =	sor.u32 s14, s15;
	v6 =	vld [tilespmem:s10+$0x10280]  }
0x193: {  	v5 =	vld [tilespmem:s9+$0x10200];
	s13 =	sor.u32 $0x8380, s11  }
0x194: {  	[tilespmem:s13+$0x0] =	vst.add.f32.msk $0xffff, v7  }
0x195: {  	v8 =	vld [tilespmem:s11+$0x10400]  }
0x196: {  	v62 =	vld [tilespmem:s11+$0x10480]  }
0x197: {  	s14 =	sor.u32 $0x8280, s10;
	v63 =	vld [tilespmem:s11+$0x10500]  }
0x198: {  	[tilespmem:s14+$0x0] =	vst.add.f32.msk $0xffff, v6  }
0x199: {  	s15 =	sand.u32 $0x7, s23;
	v7 =	vld [tilespmem:s10+$0x10300]  }
0x19a: {  	s12 =	sshll.u32 s15, $0x4;
	[tilespmem:s11+$0x8400] =	vst.add.f32.msk $0xffff, v8  }
0x19b: {  	s12 =	sadd.s32 $0x0, s12;
	[tilespmem:s11+$0x8480] =	vst.add.f32.msk $0xffff, v62  }
0x19c: {  	[tilespmem:s11+$0x8500] =	vst.add.f32.msk $0xffff, v63;
	s11 =	sor.u32 $0x380, s12  }
0x19d: {  	s14 =	sor.u32 $0x8300, s10;
	s13 =	simm.s32 $0x30;
	s12 =	simm.s32 $0x180;
	v6 =	vld [tilespmem:s11+$0x10200]  }
.LBB2_7:
0x19e: {  	s15 =	sand.u32 $0x70, s13;
	s2 =	sand.u32 $0x3C00, s12;
	p0 =	sne.s32 s13, $0x7F0;
	[tilespmem:s14+$0x0] =	vst.add.f32.msk $0xffff, v7  }
0x19f: {  	s2 =	sor.u32 s15, s2;
	v7 =	vld [tilespmem:s10+$0x10380]  }
0x1a0: {  	s14 =	sor.u32 $0x8200, s9;
	v8 =	vld [tilespmem:s2+$0x10200]  }
0x1a1: {  	[tilespmem:s14+$0x0] =	vst.add.f32.msk $0xffff, v5  }
0x1a2: {  	[tilespmem:s11+$0x8200] =	vst.add.f32.msk $0xffff, v6  }
0x1a3: {  	s11 =	sor.u32 $0x8380, s10;
	v6 =	vld [tilespmem:s9+$0x10280]  }
0x1a4: {  	[tilespmem:s11+$0x0] =	vst.add.f32.msk $0xffff, v7  }
0x1a5: {  	v9 =	vld [tilespmem:s10+$0x10400];
	v5 =	vmov v8  }
0x1a6: {  	v8 =	vld [tilespmem:s10+$0x10480]  }
0x1a7: {  	s11 =	sor.u32 $0x8280, s9;
	v10 =	vld [tilespmem:s10+$0x10500]  }
0x1a8: {  	s23 =	sadd.s32 $0x1, s23;
	[tilespmem:s11+$0x0] =	vst.add.f32.msk $0xffff, v6  }
.Ltmp2:
0x1a9: {  	s11 =	sand.u32 $0x7, s23;
	v7 =	vld [tilespmem:s9+$0x10300];
	(pc) =	sbr.rel @p0 .LBB2_7-.Ltmp2, $4  }
0x1aa: {  	s11 =	sshll.u32 s11, $0x4;
	[tilespmem:s10+$0x8400] =	vst.add.f32.msk $0xffff, v9  }
0x1ab: {  	s11 =	sadd.s32 s11, s26;
	s26 =	smov.u32 s25;
	s25 =	smov.u32 s12;
	[tilespmem:s10+$0x8480] =	vst.add.f32.msk $0xffff, v8  }
0x1ac: {  	s11 =	sor.u32 $0x380, s11;
	[tilespmem:s10+$0x8500] =	vst.add.f32.msk $0xffff, v10;
	s10 =	smov.u32 s9;
	s9 =	smov.u32 s2  }
0x1ad: {  	s13 =	sadd.s32 $0x10, s13;
	s12 =	sadd.s32 $0x80, s12;
	s14 =	sor.u32 $0x8300, s10;
	v6 =	vld [tilespmem:s11+$0x10200]  }
0x1ae: {  	s2 =	sor.u32 $0x8200, s9  }
0x1af: {  	[tilespmem:s2+$0x0] =	vst.add.f32.msk $0xffff, v5  }
0x1b0: {  	v5 =	vld [tilespmem:s9+$0x10280];
	_ =	sdelay $0x1  }
0x1b1: {  	[tilespmem:s14+$0x0] =	vst.add.f32.msk $0xffff, v7  }
0x1b2: {  	v7 =	vld [tilespmem:s10+$0x10380]  }
0x1b3: {  	s15 =	sor.u32 $0x8280, s9  }
0x1b4: {  	[tilespmem:s15+$0x0] =	vst.add.f32.msk $0xffff, v5  }
0x1b5: {  	v5 =	vld [tilespmem:s9+$0x10300]  }
0x1b6: {  	s12 =	sor.u32 $0x8380, s10  }
0x1b7: {  	[tilespmem:s12+$0x0] =	vst.add.f32.msk $0xffff, v7  }
0x1b8: {  	v7 =	vld [tilespmem:s10+$0x10400]  }
0x1b9: {  	s13 =	sor.u32 $0x8300, s9;
	v8 =	vld [tilespmem:s10+$0x10480]  }
0x1ba: {  	[tilespmem:s13+$0x0] =	vst.add.f32.msk $0xffff, v5  }
0x1bb: {  	v5 =	vld [tilespmem:s9+$0x10380];
	_ =	sdelay $0x1  }
0x1bc: {  	v9 =	vld [tilespmem:s10+$0x10500]  }
0x1bd: {  	[tilespmem:s10+$0x8400] =	vst.add.f32.msk $0xffff, v7  }
0x1be: {  	s14 =	sor.u32 $0x8380, s9;
	[tilespmem:s10+$0x8480] =	vst.add.f32.msk $0xffff, v8  }
0x1bf: {  	s12 =	sadd.s32 $0x1, s23;
	[tilespmem:s14+$0x0] =	vst.add.f32.msk $0xffff, v5  }
0x1c0: {  	s15 =	sand.u32 $0x7, s12;
	v5 =	vld [tilespmem:s9+$0x10400]  }
0x1c1: {  	s2 =	sshll.u32 s15, $0x4;
	v7 =	vld [tilespmem:s9+$0x10480]  }
0x1c2: {  	s2 =	sadd.s32 s2, s26;
	v8 =	vld [tilespmem:s9+$0x10500]  }
0x1c3: {  	s23 =	sadd.s32 $0x1, s12;
	s2 =	sor.u32 $0x380, s2;
	[tilespmem:s10+$0x8500] =	vst.add.f32.msk $0xffff, v9  }
0x1c4: {  	s10 =	sand.u32 $0x7, s23;
	v9 =	vld [tilespmem:s2+$0x10200]  }
0x1c5: {  	s10 =	sshll.u32 s10, $0x4;
	[tilespmem:s9+$0x8400] =	vst.add.f32.msk $0xffff, v5  }
0x1c6: {  	s10 =	sadd.s32 s10, s25;
	[tilespmem:s9+$0x8480] =	vst.add.f32.msk $0xffff, v7  }
0x1c7: {  	s25 =	sor.u32 $0x380, s10;
	[tilespmem:s9+$0x8500] =	vst.add.f32.msk $0xffff, v8  }
0x1c8: {  	v5 =	vld [tilespmem:s25+$0x10200]  }
0x1c9: {  	[tilespmem:s11+$0x8200] =	vst.add.f32.msk $0xffff, v6  }
0x1ca: {  	s26 =	rddreg [dreg:$0x11]  }
0x1cb: {  	s10 =	sadd.s32 s26, s31  }
0x1cc: {  	[tilespmem:s2+$0x8200] =	vst.add.f32.msk $0xffff, v9;
	s11 =	sshll.u32 s10, $0x8  }
0x1cd: {  	s12 =	simm.s32 $0x8200;
	s23 =	simm.s32 $0x0;
	s2 =	sadd.s32 s4, s11;
	[tilespmem:s25+$0x8200] =	vst.add.f32.msk $0xffff, v5  }
0x1ce: {  	[hbm4b:s2+s23] =	stream.linear.scatter [tilespmem:s12], [sflag:$0x7], $0x4000, $0x38;
	[tilespmem:$0x1C200] =	vst v63  }
0x1cf: {  	_ =	swait.ge [sflag:s28], $0x4000  }
0x1d0: {  	[sflag:s28] =	ssyncset.done $0x0  }
0x1d1: {  	[sflag:s28] =	ssyncadd.s32 $0xFFFFC000  }
0x1d2: {  	_ =	swait.ge [sflag:s3], $0x4000  }
0x1d3: {  	s13 =	sand.u32 $0x70, s23;
	s14 =	sand.u32 $0x3C00, s23;
	[sflag:s3] =	ssyncset.done $0x0  }
0x1d4: {  	s2 =	sor.u32 s13, s14;
	[sflag:s3] =	ssyncadd.s32 $0xFFFFC000  }
0x1d5: {  	v5 =	vld [tilespmem:s2+$0xC200]  }
0x1d6: {  	v6 =	vld [tilespmem:s2+$0x10200]  }
0x1d7: {  	v7 =	vld [tilespmem:s2+$0xC280]  }
0x1d8: {  	v8 =	vld [tilespmem:s2+$0x10280]  }
0x1d9: {  	v9 =	vld [tilespmem:s2+$0xC300]  }
0x1da: {  	v10 =	vld [tilespmem:s2+$0x10300]  }
0x1db: {  	v11 =	vld [tilespmem:s2+$0xC380]  }
0x1dc: {  	v12 =	vld [tilespmem:s2+$0x10380]  }
0x1dd: {  	v13 =	vld [tilespmem:s2+$0xC400]  }
0x1de: {  	v14 =	vld [tilespmem:s2+$0x10400]  }
0x1df: {  	v15 =	vld [tilespmem:s2+$0xC480]  }
0x1e0: {  	v16 =	vld [tilespmem:s2+$0x10480]  }
0x1e1: {  	s15 =	simm.s32 $0x10;
	s9 =	simm.s32 $0x80;
	v17 =	vld [tilespmem:s2+$0xC500];
	v5 =	vadd.f32 v6, v5  }
0x1e2: {  	s10 =	sand.u32 $0x70, s15;
	s25 =	sand.u32 $0x3C00, s9;
	v18 =	vld [tilespmem:s2+$0x10500];
	v6 =	vadd.f32 v8, v7  }
0x1e3: {  	s25 =	sor.u32 s10, s25;
	v19 =	vld [tilespmem:s2+$0xC580];
	v8 =	vadd.f32 v10, v9;
	[tilespmem:s2+$0x18200] =	vst v5  }
0x1e4: {  	v9 =	vadd.f32 v12, v11;
	v7 =	vld [tilespmem:s25+$0x10200];
	[tilespmem:s2+$0x18280] =	vst v6  }
0x1e5: {  	v10 =	vadd.f32 v14, v13;
	v12 =	vld [tilespmem:s25+$0xC380];
	[tilespmem:s2+$0x18300] =	vst v8  }
0x1e6: {  	s26 =	sand.u32 $0x7, s23;
	v11 =	vadd.f32 v16, v15;
	v15 =	vld [tilespmem:s25+$0x10380];
	[tilespmem:s2+$0x18380] =	vst v9  }
0x1e7: {  	s10 =	sshll.u32 s26, $0x4;
	v13 =	vld [tilespmem:s25+$0xC400];
	[tilespmem:s2+$0x18400] =	vst v10;
	v10 =	vadd.f32 v18, v17  }
0x1e8: {  	s10 =	sadd.s32 $0x0, s10;
	v16 =	vld [tilespmem:s25+$0x10400];
	[tilespmem:s2+$0x18480] =	vst v11  }
0x1e9: {  	s26 =	sor.u32 $0x380, s10;
	v5 =	vld [tilespmem:s25+$0xC200];
	[tilespmem:s2+$0x18500] =	vst v10  }
0x1ea: {  	v14 =	vld [tilespmem:s26+$0x10200]  }
0x1eb: {  	v6 =	vld [tilespmem:s25+$0xC280]  }
0x1ec: {  	v8 =	vld [tilespmem:s25+$0x10280]  }
0x1ed: {  	v9 =	vld [tilespmem:s25+$0xC300]  }
0x1ee: {  	v11 =	vld [tilespmem:s25+$0x10300]  }
0x1ef: {  	v10 =	vld [tilespmem:s25+$0xC480];
	v17 =	vadd.f32 v14, v19  }
0x1f0: {  	s11 =	simm.s32 $0x20;
	s10 =	simm.s32 $0x80;
	v14 =	vld [tilespmem:s25+$0x10480]  }
.LBB2_9:
0x1f1: {  	p0 =	sne.s32 s11, $0x7F0;
	v5 =	vadd.f32 v7, v5;
	v18 =	vld [tilespmem:s25+$0xC500];
	s9 =	sadd.s32 $0x80, s9;
	[tilespmem:s26+$0x18200] =	vst v17  }
0x1f2: {  	s2 =	sand.u32 $0x70, s11;
	v6 =	vadd.f32 v8, v6;
	s12 =	sand.u32 $0x3C00, s9;
	v17 =	vld [tilespmem:s25+$0x10500]  }
0x1f3: {  	v8 =	vadd.f32 v11, v9;
	s2 =	sor.u32 s2, s12;
	[tilespmem:s25+$0x18200] =	vst v5;
	v19 =	vld [tilespmem:s25+$0xC580]  }
0x1f4: {  	v9 =	vadd.f32 v15, v12;
	v5 =	vld [tilespmem:s2+$0xC200];
	[tilespmem:s25+$0x18280] =	vst v6  }
0x1f5: {  	s23 =	sadd.s32 $0x1, s23;
	v11 =	vadd.f32 v16, v13;
	v7 =	vld [tilespmem:s2+$0x10200];
	[tilespmem:s25+$0x18300] =	vst v8  }
0x1f6: {  	s12 =	sand.u32 $0x7, s23;
	v10 =	vadd.f32 v14, v10;
	v6 =	vld [tilespmem:s2+$0xC280];
	[tilespmem:s25+$0x18380] =	vst v9  }
0x1f7: {  	s12 =	sshll.u32 s12, $0x4;
	v8 =	vld [tilespmem:s2+$0x10280];
	[tilespmem:s25+$0x18400] =	vst v11;
	v12 =	vadd.f32 v17, v18  }
0x1f8: {  	s12 =	sadd.s32 s12, s10;
	s10 =	smov.u32 s9;
	v9 =	vld [tilespmem:s2+$0xC300];
	[tilespmem:s25+$0x18480] =	vst v10  }
0x1f9: {  	s26 =	sor.u32 $0x380, s12;
	v11 =	vld [tilespmem:s2+$0x10300];
	[tilespmem:s25+$0x18500] =	vst v12;
	s25 =	smov.u32 s2  }
0x1fa: {  	v14 =	vld [tilespmem:s26+$0x10200]  }
0x1fb: {  	v12 =	vld [tilespmem:s25+$0xC380]  }
.Ltmp3:
0x1fc: {  	v15 =	vld [tilespmem:s25+$0x10380];
	(pc) =	sbr.rel @p0 .LBB2_9-.Ltmp3, $4  }
0x1fd: {  	v13 =	vld [tilespmem:s25+$0xC400]  }
0x1fe: {  	v16 =	vld [tilespmem:s25+$0x10400]  }
0x1ff: {  	v10 =	vld [tilespmem:s25+$0xC480];
	v17 =	vadd.f32 v14, v19  }
0x200: {  	s11 =	sadd.s32 $0x10, s11;
	v14 =	vld [tilespmem:s25+$0x10480]  }
0x201: {  	v5 =	vadd.f32 v7, v5;
	v7 =	vld [tilespmem:s25+$0xC500]  }
0x202: {  	v18 =	vld [tilespmem:s25+$0x10500];
	v6 =	vadd.f32 v8, v6  }
0x203: {  	[tilespmem:s25+$0x18200] =	vst v5;
	v5 =	vadd.f32 v11, v9  }
0x204: {  	[tilespmem:s25+$0x18280] =	vst v6;
	v6 =	vadd.f32 v15, v12  }
0x205: {  	s2 =	sadd.s32 $0x1, s23;
	[tilespmem:s25+$0x18300] =	vst v5;
	v5 =	vadd.f32 v16, v13  }
0x206: {  	s2 =	sand.u32 $0x7, s2;
	[tilespmem:s25+$0x18380] =	vst v6;
	v6 =	vadd.f32 v14, v10  }
0x207: {  	s2 =	sshll.u32 s2, $0x4;
	[tilespmem:s25+$0x18400] =	vst v5;
	v5 =	vadd.f32 v18, v7  }
0x208: {  	s2 =	sadd.s32 s2, s10;
	[tilespmem:s25+$0x18480] =	vst v6  }
0x209: {  	v8 =	vld [tilespmem:s25+$0xC580];
	s2 =	sor.u32 $0x380, s2;
	[tilespmem:s25+$0x18500] =	vst v5  }
0x20a: {  	v5 =	vld [tilespmem:s2+$0x10200];
	_ =	sdelay $0x3  }
0x20b: {  	s9 =	rddreg [dreg:$0x12]  }
0x20c: {  	s9 =	sadd.s32 s9, s31;
	v5 =	vadd.f32 v5, v8  }
0x20d: {  	[tilespmem:s26+$0x18200] =	vst v17;
	s9 =	sshll.u32 s9, $0x8  }
0x20e: {  	s11 =	simm.s32 $0x18200;
	s10 =	sadd.s32 s4, s9;
	[tilespmem:s2+$0x18200] =	vst v5  }
0x20f: {  	[hbm4b:s10+s5] =	stream.linear.scatter [tilespmem:s11], [sflag:$0x8], $0x4000, $0x38;
	[tilespmem:$0x1C200] =	vst v63  }
0x210: {  	_ =	swait.ge [sflag:s7], $0x4000  }
0x211: {  	[sflag:s7] =	ssyncset.done $0x0  }
0x212: {  	[sflag:s7] =	ssyncadd.s32 $0xFFFFC000  }
0x213: {  	v5 =	vld.msk [tilespmem:s6+$0x10], $0xff;
	_ =	sdelay $0x4  }
0x214: {  	v6 =	vshll.u32 v5, $0x4  }
0x215: {  	v5 =	vand.u32 $0x7, v5;
	v6 =	vand.u32 $0xFFFFFF80, v6  }
0x216: {  	v5 =	vor.u32 v5, v6  }
0x217: {  	v5 =	vperm.xlane v5, v3;
	_ =	sdelay $0x1  }
0x218: {  	v5 =	vadd.s32 v4, v5;
	_ =	sdelay $0x3  }
0x219: {  	s12 =	simm.s32 $0x8200  }
0x21a: {  	[tilespmem:s12], [sflag:$0x2] =	stream.indirect_vreg.gather [hbm4b:s1+s5], $0x80, v5, vm0, $0xb8;
	[tilespmem:$0x1C200] =	vst v63  }
0x21b: {  	s13 =	simm.s32 $0x8A00  }
0x21c: {  	[tilespmem:s13], [sflag:$0x2] =	stream.indirect_vreg.gather [hbm4b:s16+s5], $0x80, v5, vm0, $0xb8;
	[tilespmem:$0x1C200] =	vst v63  }
0x21d: {  	s14 =	simm.s32 $0x9200  }
0x21e: {  	[tilespmem:s14], [sflag:$0x2] =	stream.indirect_vreg.gather [hbm4b:s17+s5], $0x80, v5, vm0, $0xb8;
	[tilespmem:$0x1C200] =	vst v63  }
0x21f: {  	s15 =	simm.s32 $0x9A00  }
0x220: {  	[tilespmem:s15], [sflag:$0x2] =	stream.indirect_vreg.gather [hbm4b:s18+s5], $0x80, v5, vm0, $0xb8;
	[tilespmem:$0x1C200] =	vst v63  }
0x221: {  	s23 =	simm.s32 $0xA200  }
0x222: {  	[tilespmem:s23], [sflag:$0x2] =	stream.indirect_vreg.gather [hbm4b:s19+s5], $0x80, v5, vm0, $0xb8;
	[tilespmem:$0x1C200] =	vst v63  }
0x223: {  	s25 =	simm.s32 $0xAA00  }
0x224: {  	[tilespmem:s25], [sflag:$0x2] =	stream.indirect_vreg.gather [hbm4b:s20+s5], $0x80, v5, vm0, $0xb8;
	[tilespmem:$0x1C200] =	vst v63  }
0x225: {  	s26 =	simm.s32 $0xB200  }
0x226: {  	[tilespmem:s26], [sflag:$0x2] =	stream.indirect_vreg.gather [hbm4b:s21+s5], $0x80, v5, vm0, $0xb8;
	[tilespmem:$0x1C200] =	vst v63  }
0x227: {  	s9 =	simm.s32 $0xBA00  }
0x228: {  	[tilespmem:s9], [sflag:$0x2] =	stream.indirect_vreg.gather [hbm4b:s22+s5], $0x80, v5, vm0, $0xb8;
	[tilespmem:$0x1C200] =	vst v63  }
0x229: {  	v5 =	vld.msk [tilespmem:s6+$0x18], $0xff;
	_ =	sdelay $0x4  }
0x22a: {  	v6 =	vshll.u32 v5, $0x4  }
0x22b: {  	v5 =	vand.u32 $0x7, v5;
	v6 =	vand.u32 $0xFFFFFF80, v6  }
0x22c: {  	v5 =	vor.u32 v5, v6  }
0x22d: {  	v5 =	vperm.xlane v5, v3;
	_ =	sdelay $0x1  }
0x22e: {  	v5 =	vadd.s32 v4, v5;
	_ =	sdelay $0x3  }
0x22f: {  	s10 =	simm.s32 $0xC200  }
0x230: {  	[tilespmem:s10], [sflag:$0x4] =	stream.indirect_vreg.gather [hbm4b:s1+s5], $0x80, v5, vm0, $0xb8;
	[tilespmem:$0x1C200] =	vst v63  }
0x231: {  	s11 =	simm.s32 $0xCA00  }
0x232: {  	[tilespmem:s11], [sflag:$0x4] =	stream.indirect_vreg.gather [hbm4b:s16+s5], $0x80, v5, vm0, $0xb8;
	[tilespmem:$0x1C200] =	vst v63  }
0x233: {  	s12 =	simm.s32 $0xD200  }
0x234: {  	[tilespmem:s12], [sflag:$0x4] =	stream.indirect_vreg.gather [hbm4b:s17+s5], $0x80, v5, vm0, $0xb8;
	[tilespmem:$0x1C200] =	vst v63  }
0x235: {  	s13 =	simm.s32 $0xDA00  }
0x236: {  	[tilespmem:s13], [sflag:$0x4] =	stream.indirect_vreg.gather [hbm4b:s18+s5], $0x80, v5, vm0, $0xb8;
	[tilespmem:$0x1C200] =	vst v63  }
0x237: {  	s14 =	simm.s32 $0xE200  }
0x238: {  	[tilespmem:s14], [sflag:$0x4] =	stream.indirect_vreg.gather [hbm4b:s19+s5], $0x80, v5, vm0, $0xb8;
	[tilespmem:$0x1C200] =	vst v63  }
0x239: {  	s15 =	simm.s32 $0xEA00  }
0x23a: {  	[tilespmem:s15], [sflag:$0x4] =	stream.indirect_vreg.gather [hbm4b:s20+s5], $0x80, v5, vm0, $0xb8;
	[tilespmem:$0x1C200] =	vst v63  }
0x23b: {  	s23 =	simm.s32 $0xF200  }
0x23c: {  	[tilespmem:s23], [sflag:$0x4] =	stream.indirect_vreg.gather [hbm4b:s21+s5], $0x80, v5, vm0, $0xb8;
	[tilespmem:$0x1C200] =	vst v63  }
0x23d: {  	s25 =	simm.s32 $0xFA00;
	s26 =	simm.s32 $0x6  }
0x23e: {  	[tilespmem:s25], [sflag:$0x4] =	stream.indirect_vreg.gather [hbm4b:s22+s5], $0x80, v5, vm0, $0xb8;
	[tilespmem:$0x1C200] =	vst v63  }
0x23f: {  	_ =	swait.ge [sflag:s26], $0x4000  }
0x240: {  	p0 =	seq.s32 s24, $0x3;
	s2 =	rddreg [dreg:$0x13]  }
0x241: {  	v5 =	vlaneseq.u32 @!p0;
	[sflag:s26] =	ssyncset.done $0x0;
	s2 =	sadd.s32 @!p0 s31, s2  }
0x242: {  	[sflag:s26] =	ssyncadd.s32 $0xFFFFC000;
	v6 =	vadd.s32 @!p0 s2, v5  }
0x243: {  	[tilespmem:$0x100] =	vst @!p0 v6  }
0x244: {  	v6 =	vld.msk @!p0 [tilespmem:$0x100], $0xff;
	_ =	sdelay $0x4  }
0x245: {  	v7 =	vshll.u32 @!p0 v6, $0x4  }
0x246: {  	v6 =	vand.u32 @!p0 $0x7, v6;
	v7 =	vand.u32 @!p0 $0xFFFFFF80, v7  }
0x247: {  	v6 =	vor.u32 @!p0 v6, v7;
	v7 =	vand.u32 @!p0 $0x7, v5;
	v5 =	vshrl.u32 @!p0 v5, $0x3  }
0x248: {  	v6 =	vperm.xlane @!p0 v6, v7;
	v5 =	vmul.u32 @!p0 $0x8, v5;
	_ =	sdelay $0x1  }
0x249: {  	v5 =	vadd.s32 @!p0 v5, v6;
	_ =	sdelay $0x3  }
0x24a: {  	vm1 =	vmmov @!p0 $0xffff;
	s6 =	simm.s32 @!p0 $0x10200;
	s2 =	simm.s32 @!p0 $0x0;
	s9 =	rddreg [dreg:$0x2]  }
0x24b: {  	[tilespmem:s6], [sflag:$0x5] =	stream.indirect_vreg.gather @!p0 [hbm4b:s9+s2], $0x80, v5, vm1, $0xb8;
	[tilespmem:$0x1C200] =	vst v63  }
0x24c: {  	s6 =	simm.s32 @!p0 $0x10A00;
	s9 =	rddreg [dreg:$0x8]  }
0x24d: {  	[tilespmem:s6], [sflag:$0x5] =	stream.indirect_vreg.gather @!p0 [hbm4b:s9+s2], $0x80, v5, vm1, $0xb8;
	[tilespmem:$0x1C200] =	vst v63  }
0x24e: {  	s6 =	simm.s32 @!p0 $0x11200;
	s9 =	rddreg [dreg:$0x9]  }
0x24f: {  	[tilespmem:s6], [sflag:$0x5] =	stream.indirect_vreg.gather @!p0 [hbm4b:s9+s2], $0x80, v5, vm1, $0xb8;
	[tilespmem:$0x1C200] =	vst v63  }
0x250: {  	s6 =	simm.s32 @!p0 $0x11A00;
	s9 =	rddreg [dreg:$0xa]  }
0x251: {  	[tilespmem:s6], [sflag:$0x5] =	stream.indirect_vreg.gather @!p0 [hbm4b:s9+s2], $0x80, v5, vm1, $0xb8;
	[tilespmem:$0x1C200] =	vst v63  }
0x252: {  	s6 =	simm.s32 @!p0 $0x12200;
	s9 =	rddreg [dreg:$0xb]  }
0x253: {  	[tilespmem:s6], [sflag:$0x5] =	stream.indirect_vreg.gather @!p0 [hbm4b:s9+s2], $0x80, v5, vm1, $0xb8;
	[tilespmem:$0x1C200] =	vst v63  }
0x254: {  	s6 =	simm.s32 @!p0 $0x12A00;
	s9 =	rddreg [dreg:$0xc]  }
0x255: {  	[tilespmem:s6], [sflag:$0x5] =	stream.indirect_vreg.gather @!p0 [hbm4b:s9+s2], $0x80, v5, vm1, $0xb8;
	[tilespmem:$0x1C200] =	vst v63  }
0x256: {  	s6 =	simm.s32 @!p0 $0x13200;
	s9 =	rddreg [dreg:$0xd]  }
0x257: {  	[tilespmem:s6], [sflag:$0x5] =	stream.indirect_vreg.gather @!p0 [hbm4b:s9+s2], $0x80, v5, vm1, $0xb8;
	[tilespmem:$0x1C200] =	vst v63  }
0x258: {  	s6 =	simm.s32 @!p0 $0x13A00;
	s9 =	rddreg [dreg:$0xe]  }
0x259: {  	[tilespmem:s6], [sflag:$0x5] =	stream.indirect_vreg.gather @!p0 [hbm4b:s9+s2], $0x80, v5, vm1, $0xb8;
	[tilespmem:$0x1C200] =	vst v63  }
0x25a: {  	s6 =	simm.s32 $0x0;
	_ =	swait.ge [sflag:s30], $0x4000  }
0x25b: {  	s9 =	sand.u32 $0x70, s6;
	s10 =	sand.u32 $0x3C00, s6;
	[sflag:s30] =	ssyncset.done $0x0  }
0x25c: {  	s2 =	sor.u32 s9, s10;
	[sflag:s30] =	ssyncadd.s32 $0xFFFFC000  }
0x25d: {  	v5 =	vld [tilespmem:s2+$0x14200];
	_ =	sdelay $0x3  }
0x25e: {  	s9 =	sor.u32 $0x200, s2  }
0x25f: {  	[tilespmem:s9+$0x0] =	vst.add.f32.msk $0xffff, v5  }
0x260: {  	v5 =	vld [tilespmem:s2+$0x14280];
	_ =	sdelay $0x3  }
0x261: {  	s11 =	sor.u32 $0x280, s2  }
0x262: {  	[tilespmem:s11+$0x0] =	vst.add.f32.msk $0xffff, v5  }
0x263: {  	s12 =	simm.s32 $0x10;
	s25 =	simm.s32 $0x80;
	v5 =	vld [tilespmem:s2+$0x14300]  }
0x264: {  	s13 =	sand.u32 $0x3C00, s25;
	s9 =	sand.u32 $0x70, s12  }
0x265: {  	s9 =	sor.u32 s9, s13  }
0x266: {  	v6 =	vld [tilespmem:s9+$0x14200]  }
0x267: {  	s14 =	sor.u32 $0x300, s2  }
0x268: {  	[tilespmem:s14+$0x0] =	vst.add.f32.msk $0xffff, v5  }
0x269: {  	v7 =	vld [tilespmem:s2+$0x14380]  }
0x26a: {  	s23 =	simm.s32 $0x100;
	s12 =	sor.u32 $0x200, s9;
	s11 =	simm.s32 $0x20  }
0x26b: {  	s26 =	sand.u32 $0x3C00, s23;
	s15 =	sand.u32 $0x70, s11;
	[tilespmem:s12+$0x0] =	vst.add.f32.msk $0xffff, v6  }
0x26c: {  	s26 =	sor.u32 s15, s26;
	v6 =	vld [tilespmem:s9+$0x14280]  }
0x26d: {  	s13 =	sor.u32 $0x380, s2;
	v5 =	vld [tilespmem:s26+$0x14200]  }
0x26e: {  	[tilespmem:s13+$0x0] =	vst.add.f32.msk $0xffff, v7  }
0x26f: {  	v8 =	vld [tilespmem:s2+$0x14400]  }
0x270: {  	v62 =	vld [tilespmem:s2+$0x14480]  }
0x271: {  	s14 =	sor.u32 $0x280, s9;
	v63 =	vld [tilespmem:s2+$0x14500]  }
0x272: {  	[tilespmem:s14+$0x0] =	vst.add.f32.msk $0xffff, v6  }
0x273: {  	s15 =	sand.u32 $0x7, s6;
	v7 =	vld [tilespmem:s9+$0x14300]  }
0x274: {  	s10 =	sshll.u32 s15, $0x4;
	[tilespmem:s2+$0x400] =	vst.add.f32.msk $0xffff, v8  }
0x275: {  	s10 =	sadd.s32 $0x0, s10;
	[tilespmem:s2+$0x480] =	vst.add.f32.msk $0xffff, v62  }
0x276: {  	s31 =	sadd.s32 $0x1, s24;
	s10 =	sor.u32 $0x380, s10;
	[tilespmem:s2+$0x500] =	vst.add.f32.msk $0xffff, v63  }
0x277: {  	s11 =	simm.s32 $0x180;
	s12 =	simm.s32 $0x30;
	s13 =	sor.u32 $0x300, s9;
	v6 =	vld [tilespmem:s10+$0x14200]  }
.LBB2_11:
0x278: {  	s2 =	sand.u32 $0x70, s12;
	s14 =	sand.u32 $0x3C00, s11;
	p1 =	sne.s32 s12, $0x7F0;
	[tilespmem:s13+$0x0] =	vst.add.f32.msk $0xffff, v7  }
0x279: {  	s2 =	sor.u32 s2, s14;
	v7 =	vld [tilespmem:s9+$0x14380]  }
0x27a: {  	s13 =	sor.u32 $0x200, s26;
	v8 =	vld [tilespmem:s2+$0x14200]  }
0x27b: {  	[tilespmem:s13+$0x0] =	vst.add.f32.msk $0xffff, v5  }
0x27c: {  	[tilespmem:s10+$0x200] =	vst.add.f32.msk $0xffff, v6  }
0x27d: {  	s10 =	sor.u32 $0x380, s9;
	v6 =	vld [tilespmem:s26+$0x14280]  }
0x27e: {  	[tilespmem:s10+$0x0] =	vst.add.f32.msk $0xffff, v7  }
0x27f: {  	v9 =	vld [tilespmem:s9+$0x14400];
	v5 =	vmov v8  }
0x280: {  	v8 =	vld [tilespmem:s9+$0x14480]  }
0x281: {  	s10 =	sor.u32 $0x280, s26;
	v10 =	vld [tilespmem:s9+$0x14500]  }
0x282: {  	s6 =	sadd.s32 $0x1, s6;
	[tilespmem:s10+$0x0] =	vst.add.f32.msk $0xffff, v6  }
.Ltmp4:
0x283: {  	s10 =	sand.u32 $0x7, s6;
	v7 =	vld [tilespmem:s26+$0x14300];
	(pc) =	sbr.rel @p1 .LBB2_11-.Ltmp4, $4  }
0x284: {  	s10 =	sshll.u32 s10, $0x4;
	[tilespmem:s9+$0x400] =	vst.add.f32.msk $0xffff, v9  }
0x285: {  	s10 =	sadd.s32 s10, s25;
	s25 =	smov.u32 s23;
	s23 =	smov.u32 s11;
	[tilespmem:s9+$0x480] =	vst.add.f32.msk $0xffff, v8  }
0x286: {  	s10 =	sor.u32 $0x380, s10;
	[tilespmem:s9+$0x500] =	vst.add.f32.msk $0xffff, v10;
	s9 =	smov.u32 s26;
	s26 =	smov.u32 s2  }
0x287: {  	s12 =	sadd.s32 $0x10, s12;
	s11 =	sadd.s32 $0x80, s11;
	s13 =	sor.u32 $0x300, s9;
	v6 =	vld [tilespmem:s10+$0x14200]  }
0x288: {  	s2 =	sor.u32 $0x200, s26  }
0x289: {  	[tilespmem:s2+$0x0] =	vst.add.f32.msk $0xffff, v5  }
0x28a: {  	v5 =	vld [tilespmem:s26+$0x14280];
	_ =	sdelay $0x1  }
0x28b: {  	[tilespmem:s13+$0x0] =	vst.add.f32.msk $0xffff, v7  }
0x28c: {  	v7 =	vld [tilespmem:s9+$0x14380]  }
0x28d: {  	s13 =	sor.u32 $0x280, s26  }
0x28e: {  	[tilespmem:s13+$0x0] =	vst.add.f32.msk $0xffff, v5  }
0x28f: {  	v5 =	vld [tilespmem:s26+$0x14300]  }
0x290: {  	s14 =	sor.u32 $0x380, s9  }
0x291: {  	[tilespmem:s14+$0x0] =	vst.add.f32.msk $0xffff, v7  }
0x292: {  	v7 =	vld [tilespmem:s9+$0x14400]  }
0x293: {  	s15 =	sor.u32 $0x300, s26;
	v8 =	vld [tilespmem:s9+$0x14480]  }
0x294: {  	[tilespmem:s15+$0x0] =	vst.add.f32.msk $0xffff, v5  }
0x295: {  	v5 =	vld [tilespmem:s26+$0x14380];
	_ =	sdelay $0x1  }
0x296: {  	v9 =	vld [tilespmem:s9+$0x14500]  }
0x297: {  	[tilespmem:s9+$0x400] =	vst.add.f32.msk $0xffff, v7  }
0x298: {  	s11 =	sor.u32 $0x380, s26;
	[tilespmem:s9+$0x480] =	vst.add.f32.msk $0xffff, v8  }
0x299: {  	s6 =	sadd.s32 $0x1, s6;
	[tilespmem:s11+$0x0] =	vst.add.f32.msk $0xffff, v5  }
0x29a: {  	s12 =	sand.u32 $0x7, s6;
	v5 =	vld [tilespmem:s26+$0x14400]  }
0x29b: {  	s2 =	sshll.u32 s12, $0x4;
	v7 =	vld [tilespmem:s26+$0x14480]  }
0x29c: {  	s2 =	sadd.s32 s2, s25;
	v8 =	vld [tilespmem:s26+$0x14500]  }
0x29d: {  	s6 =	sadd.s32 $0x1, s6;
	s2 =	sor.u32 $0x380, s2;
	[tilespmem:s9+$0x500] =	vst.add.f32.msk $0xffff, v9  }
0x29e: {  	s6 =	sand.u32 $0x7, s6;
	v9 =	vld [tilespmem:s2+$0x14200]  }
0x29f: {  	s6 =	sshll.u32 s6, $0x4;
	[tilespmem:s26+$0x400] =	vst.add.f32.msk $0xffff, v5  }
0x2a0: {  	s6 =	sadd.s32 s6, s23;
	[tilespmem:s26+$0x480] =	vst.add.f32.msk $0xffff, v7  }
0x2a1: {  	s6 =	sor.u32 $0x380, s6;
	[tilespmem:s26+$0x500] =	vst.add.f32.msk $0xffff, v8  }
0x2a2: {  	v5 =	vld [tilespmem:s6+$0x14200]  }
0x2a3: {  	[tilespmem:s10+$0x200] =	vst.add.f32.msk $0xffff, v6  }
0x2a4: {  	s9 =	rddreg [dreg:$0x5]  }
0x2a5: {  	s9 =	sadd.s32 s9, s29  }
0x2a6: {  	[tilespmem:s2+$0x200] =	vst.add.f32.msk $0xffff, v9;
	s13 =	sshll.u32 s9, $0x8  }
0x2a7: {  	s14 =	simm.s32 $0x200;
	s2 =	sadd.s32 s4, s13;
	[tilespmem:s6+$0x200] =	vst.add.f32.msk $0xffff, v5;
	s6 =	simm.s32 $0x0  }
0x2a8: {  	[hbm4b:s2+s6] =	stream.linear.scatter [tilespmem:s14], [sflag:$0x7], $0x4000, $0x38;
	[tilespmem:$0x1C200] =	vst v63  }
0x2a9: {  	_ =	swait.ge [sflag:s28], $0x4000  }
0x2aa: {  	[sflag:s28] =	ssyncset.done $0x0  }
0x2ab: {  	[sflag:s28] =	ssyncadd.s32 $0xFFFFC000  }
0x2ac: {  	_ =	swait.ge [sflag:s0], $0x4000  }
0x2ad: {  	s15 =	sand.u32 $0x70, s6;
	s23 =	sand.u32 $0x3C00, s6;
	[sflag:s0] =	ssyncset.done $0x0  }
0x2ae: {  	s2 =	sor.u32 s15, s23;
	[sflag:s0] =	ssyncadd.s32 $0xFFFFC000  }
0x2af: {  	v5 =	vld [tilespmem:s2+$0x4200]  }
0x2b0: {  	v6 =	vld [tilespmem:s2+$0x14200]  }
0x2b1: {  	v7 =	vld [tilespmem:s2+$0x4280]  }
0x2b2: {  	v8 =	vld [tilespmem:s2+$0x14280]  }
0x2b3: {  	v9 =	vld [tilespmem:s2+$0x4300]  }
0x2b4: {  	v10 =	vld [tilespmem:s2+$0x14300]  }
0x2b5: {  	v11 =	vld [tilespmem:s2+$0x4380]  }
0x2b6: {  	v12 =	vld [tilespmem:s2+$0x14380]  }
0x2b7: {  	v13 =	vld [tilespmem:s2+$0x4400]  }
0x2b8: {  	v14 =	vld [tilespmem:s2+$0x14400]  }
0x2b9: {  	v15 =	vld [tilespmem:s2+$0x4480]  }
0x2ba: {  	v16 =	vld [tilespmem:s2+$0x14480]  }
0x2bb: {  	s25 =	simm.s32 $0x10;
	s9 =	simm.s32 $0x80;
	v17 =	vld [tilespmem:s2+$0x4500];
	v5 =	vadd.f32 v6, v5  }
0x2bc: {  	s10 =	sand.u32 $0x70, s25;
	s11 =	sand.u32 $0x3C00, s9;
	v18 =	vld [tilespmem:s2+$0x14500];
	v6 =	vadd.f32 v8, v7  }
0x2bd: {  	s23 =	sor.u32 s10, s11;
	v19 =	vld [tilespmem:s2+$0x4580];
	v8 =	vadd.f32 v10, v9;
	[tilespmem:s2+$0x18200] =	vst v5  }
0x2be: {  	v9 =	vadd.f32 v12, v11;
	v7 =	vld [tilespmem:s23+$0x14200];
	[tilespmem:s2+$0x18280] =	vst v6  }
0x2bf: {  	v10 =	vadd.f32 v14, v13;
	v12 =	vld [tilespmem:s23+$0x4380];
	[tilespmem:s2+$0x18300] =	vst v8  }
0x2c0: {  	s26 =	sand.u32 $0x7, s6;
	v11 =	vadd.f32 v16, v15;
	v15 =	vld [tilespmem:s23+$0x14380];
	[tilespmem:s2+$0x18380] =	vst v9  }
0x2c1: {  	s10 =	sshll.u32 s26, $0x4;
	v13 =	vld [tilespmem:s23+$0x4400];
	[tilespmem:s2+$0x18400] =	vst v10;
	v10 =	vadd.f32 v18, v17  }
0x2c2: {  	s10 =	sadd.s32 $0x0, s10;
	v16 =	vld [tilespmem:s23+$0x14400];
	[tilespmem:s2+$0x18480] =	vst v11  }
0x2c3: {  	s25 =	sor.u32 $0x380, s10;
	v5 =	vld [tilespmem:s23+$0x4200];
	[tilespmem:s2+$0x18500] =	vst v10  }
0x2c4: {  	v14 =	vld [tilespmem:s25+$0x14200]  }
0x2c5: {  	v6 =	vld [tilespmem:s23+$0x4280]  }
0x2c6: {  	v8 =	vld [tilespmem:s23+$0x14280]  }
0x2c7: {  	v9 =	vld [tilespmem:s23+$0x4300]  }
0x2c8: {  	v11 =	vld [tilespmem:s23+$0x14300]  }
0x2c9: {  	v10 =	vld [tilespmem:s23+$0x4480];
	v17 =	vadd.f32 v14, v19  }
0x2ca: {  	s11 =	simm.s32 $0x20;
	s10 =	simm.s32 $0x80;
	v14 =	vld [tilespmem:s23+$0x14480]  }
.LBB2_13:
0x2cb: {  	p1 =	sne.s32 s11, $0x7F0;
	v5 =	vadd.f32 v7, v5;
	v18 =	vld [tilespmem:s23+$0x4500];
	s9 =	sadd.s32 $0x80, s9;
	[tilespmem:s25+$0x18200] =	vst v17  }
0x2cc: {  	s2 =	sand.u32 $0x70, s11;
	v6 =	vadd.f32 v8, v6;
	s12 =	sand.u32 $0x3C00, s9;
	v17 =	vld [tilespmem:s23+$0x14500]  }
0x2cd: {  	v8 =	vadd.f32 v11, v9;
	s2 =	sor.u32 s2, s12;
	[tilespmem:s23+$0x18200] =	vst v5;
	v19 =	vld [tilespmem:s23+$0x4580]  }
0x2ce: {  	v9 =	vadd.f32 v15, v12;
	v5 =	vld [tilespmem:s2+$0x4200];
	[tilespmem:s23+$0x18280] =	vst v6  }
0x2cf: {  	s6 =	sadd.s32 $0x1, s6;
	v11 =	vadd.f32 v16, v13;
	v7 =	vld [tilespmem:s2+$0x14200];
	[tilespmem:s23+$0x18300] =	vst v8  }
0x2d0: {  	s12 =	sand.u32 $0x7, s6;
	v10 =	vadd.f32 v14, v10;
	v6 =	vld [tilespmem:s2+$0x4280];
	[tilespmem:s23+$0x18380] =	vst v9  }
0x2d1: {  	s12 =	sshll.u32 s12, $0x4;
	v8 =	vld [tilespmem:s2+$0x14280];
	[tilespmem:s23+$0x18400] =	vst v11;
	v12 =	vadd.f32 v17, v18  }
0x2d2: {  	s12 =	sadd.s32 s12, s10;
	s10 =	smov.u32 s9;
	v9 =	vld [tilespmem:s2+$0x4300];
	[tilespmem:s23+$0x18480] =	vst v10  }
0x2d3: {  	s25 =	sor.u32 $0x380, s12;
	v11 =	vld [tilespmem:s2+$0x14300];
	[tilespmem:s23+$0x18500] =	vst v12;
	s23 =	smov.u32 s2  }
0x2d4: {  	v14 =	vld [tilespmem:s25+$0x14200]  }
0x2d5: {  	v12 =	vld [tilespmem:s23+$0x4380]  }
.Ltmp5:
0x2d6: {  	v15 =	vld [tilespmem:s23+$0x14380];
	(pc) =	sbr.rel @p1 .LBB2_13-.Ltmp5, $4  }
0x2d7: {  	v13 =	vld [tilespmem:s23+$0x4400]  }
0x2d8: {  	v16 =	vld [tilespmem:s23+$0x14400]  }
0x2d9: {  	v10 =	vld [tilespmem:s23+$0x4480];
	v17 =	vadd.f32 v14, v19  }
0x2da: {  	s11 =	sadd.s32 $0x10, s11;
	v14 =	vld [tilespmem:s23+$0x14480]  }
0x2db: {  	v5 =	vadd.f32 v7, v5;
	v7 =	vld [tilespmem:s23+$0x4500]  }
0x2dc: {  	v18 =	vld [tilespmem:s23+$0x14500];
	v6 =	vadd.f32 v8, v6  }
0x2dd: {  	[tilespmem:s23+$0x18200] =	vst v5;
	v5 =	vadd.f32 v11, v9  }
0x2de: {  	[tilespmem:s23+$0x18280] =	vst v6;
	v6 =	vadd.f32 v15, v12  }
0x2df: {  	s2 =	sadd.s32 $0x1, s6;
	[tilespmem:s23+$0x18300] =	vst v5;
	v5 =	vadd.f32 v16, v13  }
0x2e0: {  	s2 =	sand.u32 $0x7, s2;
	[tilespmem:s23+$0x18380] =	vst v6;
	v6 =	vadd.f32 v14, v10  }
0x2e1: {  	s2 =	sshll.u32 s2, $0x4;
	[tilespmem:s23+$0x18400] =	vst v5;
	v5 =	vadd.f32 v18, v7  }
0x2e2: {  	s2 =	sadd.s32 s2, s10;
	[tilespmem:s23+$0x18480] =	vst v6  }
0x2e3: {  	v8 =	vld [tilespmem:s23+$0x4580];
	s2 =	sor.u32 $0x380, s2;
	[tilespmem:s23+$0x18500] =	vst v5  }
0x2e4: {  	v5 =	vld [tilespmem:s2+$0x14200];
	_ =	sdelay $0x3  }
0x2e5: {  	s10 =	rddreg [dreg:$0xf]  }
0x2e6: {  	s6 =	sadd.s32 s10, s29;
	v5 =	vadd.f32 v5, v8  }
0x2e7: {  	[tilespmem:s25+$0x18200] =	vst v17;
	s6 =	sshll.u32 s6, $0x8  }
0x2e8: {  	s12 =	simm.s32 $0x18200;
	s11 =	sadd.s32 s4, s6;
	[tilespmem:s2+$0x18200] =	vst v5  }
0x2e9: {  	[hbm4b:s11+s5] =	stream.linear.scatter [tilespmem:s12], [sflag:$0x8], $0x4000, $0x38;
	[tilespmem:$0x1C200] =	vst v63  }
0x2ea: {  	_ =	swait.ge [sflag:s7], $0x4000  }
0x2eb: {  	s2 =	sshll.u32 @!p0 s24, $0x6;
	[sflag:s7] =	ssyncset.done $0x0  }
0x2ec: {  	s24 =	sand.u32 @!p0 $0x3FFFFFC0, s2;
	[sflag:s7] =	ssyncadd.s32 $0xFFFFC000  }
0x2ed: {  	v5 =	vld.msk @!p0 [tilespmem:s24+$0x40], $0xff;
	_ =	sdelay $0x4  }
0x2ee: {  	v6 =	vshll.u32 @!p0 v5, $0x4  }
0x2ef: {  	v7 =	vlaneseq.u32 @!p0;
	v5 =	vand.u32 @!p0 $0x7, v5;
	v6 =	vand.u32 @!p0 $0xFFFFFF80, v6  }
0x2f0: {  	v5 =	vor.u32 @!p0 v5, v6;
	v6 =	vand.u32 @!p0 $0x7, v7;
	v7 =	vshrl.u32 @!p0 v7, $0x3  }
0x2f1: {  	v5 =	vperm.xlane @!p0 v5, v6;
	v7 =	vmul.u32 @!p0 $0x8, v7;
	_ =	sdelay $0x1  }
0x2f2: {  	v5 =	vadd.s32 @!p0 v7, v5;
	_ =	sdelay $0x3  }
0x2f3: {  	s6 =	simm.s32 @!p0 $0x200;
	s2 =	simm.s32 @!p0 $0x0  }
0x2f4: {  	[tilespmem:s6], [sflag:$0x1] =	stream.indirect_vreg.gather @!p0 [hbm4b:s1+s2], $0x80, v5, vm1, $0xb8;
	[tilespmem:$0x1C200] =	vst v63  }
0x2f5: {  	s6 =	simm.s32 @!p0 $0xA00  }
0x2f6: {  	[tilespmem:s6], [sflag:$0x1] =	stream.indirect_vreg.gather @!p0 [hbm4b:s16+s2], $0x80, v5, vm1, $0xb8;
	[tilespmem:$0x1C200] =	vst v63  }
0x2f7: {  	s6 =	simm.s32 @!p0 $0x1200  }
0x2f8: {  	[tilespmem:s6], [sflag:$0x1] =	stream.indirect_vreg.gather @!p0 [hbm4b:s17+s2], $0x80, v5, vm1, $0xb8;
	[tilespmem:$0x1C200] =	vst v63  }
0x2f9: {  	s6 =	simm.s32 @!p0 $0x1A00  }
0x2fa: {  	[tilespmem:s6], [sflag:$0x1] =	stream.indirect_vreg.gather @!p0 [hbm4b:s18+s2], $0x80, v5, vm1, $0xb8;
	[tilespmem:$0x1C200] =	vst v63  }
0x2fb: {  	s6 =	simm.s32 @!p0 $0x2200  }
0x2fc: {  	[tilespmem:s6], [sflag:$0x1] =	stream.indirect_vreg.gather @!p0 [hbm4b:s19+s2], $0x80, v5, vm1, $0xb8;
	[tilespmem:$0x1C200] =	vst v63  }
0x2fd: {  	s6 =	simm.s32 @!p0 $0x2A00  }
0x2fe: {  	[tilespmem:s6], [sflag:$0x1] =	stream.indirect_vreg.gather @!p0 [hbm4b:s20+s2], $0x80, v5, vm1, $0xb8;
	[tilespmem:$0x1C200] =	vst v63  }
0x2ff: {  	s6 =	simm.s32 @!p0 $0x3200  }
0x300: {  	[tilespmem:s6], [sflag:$0x1] =	stream.indirect_vreg.gather @!p0 [hbm4b:s21+s2], $0x80, v5, vm1, $0xb8;
	[tilespmem:$0x1C200] =	vst v63  }
0x301: {  	s6 =	simm.s32 @!p0 $0x3A00  }
0x302: {  	[tilespmem:s6], [sflag:$0x1] =	stream.indirect_vreg.gather @!p0 [hbm4b:s22+s2], $0x80, v5, vm1, $0xb8;
	[tilespmem:$0x1C200] =	vst v63  }
0x303: {  	v5 =	vld.msk @!p0 [tilespmem:s24+$0x48], $0xff;
	_ =	sdelay $0x4  }
0x304: {  	v8 =	vshll.u32 @!p0 v5, $0x4  }
0x305: {  	v5 =	vand.u32 @!p0 $0x7, v5;
	v8 =	vand.u32 @!p0 $0xFFFFFF80, v8  }
0x306: {  	v5 =	vor.u32 @!p0 v5, v8  }
0x307: {  	v5 =	vperm.xlane @!p0 v5, v6;
	_ =	sdelay $0x1  }
0x308: {  	v5 =	vadd.s32 @!p0 v7, v5;
	_ =	sdelay $0x3  }
0x309: {  	s6 =	simm.s32 @!p0 $0x4200  }
0x30a: {  	[tilespmem:s6], [sflag:$0x3] =	stream.indirect_vreg.gather @!p0 [hbm4b:s1+s2], $0x80, v5, vm1, $0xb8;
	[tilespmem:$0x1C200] =	vst v63  }
0x30b: {  	s6 =	simm.s32 @!p0 $0x4A00  }
0x30c: {  	[tilespmem:s6], [sflag:$0x3] =	stream.indirect_vreg.gather @!p0 [hbm4b:s16+s2], $0x80, v5, vm1, $0xb8;
	[tilespmem:$0x1C200] =	vst v63  }
0x30d: {  	s6 =	simm.s32 @!p0 $0x5200  }
0x30e: {  	[tilespmem:s6], [sflag:$0x3] =	stream.indirect_vreg.gather @!p0 [hbm4b:s17+s2], $0x80, v5, vm1, $0xb8;
	[tilespmem:$0x1C200] =	vst v63  }
0x30f: {  	s6 =	simm.s32 @!p0 $0x5A00  }
0x310: {  	[tilespmem:s6], [sflag:$0x3] =	stream.indirect_vreg.gather @!p0 [hbm4b:s18+s2], $0x80, v5, vm1, $0xb8;
	[tilespmem:$0x1C200] =	vst v63  }
0x311: {  	s6 =	simm.s32 @!p0 $0x6200  }
0x312: {  	[tilespmem:s6], [sflag:$0x3] =	stream.indirect_vreg.gather @!p0 [hbm4b:s19+s2], $0x80, v5, vm1, $0xb8;
	[tilespmem:$0x1C200] =	vst v63  }
0x313: {  	s6 =	simm.s32 @!p0 $0x6A00  }
0x314: {  	[tilespmem:s6], [sflag:$0x3] =	stream.indirect_vreg.gather @!p0 [hbm4b:s20+s2], $0x80, v5, vm1, $0xb8;
	[tilespmem:$0x1C200] =	vst v63  }
0x315: {  	s6 =	simm.s32 @!p0 $0x7200  }
0x316: {  	[tilespmem:s6], [sflag:$0x3] =	stream.indirect_vreg.gather @!p0 [hbm4b:s21+s2], $0x80, v5, vm1, $0xb8;
	[tilespmem:$0x1C200] =	vst v63  }
0x317: {  	s6 =	simm.s32 @!p0 $0x7A00  }
0x318: {  	[tilespmem:s6], [sflag:$0x3] =	stream.indirect_vreg.gather @!p0 [hbm4b:s22+s2], $0x80, v5, vm1, $0xb8;
	[tilespmem:$0x1C200] =	vst v63  }
0x319: {  	s6 =	simm.s32 $0x0;
	_ =	swait.ge [sflag:s8], $0x4000  }
0x31a: {  	s13 =	sand.u32 $0x70, s6;
	s9 =	sand.u32 $0x3C00, s6;
	[sflag:s8] =	ssyncset.done $0x0  }
0x31b: {  	s2 =	sor.u32 s13, s9;
	[sflag:s8] =	ssyncadd.s32 $0xFFFFC000  }
0x31c: {  	v5 =	vld [tilespmem:s2+$0x14200];
	_ =	sdelay $0x3  }
0x31d: {  	s9 =	sor.u32 $0x8200, s2  }
0x31e: {  	[tilespmem:s9+$0x0] =	vst.add.f32.msk $0xffff, v5  }
0x31f: {  	v5 =	vld [tilespmem:s2+$0x14280];
	_ =	sdelay $0x3  }
0x320: {  	s14 =	sor.u32 $0x8280, s2  }
0x321: {  	[tilespmem:s14+$0x0] =	vst.add.f32.msk $0xffff, v5  }
0x322: {  	s15 =	simm.s32 $0x10;
	s25 =	simm.s32 $0x80;
	v5 =	vld [tilespmem:s2+$0x14300]  }
0x323: {  	s23 =	sand.u32 $0x3C00, s25;
	s9 =	sand.u32 $0x70, s15  }
0x324: {  	s10 =	sor.u32 s9, s23  }
0x325: {  	v6 =	vld [tilespmem:s10+$0x14200]  }
0x326: {  	s26 =	sor.u32 $0x8300, s2  }
0x327: {  	[tilespmem:s26+$0x0] =	vst.add.f32.msk $0xffff, v5  }
0x328: {  	v7 =	vld [tilespmem:s2+$0x14380]  }
0x329: {  	s11 =	simm.s32 $0x20;
	s23 =	simm.s32 $0x100;
	s13 =	sor.u32 $0x8200, s10  }
0x32a: {  	s11 =	sand.u32 $0x70, s11;
	s12 =	sand.u32 $0x3C00, s23;
	[tilespmem:s13+$0x0] =	vst.add.f32.msk $0xffff, v6  }
0x32b: {  	s9 =	sor.u32 s11, s12;
	v6 =	vld [tilespmem:s10+$0x14280]  }
0x32c: {  	s14 =	sor.u32 $0x8380, s2;
	v5 =	vld [tilespmem:s9+$0x14200]  }
0x32d: {  	[tilespmem:s14+$0x0] =	vst.add.f32.msk $0xffff, v7  }
0x32e: {  	v8 =	vld [tilespmem:s2+$0x14400]  }
0x32f: {  	v62 =	vld [tilespmem:s2+$0x14480]  }
0x330: {  	s15 =	sor.u32 $0x8280, s10;
	v63 =	vld [tilespmem:s2+$0x14500]  }
0x331: {  	[tilespmem:s15+$0x0] =	vst.add.f32.msk $0xffff, v6  }
0x332: {  	s26 =	sand.u32 $0x7, s6;
	v7 =	vld [tilespmem:s10+$0x14300]  }
0x333: {  	s11 =	sshll.u32 s26, $0x4;
	[tilespmem:s2+$0x8400] =	vst.add.f32.msk $0xffff, v8  }
0x334: {  	s11 =	sadd.s32 $0x0, s11;
	[tilespmem:s2+$0x8480] =	vst.add.f32.msk $0xffff, v62  }
0x335: {  	s11 =	sor.u32 $0x380, s11;
	[tilespmem:s2+$0x8500] =	vst.add.f32.msk $0xffff, v63  }
0x336: {  	s12 =	simm.s32 $0x180;
	s13 =	simm.s32 $0x30;
	s14 =	sor.u32 $0x8300, s10;
	v6 =	vld [tilespmem:s11+$0x14200]  }
.LBB2_15:
0x337: {  	s2 =	sand.u32 $0x70, s13;
	s15 =	sand.u32 $0x3C00, s12;
	p1 =	sne.s32 s13, $0x7F0;
	[tilespmem:s14+$0x0] =	vst.add.f32.msk $0xffff, v7  }
0x338: {  	s2 =	sor.u32 s2, s15;
	v7 =	vld [tilespmem:s10+$0x14380]  }
0x339: {  	s14 =	sor.u32 $0x8200, s9;
	v8 =	vld [tilespmem:s2+$0x14200]  }
0x33a: {  	[tilespmem:s14+$0x0] =	vst.add.f32.msk $0xffff, v5  }
0x33b: {  	[tilespmem:s11+$0x8200] =	vst.add.f32.msk $0xffff, v6  }
0x33c: {  	s11 =	sor.u32 $0x8380, s10;
	v6 =	vld [tilespmem:s9+$0x14280]  }
0x33d: {  	[tilespmem:s11+$0x0] =	vst.add.f32.msk $0xffff, v7  }
0x33e: {  	v9 =	vld [tilespmem:s10+$0x14400];
	v5 =	vmov v8  }
0x33f: {  	v8 =	vld [tilespmem:s10+$0x14480]  }
0x340: {  	s11 =	sor.u32 $0x8280, s9;
	v10 =	vld [tilespmem:s10+$0x14500]  }
0x341: {  	s6 =	sadd.s32 $0x1, s6;
	[tilespmem:s11+$0x0] =	vst.add.f32.msk $0xffff, v6  }
.Ltmp6:
0x342: {  	s11 =	sand.u32 $0x7, s6;
	v7 =	vld [tilespmem:s9+$0x14300];
	(pc) =	sbr.rel @p1 .LBB2_15-.Ltmp6, $4  }
0x343: {  	s11 =	sshll.u32 s11, $0x4;
	[tilespmem:s10+$0x8400] =	vst.add.f32.msk $0xffff, v9  }
0x344: {  	s11 =	sadd.s32 s11, s25;
	s25 =	smov.u32 s23;
	s23 =	smov.u32 s12;
	[tilespmem:s10+$0x8480] =	vst.add.f32.msk $0xffff, v8  }
0x345: {  	s11 =	sor.u32 $0x380, s11;
	[tilespmem:s10+$0x8500] =	vst.add.f32.msk $0xffff, v10;
	s10 =	smov.u32 s9;
	s9 =	smov.u32 s2  }
0x346: {  	s13 =	sadd.s32 $0x10, s13;
	s12 =	sadd.s32 $0x80, s12;
	s14 =	sor.u32 $0x8300, s10;
	v6 =	vld [tilespmem:s11+$0x14200]  }
0x347: {  	s2 =	sor.u32 $0x8200, s9  }
0x348: {  	[tilespmem:s2+$0x0] =	vst.add.f32.msk $0xffff, v5  }
0x349: {  	v5 =	vld [tilespmem:s9+$0x14280];
	_ =	sdelay $0x1  }
0x34a: {  	[tilespmem:s14+$0x0] =	vst.add.f32.msk $0xffff, v7  }
0x34b: {  	v7 =	vld [tilespmem:s10+$0x14380]  }
0x34c: {  	s12 =	sor.u32 $0x8280, s9  }
0x34d: {  	[tilespmem:s12+$0x0] =	vst.add.f32.msk $0xffff, v5  }
0x34e: {  	v5 =	vld [tilespmem:s9+$0x14300]  }
0x34f: {  	s13 =	sor.u32 $0x8380, s10  }
0x350: {  	[tilespmem:s13+$0x0] =	vst.add.f32.msk $0xffff, v7  }
0x351: {  	v7 =	vld [tilespmem:s10+$0x14400]  }
0x352: {  	s14 =	sor.u32 $0x8300, s9;
	v8 =	vld [tilespmem:s10+$0x14480]  }
0x353: {  	[tilespmem:s14+$0x0] =	vst.add.f32.msk $0xffff, v5  }
0x354: {  	v5 =	vld [tilespmem:s9+$0x14380];
	_ =	sdelay $0x1  }
0x355: {  	v9 =	vld [tilespmem:s10+$0x14500]  }
0x356: {  	[tilespmem:s10+$0x8400] =	vst.add.f32.msk $0xffff, v7  }
0x357: {  	s15 =	sor.u32 $0x8380, s9;
	[tilespmem:s10+$0x8480] =	vst.add.f32.msk $0xffff, v8  }
0x358: {  	s6 =	sadd.s32 $0x1, s6;
	[tilespmem:s15+$0x0] =	vst.add.f32.msk $0xffff, v5  }
0x359: {  	s26 =	sand.u32 $0x7, s6;
	v5 =	vld [tilespmem:s9+$0x14400]  }
0x35a: {  	s2 =	sshll.u32 s26, $0x4;
	v7 =	vld [tilespmem:s9+$0x14480]  }
0x35b: {  	s2 =	sadd.s32 s2, s25;
	v8 =	vld [tilespmem:s9+$0x14500]  }
0x35c: {  	s6 =	sadd.s32 $0x1, s6;
	s2 =	sor.u32 $0x380, s2;
	[tilespmem:s10+$0x8500] =	vst.add.f32.msk $0xffff, v9  }
0x35d: {  	s6 =	sand.u32 $0x7, s6;
	v9 =	vld [tilespmem:s2+$0x14200]  }
0x35e: {  	s6 =	sshll.u32 s6, $0x4;
	[tilespmem:s9+$0x8400] =	vst.add.f32.msk $0xffff, v5  }
0x35f: {  	s6 =	sadd.s32 s6, s23;
	[tilespmem:s9+$0x8480] =	vst.add.f32.msk $0xffff, v7  }
0x360: {  	s6 =	sor.u32 $0x380, s6;
	[tilespmem:s9+$0x8500] =	vst.add.f32.msk $0xffff, v8  }
0x361: {  	v5 =	vld [tilespmem:s6+$0x14200]  }
0x362: {  	[tilespmem:s11+$0x8200] =	vst.add.f32.msk $0xffff, v6  }
0x363: {  	s9 =	rddreg [dreg:$0x11]  }
0x364: {  	s9 =	sadd.s32 s9, s29  }
0x365: {  	[tilespmem:s2+$0x8200] =	vst.add.f32.msk $0xffff, v9;
	s12 =	sshll.u32 s9, $0x8  }
0x366: {  	s13 =	simm.s32 $0x8200;
	s2 =	sadd.s32 s4, s12;
	[tilespmem:s6+$0x8200] =	vst.add.f32.msk $0xffff, v5;
	s6 =	simm.s32 $0x0  }
0x367: {  	[hbm4b:s2+s6] =	stream.linear.scatter [tilespmem:s13], [sflag:$0x7], $0x4000, $0x38;
	[tilespmem:$0x1C200] =	vst v63  }
0x368: {  	_ =	swait.ge [sflag:s28], $0x4000  }
0x369: {  	[sflag:s28] =	ssyncset.done $0x0  }
0x36a: {  	[sflag:s28] =	ssyncadd.s32 $0xFFFFC000  }
0x36b: {  	_ =	swait.ge [sflag:s3], $0x4000  }
0x36c: {  	s14 =	sand.u32 $0x70, s6;
	s15 =	sand.u32 $0x3C00, s6;
	[sflag:s3] =	ssyncset.done $0x0  }
0x36d: {  	s2 =	sor.u32 s14, s15;
	[sflag:s3] =	ssyncadd.s32 $0xFFFFC000  }
0x36e: {  	v5 =	vld [tilespmem:s2+$0xC200]  }
0x36f: {  	v6 =	vld [tilespmem:s2+$0x14200]  }
0x370: {  	v7 =	vld [tilespmem:s2+$0xC280]  }
0x371: {  	v8 =	vld [tilespmem:s2+$0x14280]  }
0x372: {  	v9 =	vld [tilespmem:s2+$0xC300]  }
0x373: {  	v10 =	vld [tilespmem:s2+$0x14300]  }
0x374: {  	v11 =	vld [tilespmem:s2+$0xC380]  }
0x375: {  	v12 =	vld [tilespmem:s2+$0x14380]  }
0x376: {  	v13 =	vld [tilespmem:s2+$0xC400]  }
0x377: {  	v14 =	vld [tilespmem:s2+$0x14400]  }
0x378: {  	v15 =	vld [tilespmem:s2+$0xC480]  }
0x379: {  	v16 =	vld [tilespmem:s2+$0x14480]  }
0x37a: {  	s23 =	simm.s32 $0x10;
	s9 =	simm.s32 $0x80;
	v17 =	vld [tilespmem:s2+$0xC500];
	v5 =	vadd.f32 v6, v5  }
0x37b: {  	s10 =	sand.u32 $0x70, s23;
	s25 =	sand.u32 $0x3C00, s9;
	v18 =	vld [tilespmem:s2+$0x14500];
	v6 =	vadd.f32 v8, v7  }
0x37c: {  	s23 =	sor.u32 s10, s25;
	v19 =	vld [tilespmem:s2+$0xC580];
	v8 =	vadd.f32 v10, v9;
	[tilespmem:s2+$0x18200] =	vst v5  }
0x37d: {  	v9 =	vadd.f32 v12, v11;
	v7 =	vld [tilespmem:s23+$0x14200];
	[tilespmem:s2+$0x18280] =	vst v6  }
0x37e: {  	v10 =	vadd.f32 v14, v13;
	v12 =	vld [tilespmem:s23+$0xC380];
	[tilespmem:s2+$0x18300] =	vst v8  }
0x37f: {  	s26 =	sand.u32 $0x7, s6;
	v11 =	vadd.f32 v16, v15;
	v15 =	vld [tilespmem:s23+$0x14380];
	[tilespmem:s2+$0x18380] =	vst v9  }
0x380: {  	s10 =	sshll.u32 s26, $0x4;
	v13 =	vld [tilespmem:s23+$0xC400];
	[tilespmem:s2+$0x18400] =	vst v10;
	v10 =	vadd.f32 v18, v17  }
0x381: {  	s10 =	sadd.s32 $0x0, s10;
	v16 =	vld [tilespmem:s23+$0x14400];
	[tilespmem:s2+$0x18480] =	vst v11  }
0x382: {  	s25 =	sor.u32 $0x380, s10;
	v5 =	vld [tilespmem:s23+$0xC200];
	[tilespmem:s2+$0x18500] =	vst v10  }
0x383: {  	v14 =	vld [tilespmem:s25+$0x14200]  }
0x384: {  	v6 =	vld [tilespmem:s23+$0xC280]  }
0x385: {  	v8 =	vld [tilespmem:s23+$0x14280]  }
0x386: {  	v9 =	vld [tilespmem:s23+$0xC300]  }
0x387: {  	v11 =	vld [tilespmem:s23+$0x14300]  }
0x388: {  	v10 =	vld [tilespmem:s23+$0xC480];
	v17 =	vadd.f32 v14, v19  }
0x389: {  	s11 =	simm.s32 $0x20;
	s10 =	simm.s32 $0x80;
	v14 =	vld [tilespmem:s23+$0x14480]  }
.LBB2_17:
0x38a: {  	p1 =	sne.s32 s11, $0x7F0;
	v5 =	vadd.f32 v7, v5;
	v18 =	vld [tilespmem:s23+$0xC500];
	s9 =	sadd.s32 $0x80, s9;
	[tilespmem:s25+$0x18200] =	vst v17  }
0x38b: {  	s2 =	sand.u32 $0x70, s11;
	v6 =	vadd.f32 v8, v6;
	s12 =	sand.u32 $0x3C00, s9;
	v17 =	vld [tilespmem:s23+$0x14500]  }
0x38c: {  	v8 =	vadd.f32 v11, v9;
	s2 =	sor.u32 s2, s12;
	[tilespmem:s23+$0x18200] =	vst v5;
	v19 =	vld [tilespmem:s23+$0xC580]  }
0x38d: {  	v9 =	vadd.f32 v15, v12;
	v5 =	vld [tilespmem:s2+$0xC200];
	[tilespmem:s23+$0x18280] =	vst v6  }
0x38e: {  	s6 =	sadd.s32 $0x1, s6;
	v11 =	vadd.f32 v16, v13;
	v7 =	vld [tilespmem:s2+$0x14200];
	[tilespmem:s23+$0x18300] =	vst v8  }
0x38f: {  	s12 =	sand.u32 $0x7, s6;
	v10 =	vadd.f32 v14, v10;
	v6 =	vld [tilespmem:s2+$0xC280];
	[tilespmem:s23+$0x18380] =	vst v9  }
0x390: {  	s12 =	sshll.u32 s12, $0x4;
	v8 =	vld [tilespmem:s2+$0x14280];
	[tilespmem:s23+$0x18400] =	vst v11;
	v12 =	vadd.f32 v17, v18  }
0x391: {  	s12 =	sadd.s32 s12, s10;
	s10 =	smov.u32 s9;
	v9 =	vld [tilespmem:s2+$0xC300];
	[tilespmem:s23+$0x18480] =	vst v10  }
0x392: {  	s25 =	sor.u32 $0x380, s12;
	v11 =	vld [tilespmem:s2+$0x14300];
	[tilespmem:s23+$0x18500] =	vst v12;
	s23 =	smov.u32 s2  }
0x393: {  	v14 =	vld [tilespmem:s25+$0x14200]  }
0x394: {  	v12 =	vld [tilespmem:s23+$0xC380]  }
.Ltmp7:
0x395: {  	v15 =	vld [tilespmem:s23+$0x14380];
	(pc) =	sbr.rel @p1 .LBB2_17-.Ltmp7, $4  }
0x396: {  	v13 =	vld [tilespmem:s23+$0xC400]  }
0x397: {  	v16 =	vld [tilespmem:s23+$0x14400]  }
0x398: {  	v10 =	vld [tilespmem:s23+$0xC480];
	v17 =	vadd.f32 v14, v19  }
0x399: {  	s11 =	sadd.s32 $0x10, s11;
	v14 =	vld [tilespmem:s23+$0x14480]  }
0x39a: {  	v5 =	vadd.f32 v7, v5;
	v7 =	vld [tilespmem:s23+$0xC500]  }
0x39b: {  	v18 =	vld [tilespmem:s23+$0x14500];
	v6 =	vadd.f32 v8, v6  }
0x39c: {  	[tilespmem:s23+$0x18200] =	vst v5;
	v5 =	vadd.f32 v11, v9  }
0x39d: {  	[tilespmem:s23+$0x18280] =	vst v6;
	v6 =	vadd.f32 v15, v12  }
0x39e: {  	s2 =	sadd.s32 $0x1, s6;
	[tilespmem:s23+$0x18300] =	vst v5;
	v5 =	vadd.f32 v16, v13  }
0x39f: {  	s2 =	sand.u32 $0x7, s2;
	[tilespmem:s23+$0x18380] =	vst v6;
	v6 =	vadd.f32 v14, v10  }
0x3a0: {  	s2 =	sshll.u32 s2, $0x4;
	[tilespmem:s23+$0x18400] =	vst v5;
	v5 =	vadd.f32 v18, v7  }
0x3a1: {  	s2 =	sadd.s32 s2, s10;
	[tilespmem:s23+$0x18480] =	vst v6  }
0x3a2: {  	v63 =	vld [tilespmem:s23+$0xC580];
	s2 =	sor.u32 $0x380, s2;
	[tilespmem:s23+$0x18500] =	vst v5  }
0x3a3: {  	v5 =	vld [tilespmem:s2+$0x14200];
	_ =	sdelay $0x3  }
0x3a4: {  	s23 =	rddreg [dreg:$0x12]  }
0x3a5: {  	s6 =	sadd.s32 s23, s29;
	v5 =	vadd.f32 v5, v63  }
0x3a6: {  	[tilespmem:s25+$0x18200] =	vst v17;
	s6 =	sshll.u32 s6, $0x8  }
0x3a7: {  	s29 =	simm.s32 $0x18200;
	s26 =	sadd.s32 s4, s6;
	[tilespmem:s2+$0x18200] =	vst v5  }
0x3a8: {  	[hbm4b:s26+s5] =	stream.linear.scatter [tilespmem:s29], [sflag:$0x8], $0x4000, $0x38;
	[tilespmem:$0x1C200] =	vst v63  }
0x3a9: {  	_ =	swait.ge [sflag:s7], $0x4000  }
0x3aa: {  	[sflag:s7] =	ssyncset.done $0x0  }
0x3ab: {  	[sflag:s7] =	ssyncadd.s32 $0xFFFFC000  }
0x3ac: {  	v5 =	vld.msk @!p0 [tilespmem:s24+$0x50], $0xff;
	_ =	sdelay $0x4  }
0x3ad: {  	v6 =	vshll.u32 @!p0 v5, $0x4  }
0x3ae: {  	v7 =	vlaneseq.u32 @!p0;
	v5 =	vand.u32 @!p0 $0x7, v5;
	v6 =	vand.u32 @!p0 $0xFFFFFF80, v6  }
0x3af: {  	v5 =	vor.u32 @!p0 v5, v6;
	v6 =	vand.u32 @!p0 $0x7, v7;
	v7 =	vshrl.u32 @!p0 v7, $0x3  }
0x3b0: {  	v5 =	vperm.xlane @!p0 v5, v6;
	v7 =	vmul.u32 @!p0 $0x8, v7;
	_ =	sdelay $0x1  }
0x3b1: {  	v5 =	vadd.s32 @!p0 v7, v5;
	_ =	sdelay $0x3  }
0x3b2: {  	s6 =	simm.s32 @!p0 $0x8200;
	s2 =	simm.s32 @!p0 $0x0  }
0x3b3: {  	[tilespmem:s6], [sflag:$0x2] =	stream.indirect_vreg.gather @!p0 [hbm4b:s1+s2], $0x80, v5, vm1, $0xb8;
	[tilespmem:$0x1C200] =	vst v63  }
0x3b4: {  	s6 =	simm.s32 @!p0 $0x8A00  }
0x3b5: {  	[tilespmem:s6], [sflag:$0x2] =	stream.indirect_vreg.gather @!p0 [hbm4b:s16+s2], $0x80, v5, vm1, $0xb8;
	[tilespmem:$0x1C200] =	vst v63  }
0x3b6: {  	s6 =	simm.s32 @!p0 $0x9200  }
0x3b7: {  	[tilespmem:s6], [sflag:$0x2] =	stream.indirect_vreg.gather @!p0 [hbm4b:s17+s2], $0x80, v5, vm1, $0xb8;
	[tilespmem:$0x1C200] =	vst v63  }
0x3b8: {  	s6 =	simm.s32 @!p0 $0x9A00  }
0x3b9: {  	[tilespmem:s6], [sflag:$0x2] =	stream.indirect_vreg.gather @!p0 [hbm4b:s18+s2], $0x80, v5, vm1, $0xb8;
	[tilespmem:$0x1C200] =	vst v63  }
0x3ba: {  	s6 =	simm.s32 @!p0 $0xA200  }
0x3bb: {  	[tilespmem:s6], [sflag:$0x2] =	stream.indirect_vreg.gather @!p0 [hbm4b:s19+s2], $0x80, v5, vm1, $0xb8;
	[tilespmem:$0x1C200] =	vst v63  }
0x3bc: {  	s6 =	simm.s32 @!p0 $0xAA00  }
0x3bd: {  	[tilespmem:s6], [sflag:$0x2] =	stream.indirect_vreg.gather @!p0 [hbm4b:s20+s2], $0x80, v5, vm1, $0xb8;
	[tilespmem:$0x1C200] =	vst v63  }
0x3be: {  	s6 =	simm.s32 @!p0 $0xB200  }
0x3bf: {  	[tilespmem:s6], [sflag:$0x2] =	stream.indirect_vreg.gather @!p0 [hbm4b:s21+s2], $0x80, v5, vm1, $0xb8;
	[tilespmem:$0x1C200] =	vst v63  }
0x3c0: {  	s6 =	simm.s32 @!p0 $0xBA00  }
0x3c1: {  	[tilespmem:s6], [sflag:$0x2] =	stream.indirect_vreg.gather @!p0 [hbm4b:s22+s2], $0x80, v5, vm1, $0xb8;
	[tilespmem:$0x1C200] =	vst v63  }
0x3c2: {  	v5 =	vld.msk @!p0 [tilespmem:s24+$0x58], $0xff;
	_ =	sdelay $0x4  }
0x3c3: {  	v8 =	vshll.u32 @!p0 v5, $0x4  }
0x3c4: {  	v5 =	vand.u32 @!p0 $0x7, v5;
	v8 =	vand.u32 @!p0 $0xFFFFFF80, v8  }
0x3c5: {  	v5 =	vor.u32 @!p0 v5, v8  }
0x3c6: {  	v5 =	vperm.xlane @!p0 v5, v6;
	_ =	sdelay $0x1  }
0x3c7: {  	v5 =	vadd.s32 @!p0 v7, v5;
	_ =	sdelay $0x3  }
0x3c8: {  	s6 =	simm.s32 @!p0 $0xC200  }
0x3c9: {  	[tilespmem:s6], [sflag:$0x4] =	stream.indirect_vreg.gather @!p0 [hbm4b:s1+s2], $0x80, v5, vm1, $0xb8;
	[tilespmem:$0x1C200] =	vst v63  }
0x3ca: {  	s6 =	simm.s32 @!p0 $0xCA00  }
0x3cb: {  	[tilespmem:s6], [sflag:$0x4] =	stream.indirect_vreg.gather @!p0 [hbm4b:s16+s2], $0x80, v5, vm1, $0xb8;
	[tilespmem:$0x1C200] =	vst v63  }
0x3cc: {  	s6 =	simm.s32 @!p0 $0xD200  }
0x3cd: {  	[tilespmem:s6], [sflag:$0x4] =	stream.indirect_vreg.gather @!p0 [hbm4b:s17+s2], $0x80, v5, vm1, $0xb8;
	[tilespmem:$0x1C200] =	vst v63  }
0x3ce: {  	s6 =	simm.s32 @!p0 $0xDA00  }
0x3cf: {  	[tilespmem:s6], [sflag:$0x4] =	stream.indirect_vreg.gather @!p0 [hbm4b:s18+s2], $0x80, v5, vm1, $0xb8;
	[tilespmem:$0x1C200] =	vst v63  }
0x3d0: {  	s6 =	simm.s32 @!p0 $0xE200  }
0x3d1: {  	[tilespmem:s6], [sflag:$0x4] =	stream.indirect_vreg.gather @!p0 [hbm4b:s19+s2], $0x80, v5, vm1, $0xb8;
	[tilespmem:$0x1C200] =	vst v63  }
0x3d2: {  	s6 =	simm.s32 @!p0 $0xEA00  }
0x3d3: {  	[tilespmem:s6], [sflag:$0x4] =	stream.indirect_vreg.gather @!p0 [hbm4b:s20+s2], $0x80, v5, vm1, $0xb8;
	[tilespmem:$0x1C200] =	vst v63  }
0x3d4: {  	s6 =	simm.s32 @!p0 $0xF200  }
0x3d5: {  	[tilespmem:s6], [sflag:$0x4] =	stream.indirect_vreg.gather @!p0 [hbm4b:s21+s2], $0x80, v5, vm1, $0xb8;
	[tilespmem:$0x1C200] =	vst v63  }
0x3d6: {  	p1 =	sne.s32 @!p0 s31, $0x4;
	s6 =	simm.s32 @!p0 $0xFA00  }
0x3d7: {  	[tilespmem:s6], [sflag:$0x4] =	stream.indirect_vreg.gather @!p0 [hbm4b:s22+s2], $0x80, v5, vm1, $0xb8;
	[tilespmem:$0x1C200] =	vst v63  }
0x3d8: {  	p0 =	por p0, !p1  }
.Ltmp8:
0x3d9: {  	_ = 	snop;
	(pc) =	sbr.rel @!p0 .LBB2_2-.Ltmp8, $2  }
0x3da: {  	_ =	sdelay $0x2  }
0x3db: {  	s24 =	smov.u32 s31  }
0x3dc: {  	_ =	swait.ge [sflag:s28], $0x4000  }
0x3dd: {  	s6 =	rddreg [dreg:$0x14]  }
0x3de: {  	s2 =	rddreg [dreg:$0x10];
	s6 =	sadd.s32 $0x1, s6  }
0x3df: {  	p0 =	sne.s32 s6, s2  }
.Ltmp9:
0x3e0: {  	_ = 	snop;
	(pc) =	sbr.rel @p0 .LBB2_1-.Ltmp9, $3  }
0x3e1: {  	_ =	sdelay $0x1  }
0x3e2: {  	[sflag:s28] =	ssyncset.done $0x0  }
0x3e3: {  	[sflag:s28] =	ssyncadd.s32 $0xFFFFC000  }
0x3e4: {  	_ =	sfence.sel $0x180000  }
0x3e5: {  	[bflag:$0x0] =	sbarrier.arrive $0xFFFF  }
0x3e6: {  	_ =	strace $0x90000047  }
0x3e7: {  	s0 =	stileid.u32;
	[bflag:$0x2] =	sbarrier.arrive $0xFFFF  }
0x3e8: {  	p0 =	sne.s32 s0, $0x0;
	s0 =	rddreg [dreg:$0x4]  }
0x3e9: {  	s0 =	sadd.s32 @!p0 $0x100000, s0  }
0x3ea: {  	[sflag:s0] =	ssyncadd.tile.s32 @!p0 $0x1;
	_ =	shalt  }
.Lfunc_end2:
_tile_overlayer_lowered:
.L_overlay_start_2:
0x3eb: {  	(tag) =	ssettag $0x2  }
0x3ec: {  	s0 =	rddreg [dreg:$0x0];
	s2 =	stileid.u32  }
0x3ed: {  	s1 =	rddreg [dreg:$0x1];
	p0 =	sne.s32 s2, $0x0  }
0x3ee: {  	s3 =	rddreg [dreg:$0x2];
	[bflag:$0x3] =	sbarrier.arrive $0xFFFF;
	s2 =	simm.s32 @!p0 $0x1C09  }
0x3ef: {  	[timem:s3], [sflag:s2] =	dma.local @!p0 [hbm:s0], s1  }
0x3f0: {  	s0 =	simm.s32 @!p0 $0x9  }
0x3f1: {  	_ =	swait.ge @!p0 [sflag:s0], s1  }
0x3f2: {  	s1 =	ssub.s32 @!p0 $0x0, s1;
	[sflag:s0] =	ssyncset.done @!p0 $0x0  }
0x3f3: {  	[sflag:s0] =	ssyncadd.s32 @!p0 s1  }
0x3f4: {  	[bflag:$0x3] =	sbarrier.arrive $0xFFFF  }
0x3f5: {  	_ =	shalt  }

</sc_bundles>
